<compile_context>
chip_gen: v7x
topology: tpu7x:2x2x1
jax: 0.10.2.dev20260603
libtpu: 0.0.44.dev20260713+nightly
codegen_flags: <defaults>
</compile_context>

<pallas_src>
import functools

import jax
import jax.numpy as jnp
from jax import lax
from jax.experimental import pallas as pl
from jax.experimental.pallas import tpu as pltpu
from jax.experimental.pallas import tpu_sc as plsc

_N = 10000
_NP = 10240
_E = 320000
_TILES = 32
_CH = 80
_K = 128
_EP = _TILES * _CH * _K
_RPT = _NP // 16
_LANES = 16


def _mm_alpha_body(x_ref, w_ref, as_ref, ad_ref, h_ref, s_ref, d_ref):
    h = jnp.dot(x_ref[...], w_ref[...], preferred_element_type=jnp.float32)
    h_ref[...] = h
    s_ref[...] = jnp.sum(h * as_ref[...], axis=1)
    d_ref[...] = jnp.sum(h * ad_ref[...], axis=1)


def _mm_alpha(x, W, a_src, a_dst):
    H = W.shape[1]
    BM = 1024
    return pl.pallas_call(
        _mm_alpha_body,
        grid=(_NP // BM,),
        in_specs=[
            pl.BlockSpec((BM, W.shape[0]), lambda i: (i, 0)),
            pl.BlockSpec((W.shape[0], H), lambda i: (0, 0)),
            pl.BlockSpec((1, H), lambda i: (0, 0)),
            pl.BlockSpec((1, H), lambda i: (0, 0)),
        ],
        out_specs=[
            pl.BlockSpec((BM, H), lambda i: (i, 0)),
            pl.BlockSpec((BM,), lambda i: (i,)),
            pl.BlockSpec((BM,), lambda i: (i,)),
        ],
        out_shape=[
            jax.ShapeDtypeStruct((_NP, H), jnp.float32),
            jax.ShapeDtypeStruct((_NP,), jnp.float32),
            jax.ShapeDtypeStruct((_NP,), jnp.float32),
        ],
    )(x, W, a_src.reshape(1, H), a_dst.reshape(1, H))


def _sc_edge_body(D, h_hbm, asrc_hbm, adst_hbm, src_hbm, dst_hbm,
                  s_out, den_out,
                  src_v, dst_v, av_v, bv_v, ex_v, rows_v, zden_v,
                  s_sh, den_sh, sem, sem_h):
    cid = lax.axis_index("c")
    sid = lax.axis_index("s")
    t = cid * 16 + sid
    zeros16 = jnp.zeros((_LANES,), jnp.float32)

    def _zrow(i, carry):
        for g in range(D // _LANES):
            rows_v[i, pl.ds(g * _LANES, _LANES)] = zeros16
        return carry
    lax.fori_loop(0, _K, _zrow, 0)

    def _zden(i, carry):
        zden_v[pl.ds(i * _LANES, _LANES)] = zeros16
        return carry
    lax.fori_loop(0, _RPT // _LANES, _zden, 0)

    base = sid * _RPT
    pltpu.sync_copy(zden_v, den_sh.at[pl.ds(base, _RPT)])
    for j in range(_RPT // _K):
        pltpu.sync_copy(rows_v, s_sh.at[pl.ds(base + j * _K, _K)])

    pltpu.sync_copy(src_hbm.at[pl.ds(t * _CH, _CH)], src_v)
    pltpu.sync_copy(dst_hbm.at[pl.ds(t * _CH, _CH)], dst_v)

    plsc.subcore_barrier()

    def _chunk(c, carry):
        hcopy = pltpu.async_copy(h_hbm.at[src_v.at[c]], rows_v, sem_h)
        pltpu.async_copy(asrc_hbm.at[src_v.at[c]], av_v, sem).wait()
        pltpu.async_copy(adst_hbm.at[dst_v.at[c]], bv_v, sem).wait()

        for g in range(_K // _LANES):
            sl = pl.ds(g * _LANES, _LANES)
            al = av_v[sl] + bv_v[sl]
            al = jnp.where(al >= 0.0, al, al * jnp.float32(0.2))
            ex_v[sl] = jnp.exp(al)

        pltpu.sync_copy(ex_v, den_sh.at[dst_v.at[c]], add=True)
        hcopy.wait()

        def _scale(e, carry2):
            exs = plsc.load_gather(ex_v, [jnp.full((_LANES,), e, jnp.int32)])
            for g in range(D // _LANES):
                sl = pl.ds(g * _LANES, _LANES)
                rows_v[e, sl] = rows_v[e, sl] * exs
            return carry2
        lax.fori_loop(0, _K, _scale, 0)

        pltpu.sync_copy(rows_v, s_sh.at[dst_v.at[c]], add=True)
        return carry
    lax.fori_loop(0, _CH, _chunk, 0)

    plsc.subcore_barrier()

    for j in range(_RPT // _K):
        pltpu.sync_copy(s_sh.at[pl.ds(base + j * _K, _K)], rows_v)
        pltpu.sync_copy(rows_v, s_out.at[cid, pl.ds(base + j * _K, _K)])
    pltpu.sync_copy(den_sh.at[pl.ds(base, _RPT)], zden_v)
    pltpu.sync_copy(zden_v, den_out.at[cid, pl.ds(base, _RPT)])


def _sc_edge(h, asrc, adst, srcp, dstp):
    D = h.shape[1]
    mesh = plsc.VectorSubcoreMesh(core_axis_name="c", subcore_axis_name="s",
                                  num_cores=2, num_subcores=16)
    f = pl.kernel(
        functools.partial(_sc_edge_body, D),
        out_type=[
            jax.ShapeDtypeStruct((2, _NP, D), jnp.float32),
            jax.ShapeDtypeStruct((2, _NP), jnp.float32),
        ],
        mesh=mesh,
        compiler_params=pltpu.CompilerParams(needs_layout_passes=False),
        scratch_types=[
            pltpu.VMEM((_CH, _K), jnp.int32),
            pltpu.VMEM((_CH, _K), jnp.int32),
            pltpu.VMEM((_K,), jnp.float32),
            pltpu.VMEM((_K,), jnp.float32),
            pltpu.VMEM((_K,), jnp.float32),
            pltpu.VMEM((_K, D), jnp.float32),
            pltpu.VMEM((_RPT,), jnp.float32),
            pltpu.VMEM_SHARED((_NP, D), jnp.float32),
            pltpu.VMEM_SHARED((_NP,), jnp.float32),
            pltpu.SemaphoreType.DMA,
            pltpu.SemaphoreType.DMA,
        ],
    )
    return f(h, asrc, adst, srcp, dstp)


def _mid_body(N_total, s0_ref, s1_ref, d0_ref, d1_ref, b_ref, w_ref,
              as_ref, ad_ref, h_ref, sa_ref, da_ref):
    i = pl.program_id(0)
    BM = s0_ref.shape[0]
    den = d0_ref[...] + d1_ref[...] + jnp.float32(1e-16)
    h1 = (s0_ref[...] + s1_ref[...]) / den[:, None] + b_ref[...]
    h1 = jnp.maximum(h1, 0.0)
    ridx = lax.broadcasted_iota(jnp.int32, (BM, 1), 0) + i * BM
    h1 = jnp.where(ridx < N_total, h1, 0.0)
    h2 = jnp.dot(h1, w_ref[...], preferred_element_type=jnp.float32)
    h_ref[...] = h2
    sa_ref[...] = jnp.sum(h2 * as_ref[...], axis=1)
    da_ref[...] = jnp.sum(h2 * ad_ref[...], axis=1)


def _mid(s0, s1, d0, d1, b1, W2, a_src2, a_dst2):
    H = s0.shape[1]
    D = W2.shape[1]
    BM = 1024
    return pl.pallas_call(
        functools.partial(_mid_body, _N),
        grid=(_NP // BM,),
        in_specs=[
            pl.BlockSpec((BM, H), lambda i: (i, 0)),
            pl.BlockSpec((BM, H), lambda i: (i, 0)),
            pl.BlockSpec((BM,), lambda i: (i,)),
            pl.BlockSpec((BM,), lambda i: (i,)),
            pl.BlockSpec((1, H), lambda i: (0, 0)),
            pl.BlockSpec((H, D), lambda i: (0, 0)),
            pl.BlockSpec((1, D), lambda i: (0, 0)),
            pl.BlockSpec((1, D), lambda i: (0, 0)),
        ],
        out_specs=[
            pl.BlockSpec((BM, D), lambda i: (i, 0)),
            pl.BlockSpec((BM,), lambda i: (i,)),
            pl.BlockSpec((BM,), lambda i: (i,)),
        ],
        out_shape=[
            jax.ShapeDtypeStruct((_NP, D), jnp.float32),
            jax.ShapeDtypeStruct((_NP,), jnp.float32),
            jax.ShapeDtypeStruct((_NP,), jnp.float32),
        ],
    )(s0, s1, d0, d1, b1.reshape(1, H), W2,
      a_src2.reshape(1, D), a_dst2.reshape(1, D))


def _final_body(s0_ref, s1_ref, d0_ref, d1_ref, b_ref, o_ref):
    den = d0_ref[...] + d1_ref[...] + jnp.float32(1e-16)
    o = (s0_ref[...] + s1_ref[...]) / den[:, None] + b_ref[...]
    o_ref[...] = jnp.maximum(o, 0.0)


def _final(s0, s1, d0, d1, b2):
    D = s0.shape[1]
    BM = 1024
    return pl.pallas_call(
        _final_body,
        grid=(pl.cdiv(_N, BM),),
        in_specs=[
            pl.BlockSpec((BM, D), lambda i: (i, 0)),
            pl.BlockSpec((BM, D), lambda i: (i, 0)),
            pl.BlockSpec((BM,), lambda i: (i,)),
            pl.BlockSpec((BM,), lambda i: (i,)),
            pl.BlockSpec((1, D), lambda i: (0, 0)),
        ],
        out_specs=pl.BlockSpec((BM, D), lambda i: (i, 0)),
        out_shape=jax.ShapeDtypeStruct((_N, D), jnp.float32),
    )(s0, s1, d0, d1, b2.reshape(1, D))


def kernel(x, edge_index, weight, W1, att_src1, att_dst1, b1,
           W2, att_src2, att_dst2, b2):
    del weight
    pad_e = jnp.full((_EP - _E,), _NP - 1, jnp.int32)
    srcp = jnp.concatenate([edge_index[0], pad_e]).reshape(_TILES * _CH, _K)
    dstp = jnp.concatenate([edge_index[1], pad_e]).reshape(_TILES * _CH, _K)
    x_p = jnp.pad(x, ((0, _NP - _N), (0, 0)))

    h1, as1, ad1 = _mm_alpha(x_p, W1, att_src1, att_dst1)
    S1, den1 = _sc_edge(h1, as1, ad1, srcp, dstp)
    W2p = jnp.pad(W2, ((0, 0), (0, 128 - W2.shape[1])))
    as2p = jnp.pad(att_src2, (0, 128 - att_src2.shape[0]))
    ad2p = jnp.pad(att_dst2, (0, 128 - att_dst2.shape[0]))
    h2, as2, ad2 = _mid(S1[0], S1[1], den1[0], den1[1], b1, W2p, as2p, ad2p)
    S2, den2 = _sc_edge(h2, as2, ad2, srcp, dstp)
    D2 = W2.shape[1]
    return _final(S2[0][:, :D2], S2[1][:, :D2], den2[0], den2[1], b2)

# --- scband reference (transcript-rebuilt; emitter-appended) ---
"""Pipeline reference for scband-gatencoder-48876727828950 (READ-ONLY COPY).

The authoritative reference and input builder live on the scoring server;
editing this copy changes nothing except your own understanding.
"""

import jax, jax.numpy as jnp
import numpy as np

N = 10000
E = 320000
D_IN = 128
H1 = 128
D_OUT = 64


def setup_inputs(seed: int = 0) -> dict:
    key = jax.random.key(seed)
    ks = jax.random.split(key, 12)
    x = jax.random.normal(ks[0], (N, D_IN), dtype=jnp.float32)
    edge_index = jax.random.randint(ks[1], (2, E), 0, N, dtype=jnp.int32)
    weight = jax.random.uniform(ks[2], (E,), dtype=jnp.float32)
    # GATConv layer 1: input_size=128 -> hidden=128 (heads=1)
    W1 = jax.random.normal(ks[3], (D_IN, H1), dtype=jnp.float32) * (1.0 / np.sqrt(D_IN))
    att_src1 = jax.random.normal(ks[4], (H1,), dtype=jnp.float32) * 0.1
    att_dst1 = jax.random.normal(ks[5], (H1,), dtype=jnp.float32) * 0.1
    b1 = jnp.zeros((H1,), dtype=jnp.float32)
    # GATConv layer 2: hidden=128 -> latent=64 (heads=1)
    W2 = jax.random.normal(ks[6], (H1, D_OUT), dtype=jnp.float32) * (1.0 / np.sqrt(H1))
    att_src2 = jax.random.normal(ks[7], (D_OUT,), dtype=jnp.float32) * 0.1
    att_dst2 = jax.random.normal(ks[8], (D_OUT,), dtype=jnp.float32) * 0.1
    b2 = jnp.zeros((D_OUT,), dtype=jnp.float32)
    return {"x": x, "edge_index": edge_index, "weight": weight,
            "W1": W1, "att_src1": att_src1, "att_dst1": att_dst1, "b1": b1,
            "W2": W2, "att_src2": att_src2, "att_dst2": att_dst2, "b2": b2}


def _gat_conv(x, src, dst, W, a_src, a_dst, b):
    # h = x @ W (single head, concat=True with heads=1)
    h = x @ W
    alpha_src = (h * a_src).sum(-1)  # [N]
    alpha_dst = (h * a_dst).sum(-1)  # [N]
    alpha = alpha_src[src] + alpha_dst[dst]  # [E]
    alpha = jax.nn.leaky_relu(alpha, 0.2)
    # softmax over incoming edges of each dst node
    amax = jax.ops.segment_max(alpha, dst, num_segments=N)
    amax = jax.lax.stop_gradient(amax)
    ex = jnp.exp(alpha - amax[dst])
    denom = jax.ops.segment_sum(ex, dst, num_segments=N)
    coef = ex / (denom[dst] + 1e-16)
    out = jax.ops.segment_sum(h[src] * coef[:, None], dst, num_segments=N)
    return out + b


def reference(x, edge_index, weight, W1, att_src1, att_dst1, b1, W2, att_src2, att_dst2, b2):
    # `weight` is accepted by GATEncoder.forward but GATConv (edge_dim=None)
    # does not use scalar edge weights in its attention computation.
    src = edge_index[0]
    dst = edge_index[1]
    h = _gat_conv(x, src, dst, W1, att_src1, att_dst1, b1)
    h = jax.nn.relu(h)  # Dropout(p=0.2) is identity in eval mode
    h = _gat_conv(h, src, dst, W2, att_src2, att_dst2, b2)
    h = jax.nn.relu(h)
    return h

if __name__ == "__main__":
    import jax
    _d = setup_inputs()
    print(jax.jit(kernel)(*tuple(_d.values())))

</pallas_src>

<mosaic_0001>
#map = affine_map<(d0, d1) -> (0, 0)>
#map1 = affine_map<(d0, d1) -> (0)>
#map2 = affine_map<(d0, d1) -> (0, 0, 0)>
module attributes {stable_mosaic.version = 14 : i64} {
  func.func @_sc_edge_body(%arg0: i32, %arg1: i32, %arg2: memref<10240x128xf32, #tpu.memory_space<hbm>>, %arg3: memref<10240xf32, #tpu.memory_space<hbm>>, %arg4: memref<10240xf32, #tpu.memory_space<hbm>>, %arg5: memref<2560x128xi32, #tpu.memory_space<hbm>>, %arg6: memref<2560x128xi32, #tpu.memory_space<hbm>>, %arg7: memref<2x10240x128xf32, #tpu.memory_space<hbm>>, %arg8: memref<2x10240xf32, #tpu.memory_space<hbm>>, %arg9: memref<80x128xi32, #tpu.memory_space<vmem>>, %arg10: memref<80x128xi32, #tpu.memory_space<vmem>>, %arg11: memref<128xf32, #tpu.memory_space<vmem>>, %arg12: memref<128xf32, #tpu.memory_space<vmem>>, %arg13: memref<128xf32, #tpu.memory_space<vmem>>, %arg14: memref<128x128xf32, #tpu.memory_space<vmem>>, %arg15: memref<640xf32, #tpu.memory_space<vmem>>, %arg16: memref<10240x128xf32, #tpu.memory_space<vmem_shared>>, %arg17: memref<10240xf32, #tpu.memory_space<vmem_shared>>, %arg18: memref<!tpu.dma_semaphore, #tpu.memory_space<semaphore_mem>>, %arg19: memref<!tpu.dma_semaphore, #tpu.memory_space<semaphore_mem>>) attributes {dimension_semantics = [#tpu.dimension_semantics<core_parallel>, #tpu.dimension_semantics<subcore_parallel>], iteration_bounds = array<i64: 2, 16>, scalar_prefetch = 0 : i64, scratch_operands = 11 : i64, tpu.core_type = #tpu.core_type<sc_vector_subcore>, window_params = [{transform_indices = #map}, {transform_indices = #map1}, {transform_indices = #map1}, {transform_indices = #map}, {transform_indices = #map}, {transform_indices = #map2}, {transform_indices = #map}]} {
    %mul3A = arith.constant 16 : i32
    %mul3A_0 = arith.muli %arg0, %mul3A : i32
    %add3A = arith.addi %mul3A_0, %arg1 : i32
    %broadcast_in_dim3A = arith.constant 0.000000e+00 : f32
    %broadcast_in_dim3A_1 = vector.broadcast %broadcast_in_dim3A : f32 to vector<16xf32>
    %scan3A = arith.constant 0 : i32
    %scan3A_2 = arith.constant 0 : i32
    %scan3A_3 = arith.constant 128 : i32
    %scan3A_4 = arith.addi %scan3A_2, %scan3A_3 : i32
    %scan3A_5 = arith.constant 1 : i32
    scf.for %scan3A_56 = %scan3A_2 to %scan3A_4 step %scan3A_5  : i32 {
      %swap3A = arith.index_cast %scan3A_56 : i32 to index
      %swap3A_57 = arith.constant 0 : index
      %swap3A_58 = tpu.vector_load %arg14[%swap3A, %swap3A_57] {strides = array<i32>} : memref<128x128xf32, #tpu.memory_space<vmem>>, vector<16xf32>,
      tpu.vector_store %arg14[%swap3A, %swap3A_57], %broadcast_in_dim3A_1 {strides = array<i32>} : memref<128x128xf32, #tpu.memory_space<vmem>>, vector<16xf32>,
      %swap3A_59 = arith.index_cast %scan3A_56 : i32 to index
      %swap3A_60 = arith.constant 16 : index
      %swap3A_61 = tpu.vector_load %arg14[%swap3A_59, %swap3A_60] {strides = array<i32>} : memref<128x128xf32, #tpu.memory_space<vmem>>, vector<16xf32>,
      tpu.vector_store %arg14[%swap3A_59, %swap3A_60], %broadcast_in_dim3A_1 {strides = array<i32>} : memref<128x128xf32, #tpu.memory_space<vmem>>, vector<16xf32>,
      %swap3A_62 = arith.index_cast %scan3A_56 : i32 to index
      %swap3A_63 = arith.constant 32 : index
      %swap3A_64 = tpu.vector_load %arg14[%swap3A_62, %swap3A_63] {strides = array<i32>} : memref<128x128xf32, #tpu.memory_space<vmem>>, vector<16xf32>,
      tpu.vector_store %arg14[%swap3A_62, %swap3A_63], %broadcast_in_dim3A_1 {strides = array<i32>} : memref<128x128xf32, #tpu.memory_space<vmem>>, vector<16xf32>,
      %swap3A_65 = arith.index_cast %scan3A_56 : i32 to index
      %swap3A_66 = arith.constant 48 : index
      %swap3A_67 = tpu.vector_load %arg14[%swap3A_65, %swap3A_66] {strides = array<i32>} : memref<128x128xf32, #tpu.memory_space<vmem>>, vector<16xf32>,
      tpu.vector_store %arg14[%swap3A_65, %swap3A_66], %broadcast_in_dim3A_1 {strides = array<i32>} : memref<128x128xf32, #tpu.memory_space<vmem>>, vector<16xf32>,
      %swap3A_68 = arith.index_cast %scan3A_56 : i32 to index
      %swap3A_69 = arith.constant 64 : index
      %swap3A_70 = tpu.vector_load %arg14[%swap3A_68, %swap3A_69] {strides = array<i32>} : memref<128x128xf32, #tpu.memory_space<vmem>>, vector<16xf32>,
      tpu.vector_store %arg14[%swap3A_68, %swap3A_69], %broadcast_in_dim3A_1 {strides = array<i32>} : memref<128x128xf32, #tpu.memory_space<vmem>>, vector<16xf32>,
      %swap3A_71 = arith.index_cast %scan3A_56 : i32 to index
      %swap3A_72 = arith.constant 80 : index
      %swap3A_73 = tpu.vector_load %arg14[%swap3A_71, %swap3A_72] {strides = array<i32>} : memref<128x128xf32, #tpu.memory_space<vmem>>, vector<16xf32>,
      tpu.vector_store %arg14[%swap3A_71, %swap3A_72], %broadcast_in_dim3A_1 {strides = array<i32>} : memref<128x128xf32, #tpu.memory_space<vmem>>, vector<16xf32>,
      %swap3A_74 = arith.index_cast %scan3A_56 : i32 to index
      %swap3A_75 = arith.constant 96 : index
      %swap3A_76 = tpu.vector_load %arg14[%swap3A_74, %swap3A_75] {strides = array<i32>} : memref<128x128xf32, #tpu.memory_space<vmem>>, vector<16xf32>,
      tpu.vector_store %arg14[%swap3A_74, %swap3A_75], %broadcast_in_dim3A_1 {strides = array<i32>} : memref<128x128xf32, #tpu.memory_space<vmem>>, vector<16xf32>,
      %swap3A_77 = arith.index_cast %scan3A_56 : i32 to index
      %swap3A_78 = arith.constant 112 : index
      %swap3A_79 = tpu.vector_load %arg14[%swap3A_77, %swap3A_78] {strides = array<i32>} : memref<128x128xf32, #tpu.memory_space<vmem>>, vector<16xf32>,
      tpu.vector_store %arg14[%swap3A_77, %swap3A_78], %broadcast_in_dim3A_1 {strides = array<i32>} : memref<128x128xf32, #tpu.memory_space<vmem>>, vector<16xf32>,
    }
    %scan3A_6 = arith.constant 128 : i32
    %scan3A_7 = arith.constant 0 : i32
    %scan3A_8 = arith.constant 0 : i32
    %scan3A_9 = arith.constant 40 : i32
    %scan3A_10 = arith.addi %scan3A_8, %scan3A_9 : i32
    %scan3A_11 = arith.constant 1 : i32
    scf.for %scan3A_56 = %scan3A_8 to %scan3A_10 step %scan3A_11  : i32 {
      %mul3A_57 = arith.constant 16 : i32
      %mul3A_58 = arith.muli %scan3A_56, %mul3A_57 : i32
      %swap3A = arith.index_cast %mul3A_58 : i32 to index
      %swap3A_59 = tpu.vector_load %arg15[%swap3A] {strides = array<i32>} : memref<640xf32, #tpu.memory_space<vmem>>, vector<16xf32>,
      tpu.vector_store %arg15[%swap3A], %broadcast_in_dim3A_1 {strides = array<i32>} : memref<640xf32, #tpu.memory_space<vmem>>, vector<16xf32>,
    }
    %scan3A_12 = arith.constant 40 : i32
    %mul3A_13 = arith.constant 640 : i32
    %mul3A_14 = arith.muli %arg1, %mul3A_13 : i32
    "tpu.region"() ({
      %run_scoped3A = tpu.sem_alloc : memref<!tpu.dma_semaphore, #tpu.memory_space<semaphore_mem>>
      %dma_start3A = tpu.memref_slice %arg17[%mul3A_14] : memref<10240xf32, #tpu.memory_space<vmem_shared>> -> memref<640xf32, #tpu.memory_space<vmem_shared>>
      %dma_start3A_56 = tpu.memref_slice %arg17[%mul3A_14] : memref<10240xf32, #tpu.memory_space<vmem_shared>> -> memref<640xf32, #tpu.memory_space<vmem_shared>>
      tpu.enqueue_dma source(%arg15 : memref<640xf32, #tpu.memory_space<vmem>>) target(%dma_start3A_56 : memref<640xf32, #tpu.memory_space<vmem_shared>>) target_semaphore(%run_scoped3A : memref<!tpu.dma_semaphore, #tpu.memory_space<semaphore_mem>>)
      %dma_wait3A = tpu.memref_slice %arg17[%mul3A_14] : memref<10240xf32, #tpu.memory_space<vmem_shared>> -> memref<640xf32, #tpu.memory_space<vmem_shared>>
      %dma_wait3A_57 = tpu.memref_slice %arg17[%mul3A_14] : memref<10240xf32, #tpu.memory_space<vmem_shared>> -> memref<640xf32, #tpu.memory_space<vmem_shared>>
      tpu.wait_dma2 semaphore(%run_scoped3A : memref<!tpu.dma_semaphore, #tpu.memory_space<semaphore_mem>>) src(%arg15 : memref<640xf32, #tpu.memory_space<vmem>>) dst(%dma_wait3A_57 : memref<640xf32, #tpu.memory_space<vmem_shared>>)
      tpu.yield
    }) : () -> ()
    %add3A_15 = arith.constant 0 : i32
    %add3A_16 = arith.addi %mul3A_14, %add3A_15 : i32
    "tpu.region"() ({
      %run_scoped3A = tpu.sem_alloc : memref<!tpu.dma_semaphore, #tpu.memory_space<semaphore_mem>>
      %dma_start3A = arith.constant 0 : i32
      %dma_start3A_56 = tpu.memref_slice %arg16[%add3A_16, %dma_start3A] : memref<10240x128xf32, #tpu.memory_space<vmem_shared>> -> memref<128x128xf32, #tpu.memory_space<vmem_shared>>
      %dma_start3A_57 = arith.constant 0 : i32
      %dma_start3A_58 = tpu.memref_slice %arg16[%add3A_16, %dma_start3A_57] : memref<10240x128xf32, #tpu.memory_space<vmem_shared>> -> memref<128x128xf32, #tpu.memory_space<vmem_shared>>
      tpu.enqueue_dma source(%arg14 : memref<128x128xf32, #tpu.memory_space<vmem>>) target(%dma_start3A_58 : memref<128x128xf32, #tpu.memory_space<vmem_shared>>) target_semaphore(%run_scoped3A : memref<!tpu.dma_semaphore, #tpu.memory_space<semaphore_mem>>)
      %dma_wait3A = arith.constant 0 : i32
      %dma_wait3A_59 = tpu.memref_slice %arg16[%add3A_16, %dma_wait3A] : memref<10240x128xf32, #tpu.memory_space<vmem_shared>> -> memref<128x128xf32, #tpu.memory_space<vmem_shared>>
      %dma_wait3A_60 = arith.constant 0 : i32
      %dma_wait3A_61 = tpu.memref_slice %arg16[%add3A_16, %dma_wait3A_60] : memref<10240x128xf32, #tpu.memory_space<vmem_shared>> -> memref<128x128xf32, #tpu.memory_space<vmem_shared>>
      tpu.wait_dma2 semaphore(%run_scoped3A : memref<!tpu.dma_semaphore, #tpu.memory_space<semaphore_mem>>) src(%arg14 : memref<128x128xf32, #tpu.memory_space<vmem>>) dst(%dma_wait3A_61 : memref<128x128xf32, #tpu.memory_space<vmem_shared>>)
      tpu.yield
    }) : () -> ()
    %add3A_17 = arith.constant 128 : i32
    %add3A_18 = arith.addi %mul3A_14, %add3A_17 : i32
    "tpu.region"() ({
      %run_scoped3A = tpu.sem_alloc : memref<!tpu.dma_semaphore, #tpu.memory_space<semaphore_mem>>
      %dma_start3A = arith.constant 0 : i32
      %dma_start3A_56 = tpu.memref_slice %arg16[%add3A_18, %dma_start3A] : memref<10240x128xf32, #tpu.memory_space<vmem_shared>> -> memref<128x128xf32, #tpu.memory_space<vmem_shared>>
      %dma_start3A_57 = arith.constant 0 : i32
      %dma_start3A_58 = tpu.memref_slice %arg16[%add3A_18, %dma_start3A_57] : memref<10240x128xf32, #tpu.memory_space<vmem_shared>> -> memref<128x128xf32, #tpu.memory_space<vmem_shared>>
      tpu.enqueue_dma source(%arg14 : memref<128x128xf32, #tpu.memory_space<vmem>>) target(%dma_start3A_58 : memref<128x128xf32, #tpu.memory_space<vmem_shared>>) target_semaphore(%run_scoped3A : memref<!tpu.dma_semaphore, #tpu.memory_space<semaphore_mem>>)
      %dma_wait3A = arith.constant 0 : i32
      %dma_wait3A_59 = tpu.memref_slice %arg16[%add3A_18, %dma_wait3A] : memref<10240x128xf32, #tpu.memory_space<vmem_shared>> -> memref<128x128xf32, #tpu.memory_space<vmem_shared>>
      %dma_wait3A_60 = arith.constant 0 : i32
      %dma_wait3A_61 = tpu.memref_slice %arg16[%add3A_18, %dma_wait3A_60] : memref<10240x128xf32, #tpu.memory_space<vmem_shared>> -> memref<128x128xf32, #tpu.memory_space<vmem_shared>>
      tpu.wait_dma2 semaphore(%run_scoped3A : memref<!tpu.dma_semaphore, #tpu.memory_space<semaphore_mem>>) src(%arg14 : memref<128x128xf32, #tpu.memory_space<vmem>>) dst(%dma_wait3A_61 : memref<128x128xf32, #tpu.memory_space<vmem_shared>>)
      tpu.yield
    }) : () -> ()
    %add3A_19 = arith.constant 256 : i32
    %add3A_20 = arith.addi %mul3A_14, %add3A_19 : i32
    "tpu.region"() ({
      %run_scoped3A = tpu.sem_alloc : memref<!tpu.dma_semaphore, #tpu.memory_space<semaphore_mem>>
      %dma_start3A = arith.constant 0 : i32
      %dma_start3A_56 = tpu.memref_slice %arg16[%add3A_20, %dma_start3A] : memref<10240x128xf32, #tpu.memory_space<vmem_shared>> -> memref<128x128xf32, #tpu.memory_space<vmem_shared>>
      %dma_start3A_57 = arith.constant 0 : i32
      %dma_start3A_58 = tpu.memref_slice %arg16[%add3A_20, %dma_start3A_57] : memref<10240x128xf32, #tpu.memory_space<vmem_shared>> -> memref<128x128xf32, #tpu.memory_space<vmem_shared>>
      tpu.enqueue_dma source(%arg14 : memref<128x128xf32, #tpu.memory_space<vmem>>) target(%dma_start3A_58 : memref<128x128xf32, #tpu.memory_space<vmem_shared>>) target_semaphore(%run_scoped3A : memref<!tpu.dma_semaphore, #tpu.memory_space<semaphore_mem>>)
      %dma_wait3A = arith.constant 0 : i32
      %dma_wait3A_59 = tpu.memref_slice %arg16[%add3A_20, %dma_wait3A] : memref<10240x128xf32, #tpu.memory_space<vmem_shared>> -> memref<128x128xf32, #tpu.memory_space<vmem_shared>>
      %dma_wait3A_60 = arith.constant 0 : i32
      %dma_wait3A_61 = tpu.memref_slice %arg16[%add3A_20, %dma_wait3A_60] : memref<10240x128xf32, #tpu.memory_space<vmem_shared>> -> memref<128x128xf32, #tpu.memory_space<vmem_shared>>
      tpu.wait_dma2 semaphore(%run_scoped3A : memref<!tpu.dma_semaphore, #tpu.memory_space<semaphore_mem>>) src(%arg14 : memref<128x128xf32, #tpu.memory_space<vmem>>) dst(%dma_wait3A_61 : memref<128x128xf32, #tpu.memory_space<vmem_shared>>)
      tpu.yield
    }) : () -> ()
    %add3A_21 = arith.constant 384 : i32
    %add3A_22 = arith.addi %mul3A_14, %add3A_21 : i32
    "tpu.region"() ({
      %run_scoped3A = tpu.sem_alloc : memref<!tpu.dma_semaphore, #tpu.memory_space<semaphore_mem>>
      %dma_start3A = arith.constant 0 : i32
      %dma_start3A_56 = tpu.memref_slice %arg16[%add3A_22, %dma_start3A] : memref<10240x128xf32, #tpu.memory_space<vmem_shared>> -> memref<128x128xf32, #tpu.memory_space<vmem_shared>>
      %dma_start3A_57 = arith.constant 0 : i32
      %dma_start3A_58 = tpu.memref_slice %arg16[%add3A_22, %dma_start3A_57] : memref<10240x128xf32, #tpu.memory_space<vmem_shared>> -> memref<128x128xf32, #tpu.memory_space<vmem_shared>>
      tpu.enqueue_dma source(%arg14 : memref<128x128xf32, #tpu.memory_space<vmem>>) target(%dma_start3A_58 : memref<128x128xf32, #tpu.memory_space<vmem_shared>>) target_semaphore(%run_scoped3A : memref<!tpu.dma_semaphore, #tpu.memory_space<semaphore_mem>>)
      %dma_wait3A = arith.constant 0 : i32
      %dma_wait3A_59 = tpu.memref_slice %arg16[%add3A_22, %dma_wait3A] : memref<10240x128xf32, #tpu.memory_space<vmem_shared>> -> memref<128x128xf32, #tpu.memory_space<vmem_shared>>
      %dma_wait3A_60 = arith.constant 0 : i32
      %dma_wait3A_61 = tpu.memref_slice %arg16[%add3A_22, %dma_wait3A_60] : memref<10240x128xf32, #tpu.memory_space<vmem_shared>> -> memref<128x128xf32, #tpu.memory_space<vmem_shared>>
      tpu.wait_dma2 semaphore(%run_scoped3A : memref<!tpu.dma_semaphore, #tpu.memory_space<semaphore_mem>>) src(%arg14 : memref<128x128xf32, #tpu.memory_space<vmem>>) dst(%dma_wait3A_61 : memref<128x128xf32, #tpu.memory_space<vmem_shared>>)
      tpu.yield
    }) : () -> ()
    %add3A_23 = arith.constant 512 : i32
    %add3A_24 = arith.addi %mul3A_14, %add3A_23 : i32
    "tpu.region"() ({
      %run_scoped3A = tpu.sem_alloc : memref<!tpu.dma_semaphore, #tpu.memory_space<semaphore_mem>>
      %dma_start3A = arith.constant 0 : i32
      %dma_start3A_56 = tpu.memref_slice %arg16[%add3A_24, %dma_start3A] : memref<10240x128xf32, #tpu.memory_space<vmem_shared>> -> memref<128x128xf32, #tpu.memory_space<vmem_shared>>
      %dma_start3A_57 = arith.constant 0 : i32
      %dma_start3A_58 = tpu.memref_slice %arg16[%add3A_24, %dma_start3A_57] : memref<10240x128xf32, #tpu.memory_space<vmem_shared>> -> memref<128x128xf32, #tpu.memory_space<vmem_shared>>
      tpu.enqueue_dma source(%arg14 : memref<128x128xf32, #tpu.memory_space<vmem>>) target(%dma_start3A_58 : memref<128x128xf32, #tpu.memory_space<vmem_shared>>) target_semaphore(%run_scoped3A : memref<!tpu.dma_semaphore, #tpu.memory_space<semaphore_mem>>)
      %dma_wait3A = arith.constant 0 : i32
      %dma_wait3A_59 = tpu.memref_slice %arg16[%add3A_24, %dma_wait3A] : memref<10240x128xf32, #tpu.memory_space<vmem_shared>> -> memref<128x128xf32, #tpu.memory_space<vmem_shared>>
      %dma_wait3A_60 = arith.constant 0 : i32
      %dma_wait3A_61 = tpu.memref_slice %arg16[%add3A_24, %dma_wait3A_60] : memref<10240x128xf32, #tpu.memory_space<vmem_shared>> -> memref<128x128xf32, #tpu.memory_space<vmem_shared>>
      tpu.wait_dma2 semaphore(%run_scoped3A : memref<!tpu.dma_semaphore, #tpu.memory_space<semaphore_mem>>) src(%arg14 : memref<128x128xf32, #tpu.memory_space<vmem>>) dst(%dma_wait3A_61 : memref<128x128xf32, #tpu.memory_space<vmem_shared>>)
      tpu.yield
    }) : () -> ()
    %mul3A_25 = arith.constant 80 : i32
    %mul3A_26 = arith.muli %add3A, %mul3A_25 : i32
    "tpu.region"() ({
      %run_scoped3A = tpu.sem_alloc : memref<!tpu.dma_semaphore, #tpu.memory_space<semaphore_mem>>
      %dma_start3A = arith.constant 0 : i32
      %dma_start3A_56 = tpu.memref_slice %arg5[%mul3A_26, %dma_start3A] : memref<2560x128xi32, #tpu.memory_space<hbm>> -> memref<80x128xi32, #tpu.memory_space<hbm>>
      %dma_start3A_57 = arith.constant 0 : i32
      %dma_start3A_58 = tpu.memref_slice %arg5[%mul3A_26, %dma_start3A_57] : memref<2560x128xi32, #tpu.memory_space<hbm>> -> memref<80x128xi32, #tpu.memory_space<hbm>>
      tpu.enqueue_dma source(%dma_start3A_58 : memref<80x128xi32, #tpu.memory_space<hbm>>) target(%arg9 : memref<80x128xi32, #tpu.memory_space<vmem>>) target_semaphore(%run_scoped3A : memref<!tpu.dma_semaphore, #tpu.memory_space<semaphore_mem>>)
      %dma_wait3A = arith.constant 0 : i32
      %dma_wait3A_59 = tpu.memref_slice %arg5[%mul3A_26, %dma_wait3A] : memref<2560x128xi32, #tpu.memory_space<hbm>> -> memref<80x128xi32, #tpu.memory_space<hbm>>
      %dma_wait3A_60 = arith.constant 0 : i32
      %dma_wait3A_61 = tpu.memref_slice %arg5[%mul3A_26, %dma_wait3A_60] : memref<2560x128xi32, #tpu.memory_space<hbm>> -> memref<80x128xi32, #tpu.memory_space<hbm>>
      tpu.wait_dma2 semaphore(%run_scoped3A : memref<!tpu.dma_semaphore, #tpu.memory_space<semaphore_mem>>) src(%dma_wait3A_61 : memref<80x128xi32, #tpu.memory_space<hbm>>) dst(%arg9 : memref<80x128xi32, #tpu.memory_space<vmem>>)
      tpu.yield
    }) : () -> ()
    %mul3A_27 = arith.constant 80 : i32
    %mul3A_28 = arith.muli %add3A, %mul3A_27 : i32
    "tpu.region"() ({
      %run_scoped3A = tpu.sem_alloc : memref<!tpu.dma_semaphore, #tpu.memory_space<semaphore_mem>>
      %dma_start3A = arith.constant 0 : i32
      %dma_start3A_56 = tpu.memref_slice %arg6[%mul3A_28, %dma_start3A] : memref<2560x128xi32, #tpu.memory_space<hbm>> -> memref<80x128xi32, #tpu.memory_space<hbm>>
      %dma_start3A_57 = arith.constant 0 : i32
      %dma_start3A_58 = tpu.memref_slice %arg6[%mul3A_28, %dma_start3A_57] : memref<2560x128xi32, #tpu.memory_space<hbm>> -> memref<80x128xi32, #tpu.memory_space<hbm>>
      tpu.enqueue_dma source(%dma_start3A_58 : memref<80x128xi32, #tpu.memory_space<hbm>>) target(%arg10 : memref<80x128xi32, #tpu.memory_space<vmem>>) target_semaphore(%run_scoped3A : memref<!tpu.dma_semaphore, #tpu.memory_space<semaphore_mem>>)
      %dma_wait3A = arith.constant 0 : i32
      %dma_wait3A_59 = tpu.memref_slice %arg6[%mul3A_28, %dma_wait3A] : memref<2560x128xi32, #tpu.memory_space<hbm>> -> memref<80x128xi32, #tpu.memory_space<hbm>>
      %dma_wait3A_60 = arith.constant 0 : i32
      %dma_wait3A_61 = tpu.memref_slice %arg6[%mul3A_28, %dma_wait3A_60] : memref<2560x128xi32, #tpu.memory_space<hbm>> -> memref<80x128xi32, #tpu.memory_space<hbm>>
      tpu.wait_dma2 semaphore(%run_scoped3A : memref<!tpu.dma_semaphore, #tpu.memory_space<semaphore_mem>>) src(%dma_wait3A_61 : memref<80x128xi32, #tpu.memory_space<hbm>>) dst(%arg10 : memref<80x128xi32, #tpu.memory_space<vmem>>)
      tpu.yield
    }) : () -> ()
    %barrier3A = arith.constant 0 : index
    tpu.barrier barrier_id(%barrier3A)
    %scan3A_29 = arith.constant 0 : i32
    %scan3A_30 = arith.constant 0 : i32
    %scan3A_31 = arith.constant 80 : i32
    %scan3A_32 = arith.addi %scan3A_30, %scan3A_31 : i32
    %scan3A_33 = arith.constant 1 : i32
    scf.for %scan3A_56 = %scan3A_30 to %scan3A_32 step %scan3A_33  : i32 {
      %dma_start3A = arith.constant 0 : i32
      %dma_start3A_57 = tpu.memref_slice %arg9[%scan3A_56, %dma_start3A] : memref<80x128xi32, #tpu.memory_space<vmem>> -> memref<1x128xi32, #tpu.memory_space<vmem>>
      %dma_start3A_58 = tpu.memref_squeeze %dma_start3A_57 : memref<1x128xi32, #tpu.memory_space<vmem>> -> memref<128xi32, #tpu.memory_space<vmem>>
      %dma_start3A_59 = arith.constant 0 : i32
      %dma_start3A_60 = arith.constant 0 : i32
      %dma_start3A_61 = tpu.memref_slice %arg2[%dma_start3A_59, %dma_start3A_60] : memref<10240x128xf32, #tpu.memory_space<hbm>> -> memref<10240x128xf32, #tpu.memory_space<hbm>>
      tpu.enqueue_indirect_dma source(%dma_start3A_61 : memref<10240x128xf32, #tpu.memory_space<hbm>>) target(%arg14 : memref<128x128xf32, #tpu.memory_space<vmem>>) offsets(%dma_start3A_58 : memref<128xi32, #tpu.memory_space<vmem>>) semaphore(%arg19 : memref<!tpu.dma_semaphore, #tpu.memory_space<semaphore_mem>>)
      %dma_start3A_62 = arith.constant 0 : i32
      %dma_start3A_63 = tpu.memref_slice %arg9[%scan3A_56, %dma_start3A_62] : memref<80x128xi32, #tpu.memory_space<vmem>> -> memref<1x128xi32, #tpu.memory_space<vmem>>
      %dma_start3A_64 = tpu.memref_squeeze %dma_start3A_63 : memref<1x128xi32, #tpu.memory_space<vmem>> -> memref<128xi32, #tpu.memory_space<vmem>>
      %dma_start3A_65 = arith.constant 0 : i32
      %dma_start3A_66 = tpu.memref_slice %arg3[%dma_start3A_65] : memref<10240xf32, #tpu.memory_space<hbm>> -> memref<10240xf32, #tpu.memory_space<hbm>>
      tpu.enqueue_indirect_dma source(%dma_start3A_66 : memref<10240xf32, #tpu.memory_space<hbm>>) target(%arg11 : memref<128xf32, #tpu.memory_space<vmem>>) offsets(%dma_start3A_64 : memref<128xi32, #tpu.memory_space<vmem>>) semaphore(%arg18 : memref<!tpu.dma_semaphore, #tpu.memory_space<semaphore_mem>>)
      %dma_wait3A = arith.constant 0 : i32
      %dma_wait3A_67 = tpu.memref_slice %arg9[%scan3A_56, %dma_wait3A] : memref<80x128xi32, #tpu.memory_space<vmem>> -> memref<1x128xi32, #tpu.memory_space<vmem>>
      %dma_wait3A_68 = tpu.memref_squeeze %dma_wait3A_67 : memref<1x128xi32, #tpu.memory_space<vmem>> -> memref<128xi32, #tpu.memory_space<vmem>>
      %dma_wait3A_69 = arith.constant 0 : i32
      %dma_wait3A_70 = tpu.memref_slice %arg3[%dma_wait3A_69] : memref<10240xf32, #tpu.memory_space<hbm>> -> memref<10240xf32, #tpu.memory_space<hbm>>
      tpu.wait_indirect_dma semaphore(%arg18 : memref<!tpu.dma_semaphore, #tpu.memory_space<semaphore_mem>>) src(%dma_wait3A_70 : memref<10240xf32, #tpu.memory_space<hbm>>) dst(%arg11 : memref<128xf32, #tpu.memory_space<vmem>>)
      %dma_start3A_71 = arith.constant 0 : i32
      %dma_start3A_72 = tpu.memref_slice %arg10[%scan3A_56, %dma_start3A_71] : memref<80x128xi32, #tpu.memory_space<vmem>> -> memref<1x128xi32, #tpu.memory_space<vmem>>
      %dma_start3A_73 = tpu.memref_squeeze %dma_start3A_72 : memref<1x128xi32, #tpu.memory_space<vmem>> -> memref<128xi32, #tpu.memory_space<vmem>>
      %dma_start3A_74 = arith.constant 0 : i32
      %dma_start3A_75 = tpu.memref_slice %arg4[%dma_start3A_74] : memref<10240xf32, #tpu.memory_space<hbm>> -> memref<10240xf32, #tpu.memory_space<hbm>>
      tpu.enqueue_indirect_dma source(%dma_start3A_75 : memref<10240xf32, #tpu.memory_space<hbm>>) target(%arg12 : memref<128xf32, #tpu.memory_space<vmem>>) offsets(%dma_start3A_73 : memref<128xi32, #tpu.memory_space<vmem>>) semaphore(%arg18 : memref<!tpu.dma_semaphore, #tpu.memory_space<semaphore_mem>>)
      %dma_wait3A_76 = arith.constant 0 : i32
      %dma_wait3A_77 = tpu.memref_slice %arg10[%scan3A_56, %dma_wait3A_76] : memref<80x128xi32, #tpu.memory_space<vmem>> -> memref<1x128xi32, #tpu.memory_space<vmem>>
      %dma_wait3A_78 = tpu.memref_squeeze %dma_wait3A_77 : memref<1x128xi32, #tpu.memory_space<vmem>> -> memref<128xi32, #tpu.memory_space<vmem>>
      %dma_wait3A_79 = arith.constant 0 : i32
      %dma_wait3A_80 = tpu.memref_slice %arg4[%dma_wait3A_79] : memref<10240xf32, #tpu.memory_space<hbm>> -> memref<10240xf32, #tpu.memory_space<hbm>>
      tpu.wait_indirect_dma semaphore(%arg18 : memref<!tpu.dma_semaphore, #tpu.memory_space<semaphore_mem>>) src(%dma_wait3A_80 : memref<10240xf32, #tpu.memory_space<hbm>>) dst(%arg12 : memref<128xf32, #tpu.memory_space<vmem>>)
      %get3A = arith.constant 0 : index
      %get3A_81 = tpu.vector_load %arg11[%get3A] {strides = array<i32>} : memref<128xf32, #tpu.memory_space<vmem>>, vector<16xf32>,
      %get3A_82 = arith.constant 0 : index
      %get3A_83 = tpu.vector_load %arg12[%get3A_82] {strides = array<i32>} : memref<128xf32, #tpu.memory_space<vmem>>, vector<16xf32>,
      %add3A_84 = arith.addf %get3A_81, %get3A_83 : vector<16xf32>
      %ge3A = arith.constant 0.000000e+00 : f32
      %ge3A_85 = vector.broadcast %ge3A : f32 to vector<16xf32>
      %ge3A_86 = arith.cmpf oge, %add3A_84, %ge3A_85 : vector<16xf32>
      %mul3A_87 = arith.constant 2.000000e-01 : f32
      %mul3A_88 = vector.broadcast %mul3A_87 : f32 to vector<16xf32>
      %mul3A_89 = arith.mulf %add3A_84, %mul3A_88 : vector<16xf32>
      %select_n3A = arith.select %ge3A_86, %add3A_84, %mul3A_89 : vector<16xi1>, vector<16xf32>
      %exp3A = math.exp %select_n3A : vector<16xf32>
      %swap3A = arith.constant 0 : index
      %swap3A_90 = tpu.vector_load %arg13[%swap3A] {strides = array<i32>} : memref<128xf32, #tpu.memory_space<vmem>>, vector<16xf32>,
      tpu.vector_store %arg13[%swap3A], %exp3A {strides = array<i32>} : memref<128xf32, #tpu.memory_space<vmem>>, vector<16xf32>,
      %get3A_91 = arith.constant 16 : index
      %get3A_92 = tpu.vector_load %arg11[%get3A_91] {strides = array<i32>} : memref<128xf32, #tpu.memory_space<vmem>>, vector<16xf32>,
      %get3A_93 = arith.constant 16 : index
      %get3A_94 = tpu.vector_load %arg12[%get3A_93] {strides = array<i32>} : memref<128xf32, #tpu.memory_space<vmem>>, vector<16xf32>,
      %add3A_95 = arith.addf %get3A_92, %get3A_94 : vector<16xf32>
      %ge3A_96 = arith.constant 0.000000e+00 : f32
      %ge3A_97 = vector.broadcast %ge3A_96 : f32 to vector<16xf32>
      %ge3A_98 = arith.cmpf oge, %add3A_95, %ge3A_97 : vector<16xf32>
      %mul3A_99 = arith.constant 2.000000e-01 : f32
      %mul3A_100 = vector.broadcast %mul3A_99 : f32 to vector<16xf32>
      %mul3A_101 = arith.mulf %add3A_95, %mul3A_100 : vector<16xf32>
      %select_n3A_102 = arith.select %ge3A_98, %add3A_95, %mul3A_101 : vector<16xi1>, vector<16xf32>
      %exp3A_103 = math.exp %select_n3A_102 : vector<16xf32>
      %swap3A_104 = arith.constant 16 : index
      %swap3A_105 = tpu.vector_load %arg13[%swap3A_104] {strides = array<i32>} : memref<128xf32, #tpu.memory_space<vmem>>, vector<16xf32>,
      tpu.vector_store %arg13[%swap3A_104], %exp3A_103 {strides = array<i32>} : memref<128xf32, #tpu.memory_space<vmem>>, vector<16xf32>,
      %get3A_106 = arith.constant 32 : index
      %get3A_107 = tpu.vector_load %arg11[%get3A_106] {strides = array<i32>} : memref<128xf32, #tpu.memory_space<vmem>>, vector<16xf32>,
      %get3A_108 = arith.constant 32 : index
      %get3A_109 = tpu.vector_load %arg12[%get3A_108] {strides = array<i32>} : memref<128xf32, #tpu.memory_space<vmem>>, vector<16xf32>,
      %add3A_110 = arith.addf %get3A_107, %get3A_109 : vector<16xf32>
      %ge3A_111 = arith.constant 0.000000e+00 : f32
      %ge3A_112 = vector.broadcast %ge3A_111 : f32 to vector<16xf32>
      %ge3A_113 = arith.cmpf oge, %add3A_110, %ge3A_112 : vector<16xf32>
      %mul3A_114 = arith.constant 2.000000e-01 : f32
      %mul3A_115 = vector.broadcast %mul3A_114 : f32 to vector<16xf32>
      %mul3A_116 = arith.mulf %add3A_110, %mul3A_115 : vector<16xf32>
      %select_n3A_117 = arith.select %ge3A_113, %add3A_110, %mul3A_116 : vector<16xi1>, vector<16xf32>
      %exp3A_118 = math.exp %select_n3A_117 : vector<16xf32>
      %swap3A_119 = arith.constant 32 : index
      %swap3A_120 = tpu.vector_load %arg13[%swap3A_119] {strides = array<i32>} : memref<128xf32, #tpu.memory_space<vmem>>, vector<16xf32>,
      tpu.vector_store %arg13[%swap3A_119], %exp3A_118 {strides = array<i32>} : memref<128xf32, #tpu.memory_space<vmem>>, vector<16xf32>,
      %get3A_121 = arith.constant 48 : index
      %get3A_122 = tpu.vector_load %arg11[%get3A_121] {strides = array<i32>} : memref<128xf32, #tpu.memory_space<vmem>>, vector<16xf32>,
      %get3A_123 = arith.constant 48 : index
      %get3A_124 = tpu.vector_load %arg12[%get3A_123] {strides = array<i32>} : memref<128xf32, #tpu.memory_space<vmem>>, vector<16xf32>,
      %add3A_125 = arith.addf %get3A_122, %get3A_124 : vector<16xf32>
      %ge3A_126 = arith.constant 0.000000e+00 : f32
      %ge3A_127 = vector.broadcast %ge3A_126 : f32 to vector<16xf32>
      %ge3A_128 = arith.cmpf oge, %add3A_125, %ge3A_127 : vector<16xf32>
      %mul3A_129 = arith.constant 2.000000e-01 : f32
      %mul3A_130 = vector.broadcast %mul3A_129 : f32 to vector<16xf32>
      %mul3A_131 = arith.mulf %add3A_125, %mul3A_130 : vector<16xf32>
      %select_n3A_132 = arith.select %ge3A_128, %add3A_125, %mul3A_131 : vector<16xi1>, vector<16xf32>
      %exp3A_133 = math.exp %select_n3A_132 : vector<16xf32>
      %swap3A_134 = arith.constant 48 : index
      %swap3A_135 = tpu.vector_load %arg13[%swap3A_134] {strides = array<i32>} : memref<128xf32, #tpu.memory_space<vmem>>, vector<16xf32>,
      tpu.vector_store %arg13[%swap3A_134], %exp3A_133 {strides = array<i32>} : memref<128xf32, #tpu.memory_space<vmem>>, vector<16xf32>,
      %get3A_136 = arith.constant 64 : index
      %get3A_137 = tpu.vector_load %arg11[%get3A_136] {strides = array<i32>} : memref<128xf32, #tpu.memory_space<vmem>>, vector<16xf32>,
      %get3A_138 = arith.constant 64 : index
      %get3A_139 = tpu.vector_load %arg12[%get3A_138] {strides = array<i32>} : memref<128xf32, #tpu.memory_space<vmem>>, vector<16xf32>,
      %add3A_140 = arith.addf %get3A_137, %get3A_139 : vector<16xf32>
      %ge3A_141 = arith.constant 0.000000e+00 : f32
      %ge3A_142 = vector.broadcast %ge3A_141 : f32 to vector<16xf32>
      %ge3A_143 = arith.cmpf oge, %add3A_140, %ge3A_142 : vector<16xf32>
      %mul3A_144 = arith.constant 2.000000e-01 : f32
      %mul3A_145 = vector.broadcast %mul3A_144 : f32 to vector<16xf32>
      %mul3A_146 = arith.mulf %add3A_140, %mul3A_145 : vector<16xf32>
      %select_n3A_147 = arith.select %ge3A_143, %add3A_140, %mul3A_146 : vector<16xi1>, vector<16xf32>
      %exp3A_148 = math.exp %select_n3A_147 : vector<16xf32>
      %swap3A_149 = arith.constant 64 : index
      %swap3A_150 = tpu.vector_load %arg13[%swap3A_149] {strides = array<i32>} : memref<128xf32, #tpu.memory_space<vmem>>, vector<16xf32>,
      tpu.vector_store %arg13[%swap3A_149], %exp3A_148 {strides = array<i32>} : memref<128xf32, #tpu.memory_space<vmem>>, vector<16xf32>,
      %get3A_151 = arith.constant 80 : index
      %get3A_152 = tpu.vector_load %arg11[%get3A_151] {strides = array<i32>} : memref<128xf32, #tpu.memory_space<vmem>>, vector<16xf32>,
      %get3A_153 = arith.constant 80 : index
      %get3A_154 = tpu.vector_load %arg12[%get3A_153] {strides = array<i32>} : memref<128xf32, #tpu.memory_space<vmem>>, vector<16xf32>,
      %add3A_155 = arith.addf %get3A_152, %get3A_154 : vector<16xf32>
      %ge3A_156 = arith.constant 0.000000e+00 : f32
      %ge3A_157 = vector.broadcast %ge3A_156 : f32 to vector<16xf32>
      %ge3A_158 = arith.cmpf oge, %add3A_155, %ge3A_157 : vector<16xf32>
      %mul3A_159 = arith.constant 2.000000e-01 : f32
      %mul3A_160 = vector.broadcast %mul3A_159 : f32 to vector<16xf32>
      %mul3A_161 = arith.mulf %add3A_155, %mul3A_160 : vector<16xf32>
      %select_n3A_162 = arith.select %ge3A_158, %add3A_155, %mul3A_161 : vector<16xi1>, vector<16xf32>
      %exp3A_163 = math.exp %select_n3A_162 : vector<16xf32>
      %swap3A_164 = arith.constant 80 : index
      %swap3A_165 = tpu.vector_load %arg13[%swap3A_164] {strides = array<i32>} : memref<128xf32, #tpu.memory_space<vmem>>, vector<16xf32>,
      tpu.vector_store %arg13[%swap3A_164], %exp3A_163 {strides = array<i32>} : memref<128xf32, #tpu.memory_space<vmem>>, vector<16xf32>,
      %get3A_166 = arith.constant 96 : index
      %get3A_167 = tpu.vector_load %arg11[%get3A_166] {strides = array<i32>} : memref<128xf32, #tpu.memory_space<vmem>>, vector<16xf32>,
      %get3A_168 = arith.constant 96 : index
      %get3A_169 = tpu.vector_load %arg12[%get3A_168] {strides = array<i32>} : memref<128xf32, #tpu.memory_space<vmem>>, vector<16xf32>,
      %add3A_170 = arith.addf %get3A_167, %get3A_169 : vector<16xf32>
      %ge3A_171 = arith.constant 0.000000e+00 : f32
      %ge3A_172 = vector.broadcast %ge3A_171 : f32 to vector<16xf32>
      %ge3A_173 = arith.cmpf oge, %add3A_170, %ge3A_172 : vector<16xf32>
      %mul3A_174 = arith.constant 2.000000e-01 : f32
      %mul3A_175 = vector.broadcast %mul3A_174 : f32 to vector<16xf32>
      %mul3A_176 = arith.mulf %add3A_170, %mul3A_175 : vector<16xf32>
      %select_n3A_177 = arith.select %ge3A_173, %add3A_170, %mul3A_176 : vector<16xi1>, vector<16xf32>
      %exp3A_178 = math.exp %select_n3A_177 : vector<16xf32>
      %swap3A_179 = arith.constant 96 : index
      %swap3A_180 = tpu.vector_load %arg13[%swap3A_179] {strides = array<i32>} : memref<128xf32, #tpu.memory_space<vmem>>, vector<16xf32>,
      tpu.vector_store %arg13[%swap3A_179], %exp3A_178 {strides = array<i32>} : memref<128xf32, #tpu.memory_space<vmem>>, vector<16xf32>,
      %get3A_181 = arith.constant 112 : index
      %get3A_182 = tpu.vector_load %arg11[%get3A_181] {strides = array<i32>} : memref<128xf32, #tpu.memory_space<vmem>>, vector<16xf32>,
      %get3A_183 = arith.constant 112 : index
      %get3A_184 = tpu.vector_load %arg12[%get3A_183] {strides = array<i32>} : memref<128xf32, #tpu.memory_space<vmem>>, vector<16xf32>,
      %add3A_185 = arith.addf %get3A_182, %get3A_184 : vector<16xf32>
      %ge3A_186 = arith.constant 0.000000e+00 : f32
      %ge3A_187 = vector.broadcast %ge3A_186 : f32 to vector<16xf32>
      %ge3A_188 = arith.cmpf oge, %add3A_185, %ge3A_187 : vector<16xf32>
      %mul3A_189 = arith.constant 2.000000e-01 : f32
      %mul3A_190 = vector.broadcast %mul3A_189 : f32 to vector<16xf32>
      %mul3A_191 = arith.mulf %add3A_185, %mul3A_190 : vector<16xf32>
      %select_n3A_192 = arith.select %ge3A_188, %add3A_185, %mul3A_191 : vector<16xi1>, vector<16xf32>
      %exp3A_193 = math.exp %select_n3A_192 : vector<16xf32>
      %swap3A_194 = arith.constant 112 : index
      %swap3A_195 = tpu.vector_load %arg13[%swap3A_194] {strides = array<i32>} : memref<128xf32, #tpu.memory_space<vmem>>, vector<16xf32>,
      tpu.vector_store %arg13[%swap3A_194], %exp3A_193 {strides = array<i32>} : memref<128xf32, #tpu.memory_space<vmem>>, vector<16xf32>,
      "tpu.region"() ({
        %run_scoped3A = tpu.sem_alloc : memref<!tpu.dma_semaphore, #tpu.memory_space<semaphore_mem>>
        %dma_start3A_208 = arith.constant 0 : i32
        %dma_start3A_209 = tpu.memref_slice %arg10[%scan3A_56, %dma_start3A_208] : memref<80x128xi32, #tpu.memory_space<vmem>> -> memref<1x128xi32, #tpu.memory_space<vmem>>
        %dma_start3A_210 = tpu.memref_squeeze %dma_start3A_209 : memref<1x128xi32, #tpu.memory_space<vmem>> -> memref<128xi32, #tpu.memory_space<vmem>>
        %dma_start3A_211 = arith.constant 0 : i32
        %dma_start3A_212 = tpu.memref_slice %arg17[%dma_start3A_211] : memref<10240xf32, #tpu.memory_space<vmem_shared>> -> memref<10240xf32, #tpu.memory_space<vmem_shared>>
        tpu.enqueue_indirect_dma source(%arg13 : memref<128xf32, #tpu.memory_space<vmem>>) target(%dma_start3A_212 : memref<10240xf32, #tpu.memory_space<vmem_shared>>) offsets(%dma_start3A_210 : memref<128xi32, #tpu.memory_space<vmem>>) semaphore(%run_scoped3A : memref<!tpu.dma_semaphore, #tpu.memory_space<semaphore_mem>>) {add = true}
        %dma_wait3A_213 = arith.constant 0 : i32
        %dma_wait3A_214 = tpu.memref_slice %arg10[%scan3A_56, %dma_wait3A_213] : memref<80x128xi32, #tpu.memory_space<vmem>> -> memref<1x128xi32, #tpu.memory_space<vmem>>
        %dma_wait3A_215 = tpu.memref_squeeze %dma_wait3A_214 : memref<1x128xi32, #tpu.memory_space<vmem>> -> memref<128xi32, #tpu.memory_space<vmem>>
        %dma_wait3A_216 = arith.constant 0 : i32
        %dma_wait3A_217 = tpu.memref_slice %arg17[%dma_wait3A_216] : memref<10240xf32, #tpu.memory_space<vmem_shared>> -> memref<10240xf32, #tpu.memory_space<vmem_shared>>
        tpu.wait_indirect_dma semaphore(%run_scoped3A : memref<!tpu.dma_semaphore, #tpu.memory_space<semaphore_mem>>) src(%arg13 : memref<128xf32, #tpu.memory_space<vmem>>) dst(%dma_wait3A_217 : memref<10240xf32, #tpu.memory_space<vmem_shared>>)
        tpu.yield
      }) : () -> ()
      %dma_wait3A_196 = arith.constant 0 : i32
      %dma_wait3A_197 = tpu.memref_slice %arg9[%scan3A_56, %dma_wait3A_196] : memref<80x128xi32, #tpu.memory_space<vmem>> -> memref<1x128xi32, #tpu.memory_space<vmem>>
      %dma_wait3A_198 = tpu.memref_squeeze %dma_wait3A_197 : memref<1x128xi32, #tpu.memory_space<vmem>> -> memref<128xi32, #tpu.memory_space<vmem>>
      %dma_wait3A_199 = arith.constant 0 : i32
      %dma_wait3A_200 = arith.constant 0 : i32
      %dma_wait3A_201 = tpu.memref_slice %arg2[%dma_wait3A_199, %dma_wait3A_200] : memref<10240x128xf32, #tpu.memory_space<hbm>> -> memref<10240x128xf32, #tpu.memory_space<hbm>>
      tpu.wait_indirect_dma semaphore(%arg19 : memref<!tpu.dma_semaphore, #tpu.memory_space<semaphore_mem>>) src(%dma_wait3A_201 : memref<10240x128xf32, #tpu.memory_space<hbm>>) dst(%arg14 : memref<128x128xf32, #tpu.memory_space<vmem>>)
      %scan3A_202 = arith.constant 0 : i32
      %scan3A_203 = arith.constant 0 : i32
      %scan3A_204 = arith.constant 128 : i32
      %scan3A_205 = arith.addi %scan3A_203, %scan3A_204 : i32
      %scan3A_206 = arith.constant 1 : i32
      scf.for %scan3A_208 = %scan3A_203 to %scan3A_205 step %scan3A_206  : i32 {
        %broadcast_in_dim3A_209 = vector.broadcast %scan3A_208 : i32 to vector<16xi32>
        %gather3A = tpu.vector_load_idx %arg13[%broadcast_in_dim3A_209] : memref<128xf32, #tpu.memory_space<vmem>>[vector<16xi32>], vector<16xf32>,
        %get3A_210 = arith.index_cast %scan3A_208 : i32 to index
        %get3A_211 = arith.constant 0 : index
        %get3A_212 = tpu.vector_load %arg14[%get3A_210, %get3A_211] {strides = array<i32>} : memref<128x128xf32, #tpu.memory_space<vmem>>, vector<16xf32>,
        %mul3A_213 = arith.mulf %get3A_212, %gather3A : vector<16xf32>
        %swap3A_214 = arith.index_cast %scan3A_208 : i32 to index
        %swap3A_215 = arith.constant 0 : index
        %swap3A_216 = tpu.vector_load %arg14[%swap3A_214, %swap3A_215] {strides = array<i32>} : memref<128x128xf32, #tpu.memory_space<vmem>>, vector<16xf32>,
        tpu.vector_store %arg14[%swap3A_214, %swap3A_215], %mul3A_213 {strides = array<i32>} : memref<128x128xf32, #tpu.memory_space<vmem>>, vector<16xf32>,
        %get3A_217 = arith.index_cast %scan3A_208 : i32 to index
        %get3A_218 = arith.constant 16 : index
        %get3A_219 = tpu.vector_load %arg14[%get3A_217, %get3A_218] {strides = array<i32>} : memref<128x128xf32, #tpu.memory_space<vmem>>, vector<16xf32>,
        %mul3A_220 = arith.mulf %get3A_219, %gather3A : vector<16xf32>
        %swap3A_221 = arith.index_cast %scan3A_208 : i32 to index
        %swap3A_222 = arith.constant 16 : index
        %swap3A_223 = tpu.vector_load %arg14[%swap3A_221, %swap3A_222] {strides = array<i32>} : memref<128x128xf32, #tpu.memory_space<vmem>>, vector<16xf32>,
        tpu.vector_store %arg14[%swap3A_221, %swap3A_222], %mul3A_220 {strides = array<i32>} : memref<128x128xf32, #tpu.memory_space<vmem>>, vector<16xf32>,
        %get3A_224 = arith.index_cast %scan3A_208 : i32 to index
        %get3A_225 = arith.constant 32 : index
        %get3A_226 = tpu.vector_load %arg14[%get3A_224, %get3A_225] {strides = array<i32>} : memref<128x128xf32, #tpu.memory_space<vmem>>, vector<16xf32>,
        %mul3A_227 = arith.mulf %get3A_226, %gather3A : vector<16xf32>
        %swap3A_228 = arith.index_cast %scan3A_208 : i32 to index
        %swap3A_229 = arith.constant 32 : index
        %swap3A_230 = tpu.vector_load %arg14[%swap3A_228, %swap3A_229] {strides = array<i32>} : memref<128x128xf32, #tpu.memory_space<vmem>>, vector<16xf32>,
        tpu.vector_store %arg14[%swap3A_228, %swap3A_229], %mul3A_227 {strides = array<i32>} : memref<128x128xf32, #tpu.memory_space<vmem>>, vector<16xf32>,
        %get3A_231 = arith.index_cast %scan3A_208 : i32 to index
        %get3A_232 = arith.constant 48 : index
        %get3A_233 = tpu.vector_load %arg14[%get3A_231, %get3A_232] {strides = array<i32>} : memref<128x128xf32, #tpu.memory_space<vmem>>, vector<16xf32>,
        %mul3A_234 = arith.mulf %get3A_233, %gather3A : vector<16xf32>
        %swap3A_235 = arith.index_cast %scan3A_208 : i32 to index
        %swap3A_236 = arith.constant 48 : index
        %swap3A_237 = tpu.vector_load %arg14[%swap3A_235, %swap3A_236] {strides = array<i32>} : memref<128x128xf32, #tpu.memory_space<vmem>>, vector<16xf32>,
        tpu.vector_store %arg14[%swap3A_235, %swap3A_236], %mul3A_234 {strides = array<i32>} : memref<128x128xf32, #tpu.memory_space<vmem>>, vector<16xf32>,
        %get3A_238 = arith.index_cast %scan3A_208 : i32 to index
        %get3A_239 = arith.constant 64 : index
        %get3A_240 = tpu.vector_load %arg14[%get3A_238, %get3A_239] {strides = array<i32>} : memref<128x128xf32, #tpu.memory_space<vmem>>, vector<16xf32>,
        %mul3A_241 = arith.mulf %get3A_240, %gather3A : vector<16xf32>
        %swap3A_242 = arith.index_cast %scan3A_208 : i32 to index
        %swap3A_243 = arith.constant 64 : index
        %swap3A_244 = tpu.vector_load %arg14[%swap3A_242, %swap3A_243] {strides = array<i32>} : memref<128x128xf32, #tpu.memory_space<vmem>>, vector<16xf32>,
        tpu.vector_store %arg14[%swap3A_242, %swap3A_243], %mul3A_241 {strides = array<i32>} : memref<128x128xf32, #tpu.memory_space<vmem>>, vector<16xf32>,
        %get3A_245 = arith.index_cast %scan3A_208 : i32 to index
        %get3A_246 = arith.constant 80 : index
        %get3A_247 = tpu.vector_load %arg14[%get3A_245, %get3A_246] {strides = array<i32>} : memref<128x128xf32, #tpu.memory_space<vmem>>, vector<16xf32>,
        %mul3A_248 = arith.mulf %get3A_247, %gather3A : vector<16xf32>
        %swap3A_249 = arith.index_cast %scan3A_208 : i32 to index
        %swap3A_250 = arith.constant 80 : index
        %swap3A_251 = tpu.vector_load %arg14[%swap3A_249, %swap3A_250] {strides = array<i32>} : memref<128x128xf32, #tpu.memory_space<vmem>>, vector<16xf32>,
        tpu.vector_store %arg14[%swap3A_249, %swap3A_250], %mul3A_248 {strides = array<i32>} : memref<128x128xf32, #tpu.memory_space<vmem>>, vector<16xf32>,
        %get3A_252 = arith.index_cast %scan3A_208 : i32 to index
        %get3A_253 = arith.constant 96 : index
        %get3A_254 = tpu.vector_load %arg14[%get3A_252, %get3A_253] {strides = array<i32>} : memref<128x128xf32, #tpu.memory_space<vmem>>, vector<16xf32>,
        %mul3A_255 = arith.mulf %get3A_254, %gather3A : vector<16xf32>
        %swap3A_256 = arith.index_cast %scan3A_208 : i32 to index
        %swap3A_257 = arith.constant 96 : index
        %swap3A_258 = tpu.vector_load %arg14[%swap3A_256, %swap3A_257] {strides = array<i32>} : memref<128x128xf32, #tpu.memory_space<vmem>>, vector<16xf32>,
        tpu.vector_store %arg14[%swap3A_256, %swap3A_257], %mul3A_255 {strides = array<i32>} : memref<128x128xf32, #tpu.memory_space<vmem>>, vector<16xf32>,
        %get3A_259 = arith.index_cast %scan3A_208 : i32 to index
        %get3A_260 = arith.constant 112 : index
        %get3A_261 = tpu.vector_load %arg14[%get3A_259, %get3A_260] {strides = array<i32>} : memref<128x128xf32, #tpu.memory_space<vmem>>, vector<16xf32>,
        %mul3A_262 = arith.mulf %get3A_261, %gather3A : vector<16xf32>
        %swap3A_263 = arith.index_cast %scan3A_208 : i32 to index
        %swap3A_264 = arith.constant 112 : index
        %swap3A_265 = tpu.vector_load %arg14[%swap3A_263, %swap3A_264] {strides = array<i32>} : memref<128x128xf32, #tpu.memory_space<vmem>>, vector<16xf32>,
        tpu.vector_store %arg14[%swap3A_263, %swap3A_264], %mul3A_262 {strides = array<i32>} : memref<128x128xf32, #tpu.memory_space<vmem>>, vector<16xf32>,
      }
      %scan3A_207 = arith.constant 128 : i32
      "tpu.region"() ({
        %run_scoped3A = tpu.sem_alloc : memref<!tpu.dma_semaphore, #tpu.memory_space<semaphore_mem>>
        %dma_start3A_208 = arith.constant 0 : i32
        %dma_start3A_209 = tpu.memref_slice %arg10[%scan3A_56, %dma_start3A_208] : memref<80x128xi32, #tpu.memory_space<vmem>> -> memref<1x128xi32, #tpu.memory_space<vmem>>
        %dma_start3A_210 = tpu.memref_squeeze %dma_start3A_209 : memref<1x128xi32, #tpu.memory_space<vmem>> -> memref<128xi32, #tpu.memory_space<vmem>>
        %dma_start3A_211 = arith.constant 0 : i32
        %dma_start3A_212 = arith.constant 0 : i32
        %dma_start3A_213 = tpu.memref_slice %arg16[%dma_start3A_211, %dma_start3A_212] : memref<10240x128xf32, #tpu.memory_space<vmem_shared>> -> memref<10240x128xf32, #tpu.memory_space<vmem_shared>>
        tpu.enqueue_indirect_dma source(%arg14 : memref<128x128xf32, #tpu.memory_space<vmem>>) target(%dma_start3A_213 : memref<10240x128xf32, #tpu.memory_space<vmem_shared>>) offsets(%dma_start3A_210 : memref<128xi32, #tpu.memory_space<vmem>>) semaphore(%run_scoped3A : memref<!tpu.dma_semaphore, #tpu.memory_space<semaphore_mem>>) {add = true}
        %dma_wait3A_214 = arith.constant 0 : i32
        %dma_wait3A_215 = tpu.memref_slice %arg10[%scan3A_56, %dma_wait3A_214] : memref<80x128xi32, #tpu.memory_space<vmem>> -> memref<1x128xi32, #tpu.memory_space<vmem>>
        %dma_wait3A_216 = tpu.memref_squeeze %dma_wait3A_215 : memref<1x128xi32, #tpu.memory_space<vmem>> -> memref<128xi32, #tpu.memory_space<vmem>>
        %dma_wait3A_217 = arith.constant 0 : i32
        %dma_wait3A_218 = arith.constant 0 : i32
        %dma_wait3A_219 = tpu.memref_slice %arg16[%dma_wait3A_217, %dma_wait3A_218] : memref<10240x128xf32, #tpu.memory_space<vmem_shared>> -> memref<10240x128xf32, #tpu.memory_space<vmem_shared>>
        tpu.wait_indirect_dma semaphore(%run_scoped3A : memref<!tpu.dma_semaphore, #tpu.memory_space<semaphore_mem>>) src(%arg14 : memref<128x128xf32, #tpu.memory_space<vmem>>) dst(%dma_wait3A_219 : memref<10240x128xf32, #tpu.memory_space<vmem_shared>>)
        tpu.yield
      }) : () -> ()
    }
    %scan3A_34 = arith.constant 80 : i32
    %barrier3A_35 = arith.constant 0 : index
    tpu.barrier barrier_id(%barrier3A_35)
    %add3A_36 = arith.constant 0 : i32
    %add3A_37 = arith.addi %mul3A_14, %add3A_36 : i32
    "tpu.region"() ({
      %run_scoped3A = tpu.sem_alloc : memref<!tpu.dma_semaphore, #tpu.memory_space<semaphore_mem>>
      %dma_start3A = arith.constant 0 : i32
      %dma_start3A_56 = tpu.memref_slice %arg16[%add3A_37, %dma_start3A] : memref<10240x128xf32, #tpu.memory_space<vmem_shared>> -> memref<128x128xf32, #tpu.memory_space<vmem_shared>>
      %dma_start3A_57 = arith.constant 0 : i32
      %dma_start3A_58 = tpu.memref_slice %arg16[%add3A_37, %dma_start3A_57] : memref<10240x128xf32, #tpu.memory_space<vmem_shared>> -> memref<128x128xf32, #tpu.memory_space<vmem_shared>>
      tpu.enqueue_dma source(%dma_start3A_58 : memref<128x128xf32, #tpu.memory_space<vmem_shared>>) target(%arg14 : memref<128x128xf32, #tpu.memory_space<vmem>>) target_semaphore(%run_scoped3A : memref<!tpu.dma_semaphore, #tpu.memory_space<semaphore_mem>>)
      %dma_wait3A = arith.constant 0 : i32
      %dma_wait3A_59 = tpu.memref_slice %arg16[%add3A_37, %dma_wait3A] : memref<10240x128xf32, #tpu.memory_space<vmem_shared>> -> memref<128x128xf32, #tpu.memory_space<vmem_shared>>
      %dma_wait3A_60 = arith.constant 0 : i32
      %dma_wait3A_61 = tpu.memref_slice %arg16[%add3A_37, %dma_wait3A_60] : memref<10240x128xf32, #tpu.memory_space<vmem_shared>> -> memref<128x128xf32, #tpu.memory_space<vmem_shared>>
      tpu.wait_dma2 semaphore(%run_scoped3A : memref<!tpu.dma_semaphore, #tpu.memory_space<semaphore_mem>>) src(%dma_wait3A_61 : memref<128x128xf32, #tpu.memory_space<vmem_shared>>) dst(%arg14 : memref<128x128xf32, #tpu.memory_space<vmem>>)
      tpu.yield
    }) : () -> ()
    %add3A_38 = arith.constant 0 : i32
    %add3A_39 = arith.addi %mul3A_14, %add3A_38 : i32
    "tpu.region"() ({
      %run_scoped3A = tpu.sem_alloc : memref<!tpu.dma_semaphore, #tpu.memory_space<semaphore_mem>>
      %dma_start3A = arith.constant 0 : i32
      %dma_start3A_56 = tpu.memref_slice %arg7[%arg0, %add3A_39, %dma_start3A] : memref<2x10240x128xf32, #tpu.memory_space<hbm>> -> memref<1x128x128xf32, #tpu.memory_space<hbm>>
      %dma_start3A_57 = tpu.memref_squeeze %dma_start3A_56 : memref<1x128x128xf32, #tpu.memory_space<hbm>> -> memref<128x128xf32, #tpu.memory_space<hbm>>
      %dma_start3A_58 = arith.constant 0 : i32
      %dma_start3A_59 = tpu.memref_slice %arg7[%arg0, %add3A_39, %dma_start3A_58] : memref<2x10240x128xf32, #tpu.memory_space<hbm>> -> memref<1x128x128xf32, #tpu.memory_space<hbm>>
      %dma_start3A_60 = tpu.memref_squeeze %dma_start3A_59 : memref<1x128x128xf32, #tpu.memory_space<hbm>> -> memref<128x128xf32, #tpu.memory_space<hbm>>
      tpu.enqueue_dma source(%arg14 : memref<128x128xf32, #tpu.memory_space<vmem>>) target(%dma_start3A_60 : memref<128x128xf32, #tpu.memory_space<hbm>>) target_semaphore(%run_scoped3A : memref<!tpu.dma_semaphore, #tpu.memory_space<semaphore_mem>>)
      %dma_wait3A = arith.constant 0 : i32
      %dma_wait3A_61 = tpu.memref_slice %arg7[%arg0, %add3A_39, %dma_wait3A] : memref<2x10240x128xf32, #tpu.memory_space<hbm>> -> memref<1x128x128xf32, #tpu.memory_space<hbm>>
      %dma_wait3A_62 = tpu.memref_squeeze %dma_wait3A_61 : memref<1x128x128xf32, #tpu.memory_space<hbm>> -> memref<128x128xf32, #tpu.memory_space<hbm>>
      %dma_wait3A_63 = arith.constant 0 : i32
      %dma_wait3A_64 = tpu.memref_slice %arg7[%arg0, %add3A_39, %dma_wait3A_63] : memref<2x10240x128xf32, #tpu.memory_space<hbm>> -> memref<1x128x128xf32, #tpu.memory_space<hbm>>
      %dma_wait3A_65 = tpu.memref_squeeze %dma_wait3A_64 : memref<1x128x128xf32, #tpu.memory_space<hbm>> -> memref<128x128xf32, #tpu.memory_space<hbm>>
      tpu.wait_dma2 semaphore(%run_scoped3A : memref<!tpu.dma_semaphore, #tpu.memory_space<semaphore_mem>>) src(%arg14 : memref<128x128xf32, #tpu.memory_space<vmem>>) dst(%dma_wait3A_65 : memref<128x128xf32, #tpu.memory_space<hbm>>)
      tpu.yield
    }) : () -> ()
    %add3A_40 = arith.constant 128 : i32
    %add3A_41 = arith.addi %mul3A_14, %add3A_40 : i32
    "tpu.region"() ({
      %run_scoped3A = tpu.sem_alloc : memref<!tpu.dma_semaphore, #tpu.memory_space<semaphore_mem>>
      %dma_start3A = arith.constant 0 : i32
      %dma_start3A_56 = tpu.memref_slice %arg16[%add3A_41, %dma_start3A] : memref<10240x128xf32, #tpu.memory_space<vmem_shared>> -> memref<128x128xf32, #tpu.memory_space<vmem_shared>>
      %dma_start3A_57 = arith.constant 0 : i32
      %dma_start3A_58 = tpu.memref_slice %arg16[%add3A_41, %dma_start3A_57] : memref<10240x128xf32, #tpu.memory_space<vmem_shared>> -> memref<128x128xf32, #tpu.memory_space<vmem_shared>>
      tpu.enqueue_dma source(%dma_start3A_58 : memref<128x128xf32, #tpu.memory_space<vmem_shared>>) target(%arg14 : memref<128x128xf32, #tpu.memory_space<vmem>>) target_semaphore(%run_scoped3A : memref<!tpu.dma_semaphore, #tpu.memory_space<semaphore_mem>>)
      %dma_wait3A = arith.constant 0 : i32
      %dma_wait3A_59 = tpu.memref_slice %arg16[%add3A_41, %dma_wait3A] : memref<10240x128xf32, #tpu.memory_space<vmem_shared>> -> memref<128x128xf32, #tpu.memory_space<vmem_shared>>
      %dma_wait3A_60 = arith.constant 0 : i32
      %dma_wait3A_61 = tpu.memref_slice %arg16[%add3A_41, %dma_wait3A_60] : memref<10240x128xf32, #tpu.memory_space<vmem_shared>> -> memref<128x128xf32, #tpu.memory_space<vmem_shared>>
      tpu.wait_dma2 semaphore(%run_scoped3A : memref<!tpu.dma_semaphore, #tpu.memory_space<semaphore_mem>>) src(%dma_wait3A_61 : memref<128x128xf32, #tpu.memory_space<vmem_shared>>) dst(%arg14 : memref<128x128xf32, #tpu.memory_space<vmem>>)
      tpu.yield
    }) : () -> ()
    %add3A_42 = arith.constant 128 : i32
    %add3A_43 = arith.addi %mul3A_14, %add3A_42 : i32
    "tpu.region"() ({
      %run_scoped3A = tpu.sem_alloc : memref<!tpu.dma_semaphore, #tpu.memory_space<semaphore_mem>>
      %dma_start3A = arith.constant 0 : i32
      %dma_start3A_56 = tpu.memref_slice %arg7[%arg0, %add3A_43, %dma_start3A] : memref<2x10240x128xf32, #tpu.memory_space<hbm>> -> memref<1x128x128xf32, #tpu.memory_space<hbm>>
      %dma_start3A_57 = tpu.memref_squeeze %dma_start3A_56 : memref<1x128x128xf32, #tpu.memory_space<hbm>> -> memref<128x128xf32, #tpu.memory_space<hbm>>
      %dma_start3A_58 = arith.constant 0 : i32
      %dma_start3A_59 = tpu.memref_slice %arg7[%arg0, %add3A_43, %dma_start3A_58] : memref<2x10240x128xf32, #tpu.memory_space<hbm>> -> memref<1x128x128xf32, #tpu.memory_space<hbm>>
      %dma_start3A_60 = tpu.memref_squeeze %dma_start3A_59 : memref<1x128x128xf32, #tpu.memory_space<hbm>> -> memref<128x128xf32, #tpu.memory_space<hbm>>
      tpu.enqueue_dma source(%arg14 : memref<128x128xf32, #tpu.memory_space<vmem>>) target(%dma_start3A_60 : memref<128x128xf32, #tpu.memory_space<hbm>>) target_semaphore(%run_scoped3A : memref<!tpu.dma_semaphore, #tpu.memory_space<semaphore_mem>>)
      %dma_wait3A = arith.constant 0 : i32
      %dma_wait3A_61 = tpu.memref_slice %arg7[%arg0, %add3A_43, %dma_wait3A] : memref<2x10240x128xf32, #tpu.memory_space<hbm>> -> memref<1x128x128xf32, #tpu.memory_space<hbm>>
      %dma_wait3A_62 = tpu.memref_squeeze %dma_wait3A_61 : memref<1x128x128xf32, #tpu.memory_space<hbm>> -> memref<128x128xf32, #tpu.memory_space<hbm>>
      %dma_wait3A_63 = arith.constant 0 : i32
      %dma_wait3A_64 = tpu.memref_slice %arg7[%arg0, %add3A_43, %dma_wait3A_63] : memref<2x10240x128xf32, #tpu.memory_space<hbm>> -> memref<1x128x128xf32, #tpu.memory_space<hbm>>
      %dma_wait3A_65 = tpu.memref_squeeze %dma_wait3A_64 : memref<1x128x128xf32, #tpu.memory_space<hbm>> -> memref<128x128xf32, #tpu.memory_space<hbm>>
      tpu.wait_dma2 semaphore(%run_scoped3A : memref<!tpu.dma_semaphore, #tpu.memory_space<semaphore_mem>>) src(%arg14 : memref<128x128xf32, #tpu.memory_space<vmem>>) dst(%dma_wait3A_65 : memref<128x128xf32, #tpu.memory_space<hbm>>)
      tpu.yield
    }) : () -> ()
    %add3A_44 = arith.constant 256 : i32
    %add3A_45 = arith.addi %mul3A_14, %add3A_44 : i32
    "tpu.region"() ({
      %run_scoped3A = tpu.sem_alloc : memref<!tpu.dma_semaphore, #tpu.memory_space<semaphore_mem>>
      %dma_start3A = arith.constant 0 : i32
      %dma_start3A_56 = tpu.memref_slice %arg16[%add3A_45, %dma_start3A] : memref<10240x128xf32, #tpu.memory_space<vmem_shared>> -> memref<128x128xf32, #tpu.memory_space<vmem_shared>>
      %dma_start3A_57 = arith.constant 0 : i32
      %dma_start3A_58 = tpu.memref_slice %arg16[%add3A_45, %dma_start3A_57] : memref<10240x128xf32, #tpu.memory_space<vmem_shared>> -> memref<128x128xf32, #tpu.memory_space<vmem_shared>>
      tpu.enqueue_dma source(%dma_start3A_58 : memref<128x128xf32, #tpu.memory_space<vmem_shared>>) target(%arg14 : memref<128x128xf32, #tpu.memory_space<vmem>>) target_semaphore(%run_scoped3A : memref<!tpu.dma_semaphore, #tpu.memory_space<semaphore_mem>>)
      %dma_wait3A = arith.constant 0 : i32
      %dma_wait3A_59 = tpu.memref_slice %arg16[%add3A_45, %dma_wait3A] : memref<10240x128xf32, #tpu.memory_space<vmem_shared>> -> memref<128x128xf32, #tpu.memory_space<vmem_shared>>
      %dma_wait3A_60 = arith.constant 0 : i32
      %dma_wait3A_61 = tpu.memref_slice %arg16[%add3A_45, %dma_wait3A_60] : memref<10240x128xf32, #tpu.memory_space<vmem_shared>> -> memref<128x128xf32, #tpu.memory_space<vmem_shared>>
      tpu.wait_dma2 semaphore(%run_scoped3A : memref<!tpu.dma_semaphore, #tpu.memory_space<semaphore_mem>>) src(%dma_wait3A_61 : memref<128x128xf32, #tpu.memory_space<vmem_shared>>) dst(%arg14 : memref<128x128xf32, #tpu.memory_space<vmem>>)
      tpu.yield
    }) : () -> ()
    %add3A_46 = arith.constant 256 : i32
    %add3A_47 = arith.addi %mul3A_14, %add3A_46 : i32
    "tpu.region"() ({
      %run_scoped3A = tpu.sem_alloc : memref<!tpu.dma_semaphore, #tpu.memory_space<semaphore_mem>>
      %dma_start3A = arith.constant 0 : i32
      %dma_start3A_56 = tpu.memref_slice %arg7[%arg0, %add3A_47, %dma_start3A] : memref<2x10240x128xf32, #tpu.memory_space<hbm>> -> memref<1x128x128xf32, #tpu.memory_space<hbm>>
      %dma_start3A_57 = tpu.memref_squeeze %dma_start3A_56 : memref<1x128x128xf32, #tpu.memory_space<hbm>> -> memref<128x128xf32, #tpu.memory_space<hbm>>
      %dma_start3A_58 = arith.constant 0 : i32
      %dma_start3A_59 = tpu.memref_slice %arg7[%arg0, %add3A_47, %dma_start3A_58] : memref<2x10240x128xf32, #tpu.memory_space<hbm>> -> memref<1x128x128xf32, #tpu.memory_space<hbm>>
      %dma_start3A_60 = tpu.memref_squeeze %dma_start3A_59 : memref<1x128x128xf32, #tpu.memory_space<hbm>> -> memref<128x128xf32, #tpu.memory_space<hbm>>
      tpu.enqueue_dma source(%arg14 : memref<128x128xf32, #tpu.memory_space<vmem>>) target(%dma_start3A_60 : memref<128x128xf32, #tpu.memory_space<hbm>>) target_semaphore(%run_scoped3A : memref<!tpu.dma_semaphore, #tpu.memory_space<semaphore_mem>>)
      %dma_wait3A = arith.constant 0 : i32
      %dma_wait3A_61 = tpu.memref_slice %arg7[%arg0, %add3A_47, %dma_wait3A] : memref<2x10240x128xf32, #tpu.memory_space<hbm>> -> memref<1x128x128xf32, #tpu.memory_space<hbm>>
      %dma_wait3A_62 = tpu.memref_squeeze %dma_wait3A_61 : memref<1x128x128xf32, #tpu.memory_space<hbm>> -> memref<128x128xf32, #tpu.memory_space<hbm>>
      %dma_wait3A_63 = arith.constant 0 : i32
      %dma_wait3A_64 = tpu.memref_slice %arg7[%arg0, %add3A_47, %dma_wait3A_63] : memref<2x10240x128xf32, #tpu.memory_space<hbm>> -> memref<1x128x128xf32, #tpu.memory_space<hbm>>
      %dma_wait3A_65 = tpu.memref_squeeze %dma_wait3A_64 : memref<1x128x128xf32, #tpu.memory_space<hbm>> -> memref<128x128xf32, #tpu.memory_space<hbm>>
      tpu.wait_dma2 semaphore(%run_scoped3A : memref<!tpu.dma_semaphore, #tpu.memory_space<semaphore_mem>>) src(%arg14 : memref<128x128xf32, #tpu.memory_space<vmem>>) dst(%dma_wait3A_65 : memref<128x128xf32, #tpu.memory_space<hbm>>)
      tpu.yield
    }) : () -> ()
    %add3A_48 = arith.constant 384 : i32
    %add3A_49 = arith.addi %mul3A_14, %add3A_48 : i32
    "tpu.region"() ({
      %run_scoped3A = tpu.sem_alloc : memref<!tpu.dma_semaphore, #tpu.memory_space<semaphore_mem>>
      %dma_start3A = arith.constant 0 : i32
      %dma_start3A_56 = tpu.memref_slice %arg16[%add3A_49, %dma_start3A] : memref<10240x128xf32, #tpu.memory_space<vmem_shared>> -> memref<128x128xf32, #tpu.memory_space<vmem_shared>>
      %dma_start3A_57 = arith.constant 0 : i32
      %dma_start3A_58 = tpu.memref_slice %arg16[%add3A_49, %dma_start3A_57] : memref<10240x128xf32, #tpu.memory_space<vmem_shared>> -> memref<128x128xf32, #tpu.memory_space<vmem_shared>>
      tpu.enqueue_dma source(%dma_start3A_58 : memref<128x128xf32, #tpu.memory_space<vmem_shared>>) target(%arg14 : memref<128x128xf32, #tpu.memory_space<vmem>>) target_semaphore(%run_scoped3A : memref<!tpu.dma_semaphore, #tpu.memory_space<semaphore_mem>>)
      %dma_wait3A = arith.constant 0 : i32
      %dma_wait3A_59 = tpu.memref_slice %arg16[%add3A_49, %dma_wait3A] : memref<10240x128xf32, #tpu.memory_space<vmem_shared>> -> memref<128x128xf32, #tpu.memory_space<vmem_shared>>
      %dma_wait3A_60 = arith.constant 0 : i32
      %dma_wait3A_61 = tpu.memref_slice %arg16[%add3A_49, %dma_wait3A_60] : memref<10240x128xf32, #tpu.memory_space<vmem_shared>> -> memref<128x128xf32, #tpu.memory_space<vmem_shared>>
      tpu.wait_dma2 semaphore(%run_scoped3A : memref<!tpu.dma_semaphore, #tpu.memory_space<semaphore_mem>>) src(%dma_wait3A_61 : memref<128x128xf32, #tpu.memory_space<vmem_shared>>) dst(%arg14 : memref<128x128xf32, #tpu.memory_space<vmem>>)
      tpu.yield
    }) : () -> ()
    %add3A_50 = arith.constant 384 : i32
    %add3A_51 = arith.addi %mul3A_14, %add3A_50 : i32
    "tpu.region"() ({
      %run_scoped3A = tpu.sem_alloc : memref<!tpu.dma_semaphore, #tpu.memory_space<semaphore_mem>>
      %dma_start3A = arith.constant 0 : i32
      %dma_start3A_56 = tpu.memref_slice %arg7[%arg0, %add3A_51, %dma_start3A] : memref<2x10240x128xf32, #tpu.memory_space<hbm>> -> memref<1x128x128xf32, #tpu.memory_space<hbm>>
      %dma_start3A_57 = tpu.memref_squeeze %dma_start3A_56 : memref<1x128x128xf32, #tpu.memory_space<hbm>> -> memref<128x128xf32, #tpu.memory_space<hbm>>
      %dma_start3A_58 = arith.constant 0 : i32
      %dma_start3A_59 = tpu.memref_slice %arg7[%arg0, %add3A_51, %dma_start3A_58] : memref<2x10240x128xf32, #tpu.memory_space<hbm>> -> memref<1x128x128xf32, #tpu.memory_space<hbm>>
      %dma_start3A_60 = tpu.memref_squeeze %dma_start3A_59 : memref<1x128x128xf32, #tpu.memory_space<hbm>> -> memref<128x128xf32, #tpu.memory_space<hbm>>
      tpu.enqueue_dma source(%arg14 : memref<128x128xf32, #tpu.memory_space<vmem>>) target(%dma_start3A_60 : memref<128x128xf32, #tpu.memory_space<hbm>>) target_semaphore(%run_scoped3A : memref<!tpu.dma_semaphore, #tpu.memory_space<semaphore_mem>>)
      %dma_wait3A = arith.constant 0 : i32
      %dma_wait3A_61 = tpu.memref_slice %arg7[%arg0, %add3A_51, %dma_wait3A] : memref<2x10240x128xf32, #tpu.memory_space<hbm>> -> memref<1x128x128xf32, #tpu.memory_space<hbm>>
      %dma_wait3A_62 = tpu.memref_squeeze %dma_wait3A_61 : memref<1x128x128xf32, #tpu.memory_space<hbm>> -> memref<128x128xf32, #tpu.memory_space<hbm>>
      %dma_wait3A_63 = arith.constant 0 : i32
      %dma_wait3A_64 = tpu.memref_slice %arg7[%arg0, %add3A_51, %dma_wait3A_63] : memref<2x10240x128xf32, #tpu.memory_space<hbm>> -> memref<1x128x128xf32, #tpu.memory_space<hbm>>
      %dma_wait3A_65 = tpu.memref_squeeze %dma_wait3A_64 : memref<1x128x128xf32, #tpu.memory_space<hbm>> -> memref<128x128xf32, #tpu.memory_space<hbm>>
      tpu.wait_dma2 semaphore(%run_scoped3A : memref<!tpu.dma_semaphore, #tpu.memory_space<semaphore_mem>>) src(%arg14 : memref<128x128xf32, #tpu.memory_space<vmem>>) dst(%dma_wait3A_65 : memref<128x128xf32, #tpu.memory_space<hbm>>)
      tpu.yield
    }) : () -> ()
    %add3A_52 = arith.constant 512 : i32
    %add3A_53 = arith.addi %mul3A_14, %add3A_52 : i32
    "tpu.region"() ({
      %run_scoped3A = tpu.sem_alloc : memref<!tpu.dma_semaphore, #tpu.memory_space<semaphore_mem>>
      %dma_start3A = arith.constant 0 : i32
      %dma_start3A_56 = tpu.memref_slice %arg16[%add3A_53, %dma_start3A] : memref<10240x128xf32, #tpu.memory_space<vmem_shared>> -> memref<128x128xf32, #tpu.memory_space<vmem_shared>>
      %dma_start3A_57 = arith.constant 0 : i32
      %dma_start3A_58 = tpu.memref_slice %arg16[%add3A_53, %dma_start3A_57] : memref<10240x128xf32, #tpu.memory_space<vmem_shared>> -> memref<128x128xf32, #tpu.memory_space<vmem_shared>>
      tpu.enqueue_dma source(%dma_start3A_58 : memref<128x128xf32, #tpu.memory_space<vmem_shared>>) target(%arg14 : memref<128x128xf32, #tpu.memory_space<vmem>>) target_semaphore(%run_scoped3A : memref<!tpu.dma_semaphore, #tpu.memory_space<semaphore_mem>>)
      %dma_wait3A = arith.constant 0 : i32
      %dma_wait3A_59 = tpu.memref_slice %arg16[%add3A_53, %dma_wait3A] : memref<10240x128xf32, #tpu.memory_space<vmem_shared>> -> memref<128x128xf32, #tpu.memory_space<vmem_shared>>
      %dma_wait3A_60 = arith.constant 0 : i32
      %dma_wait3A_61 = tpu.memref_slice %arg16[%add3A_53, %dma_wait3A_60] : memref<10240x128xf32, #tpu.memory_space<vmem_shared>> -> memref<128x128xf32, #tpu.memory_space<vmem_shared>>
      tpu.wait_dma2 semaphore(%run_scoped3A : memref<!tpu.dma_semaphore, #tpu.memory_space<semaphore_mem>>) src(%dma_wait3A_61 : memref<128x128xf32, #tpu.memory_space<vmem_shared>>) dst(%arg14 : memref<128x128xf32, #tpu.memory_space<vmem>>)
      tpu.yield
    }) : () -> ()
    %add3A_54 = arith.constant 512 : i32
    %add3A_55 = arith.addi %mul3A_14, %add3A_54 : i32
    "tpu.region"() ({
      %run_scoped3A = tpu.sem_alloc : memref<!tpu.dma_semaphore, #tpu.memory_space<semaphore_mem>>
      %dma_start3A = arith.constant 0 : i32
      %dma_start3A_56 = tpu.memref_slice %arg7[%arg0, %add3A_55, %dma_start3A] : memref<2x10240x128xf32, #tpu.memory_space<hbm>> -> memref<1x128x128xf32, #tpu.memory_space<hbm>>
      %dma_start3A_57 = tpu.memref_squeeze %dma_start3A_56 : memref<1x128x128xf32, #tpu.memory_space<hbm>> -> memref<128x128xf32, #tpu.memory_space<hbm>>
      %dma_start3A_58 = arith.constant 0 : i32
      %dma_start3A_59 = tpu.memref_slice %arg7[%arg0, %add3A_55, %dma_start3A_58] : memref<2x10240x128xf32, #tpu.memory_space<hbm>> -> memref<1x128x128xf32, #tpu.memory_space<hbm>>
      %dma_start3A_60 = tpu.memref_squeeze %dma_start3A_59 : memref<1x128x128xf32, #tpu.memory_space<hbm>> -> memref<128x128xf32, #tpu.memory_space<hbm>>
      tpu.enqueue_dma source(%arg14 : memref<128x128xf32, #tpu.memory_space<vmem>>) target(%dma_start3A_60 : memref<128x128xf32, #tpu.memory_space<hbm>>) target_semaphore(%run_scoped3A : memref<!tpu.dma_semaphore, #tpu.memory_space<semaphore_mem>>)
      %dma_wait3A = arith.constant 0 : i32
      %dma_wait3A_61 = tpu.memref_slice %arg7[%arg0, %add3A_55, %dma_wait3A] : memref<2x10240x128xf32, #tpu.memory_space<hbm>> -> memref<1x128x128xf32, #tpu.memory_space<hbm>>
      %dma_wait3A_62 = tpu.memref_squeeze %dma_wait3A_61 : memref<1x128x128xf32, #tpu.memory_space<hbm>> -> memref<128x128xf32, #tpu.memory_space<hbm>>
      %dma_wait3A_63 = arith.constant 0 : i32
      %dma_wait3A_64 = tpu.memref_slice %arg7[%arg0, %add3A_55, %dma_wait3A_63] : memref<2x10240x128xf32, #tpu.memory_space<hbm>> -> memref<1x128x128xf32, #tpu.memory_space<hbm>>
      %dma_wait3A_65 = tpu.memref_squeeze %dma_wait3A_64 : memref<1x128x128xf32, #tpu.memory_space<hbm>> -> memref<128x128xf32, #tpu.memory_space<hbm>>
      tpu.wait_dma2 semaphore(%run_scoped3A : memref<!tpu.dma_semaphore, #tpu.memory_space<semaphore_mem>>) src(%arg14 : memref<128x128xf32, #tpu.memory_space<vmem>>) dst(%dma_wait3A_65 : memref<128x128xf32, #tpu.memory_space<hbm>>)
      tpu.yield
    }) : () -> ()
    "tpu.region"() ({
      %run_scoped3A = tpu.sem_alloc : memref<!tpu.dma_semaphore, #tpu.memory_space<semaphore_mem>>
      %dma_start3A = tpu.memref_slice %arg17[%mul3A_14] : memref<10240xf32, #tpu.memory_space<vmem_shared>> -> memref<640xf32, #tpu.memory_space<vmem_shared>>
      %dma_start3A_56 = tpu.memref_slice %arg17[%mul3A_14] : memref<10240xf32, #tpu.memory_space<vmem_shared>> -> memref<640xf32, #tpu.memory_space<vmem_shared>>
      tpu.enqueue_dma source(%dma_start3A_56 : memref<640xf32, #tpu.memory_space<vmem_shared>>) target(%arg15 : memref<640xf32, #tpu.memory_space<vmem>>) target_semaphore(%run_scoped3A : memref<!tpu.dma_semaphore, #tpu.memory_space<semaphore_mem>>)
      %dma_wait3A = tpu.memref_slice %arg17[%mul3A_14] : memref<10240xf32, #tpu.memory_space<vmem_shared>> -> memref<640xf32, #tpu.memory_space<vmem_shared>>
      %dma_wait3A_57 = tpu.memref_slice %arg17[%mul3A_14] : memref<10240xf32, #tpu.memory_space<vmem_shared>> -> memref<640xf32, #tpu.memory_space<vmem_shared>>
      tpu.wait_dma2 semaphore(%run_scoped3A : memref<!tpu.dma_semaphore, #tpu.memory_space<semaphore_mem>>) src(%dma_wait3A_57 : memref<640xf32, #tpu.memory_space<vmem_shared>>) dst(%arg15 : memref<640xf32, #tpu.memory_space<vmem>>)
      tpu.yield
    }) : () -> ()
    "tpu.region"() ({
      %run_scoped3A = tpu.sem_alloc : memref<!tpu.dma_semaphore, #tpu.memory_space<semaphore_mem>>
      %dma_start3A = tpu.memref_slice %arg8[%arg0, %mul3A_14] : memref<2x10240xf32, #tpu.memory_space<hbm>> -> memref<1x640xf32, #tpu.memory_space<hbm>>
      %dma_start3A_56 = tpu.memref_squeeze %dma_start3A : memref<1x640xf32, #tpu.memory_space<hbm>> -> memref<640xf32, #tpu.memory_space<hbm>>
      %dma_start3A_57 = tpu.memref_slice %arg8[%arg0, %mul3A_14] : memref<2x10240xf32, #tpu.memory_space<hbm>> -> memref<1x640xf32, #tpu.memory_space<hbm>>
      %dma_start3A_58 = tpu.memref_squeeze %dma_start3A_57 : memref<1x640xf32, #tpu.memory_space<hbm>> -> memref<640xf32, #tpu.memory_space<hbm>>
      tpu.enqueue_dma source(%arg15 : memref<640xf32, #tpu.memory_space<vmem>>) target(%dma_start3A_58 : memref<640xf32, #tpu.memory_space<hbm>>) target_semaphore(%run_scoped3A : memref<!tpu.dma_semaphore, #tpu.memory_space<semaphore_mem>>)
      %dma_wait3A = tpu.memref_slice %arg8[%arg0, %mul3A_14] : memref<2x10240xf32, #tpu.memory_space<hbm>> -> memref<1x640xf32, #tpu.memory_space<hbm>>
      %dma_wait3A_59 = tpu.memref_squeeze %dma_wait3A : memref<1x640xf32, #tpu.memory_space<hbm>> -> memref<640xf32, #tpu.memory_space<hbm>>
      %dma_wait3A_60 = tpu.memref_slice %arg8[%arg0, %mul3A_14] : memref<2x10240xf32, #tpu.memory_space<hbm>> -> memref<1x640xf32, #tpu.memory_space<hbm>>
      %dma_wait3A_61 = tpu.memref_squeeze %dma_wait3A_60 : memref<1x640xf32, #tpu.memory_space<hbm>> -> memref<640xf32, #tpu.memory_space<hbm>>
      tpu.wait_dma2 semaphore(%run_scoped3A : memref<!tpu.dma_semaphore, #tpu.memory_space<semaphore_mem>>) src(%arg15 : memref<640xf32, #tpu.memory_space<vmem>>) dst(%dma_wait3A_61 : memref<640xf32, #tpu.memory_space<hbm>>)
      tpu.yield
    }) : () -> ()
    return
  }
}

#map = affine_map<(d0, d1) -> (0, 0)>
#map1 = affine_map<(d0, d1) -> (0)>
#map2 = affine_map<(d0, d1) -> (0, 0, 0)>
module attributes {stable_mosaic.version = 14 : i64} {
  func.func @_sc_edge_body(%arg0: i32, %arg1: i32, %arg2: memref<10240x128xf32, #tpu.memory_space<hbm>>, %arg3: memref<10240xf32, #tpu.memory_space<hbm>>, %arg4: memref<10240xf32, #tpu.memory_space<hbm>>, %arg5: memref<2560x128xi32, #tpu.memory_space<hbm>>, %arg6: memref<2560x128xi32, #tpu.memory_space<hbm>>, %arg7: memref<2x10240x128xf32, #tpu.memory_space<hbm>>, %arg8: memref<2x10240xf32, #tpu.memory_space<hbm>>, %arg9: memref<80x128xi32, #tpu.memory_space<vmem>>, %arg10: memref<80x128xi32, #tpu.memory_space<vmem>>, %arg11: memref<128xf32, #tpu.memory_space<vmem>>, %arg12: memref<128xf32, #tpu.memory_space<vmem>>, %arg13: memref<128xf32, #tpu.memory_space<vmem>>, %arg14: memref<128x128xf32, #tpu.memory_space<vmem>>, %arg15: memref<640xf32, #tpu.memory_space<vmem>>, %arg16: memref<10240x128xf32, #tpu.memory_space<vmem_shared>>, %arg17: memref<10240xf32, #tpu.memory_space<vmem_shared>>, %arg18: memref<!tpu.dma_semaphore, #tpu.memory_space<semaphore_mem>>, %arg19: memref<!tpu.dma_semaphore, #tpu.memory_space<semaphore_mem>>) attributes {dimension_semantics = [#tpu.dimension_semantics<core_parallel>, #tpu.dimension_semantics<subcore_parallel>], iteration_bounds = array<i64: 2, 16>, scalar_prefetch = 0 : i64, scratch_operands = 11 : i64, tpu.core_type = #tpu.core_type<sc_vector_subcore>, window_params = [{transform_indices = #map}, {transform_indices = #map1}, {transform_indices = #map1}, {transform_indices = #map}, {transform_indices = #map}, {transform_indices = #map2}, {transform_indices = #map}]} {
    %mul3A = arith.constant 16 : i32
    %mul3A_0 = arith.muli %arg0, %mul3A : i32
    %add3A = arith.addi %mul3A_0, %arg1 : i32
    %broadcast_in_dim3A = arith.constant 0.000000e+00 : f32
    %broadcast_in_dim3A_1 = vector.broadcast %broadcast_in_dim3A : f32 to vector<16xf32>
    %scan3A = arith.constant 0 : i32
    %scan3A_2 = arith.constant 0 : i32
    %scan3A_3 = arith.constant 128 : i32
    %scan3A_4 = arith.addi %scan3A_2, %scan3A_3 : i32
    %scan3A_5 = arith.constant 1 : i32
    scf.for %scan3A_56 = %scan3A_2 to %scan3A_4 step %scan3A_5  : i32 {
      %swap3A = arith.index_cast %scan3A_56 : i32 to index
      %swap3A_57 = arith.constant 0 : index
      %swap3A_58 = tpu.vector_load %arg14[%swap3A, %swap3A_57] {strides = array<i32>} : memref<128x128xf32, #tpu.memory_space<vmem>>, vector<16xf32>,
      tpu.vector_store %arg14[%swap3A, %swap3A_57], %broadcast_in_dim3A_1 {strides = array<i32>} : memref<128x128xf32, #tpu.memory_space<vmem>>, vector<16xf32>,
      %swap3A_59 = arith.index_cast %scan3A_56 : i32 to index
      %swap3A_60 = arith.constant 16 : index
      %swap3A_61 = tpu.vector_load %arg14[%swap3A_59, %swap3A_60] {strides = array<i32>} : memref<128x128xf32, #tpu.memory_space<vmem>>, vector<16xf32>,
      tpu.vector_store %arg14[%swap3A_59, %swap3A_60], %broadcast_in_dim3A_1 {strides = array<i32>} : memref<128x128xf32, #tpu.memory_space<vmem>>, vector<16xf32>,
      %swap3A_62 = arith.index_cast %scan3A_56 : i32 to index
      %swap3A_63 = arith.constant 32 : index
      %swap3A_64 = tpu.vector_load %arg14[%swap3A_62, %swap3A_63] {strides = array<i32>} : memref<128x128xf32, #tpu.memory_space<vmem>>, vector<16xf32>,
      tpu.vector_store %arg14[%swap3A_62, %swap3A_63], %broadcast_in_dim3A_1 {strides = array<i32>} : memref<128x128xf32, #tpu.memory_space<vmem>>, vector<16xf32>,
      %swap3A_65 = arith.index_cast %scan3A_56 : i32 to index
      %swap3A_66 = arith.constant 48 : index
      %swap3A_67 = tpu.vector_load %arg14[%swap3A_65, %swap3A_66] {strides = array<i32>} : memref<128x128xf32, #tpu.memory_space<vmem>>, vector<16xf32>,
      tpu.vector_store %arg14[%swap3A_65, %swap3A_66], %broadcast_in_dim3A_1 {strides = array<i32>} : memref<128x128xf32, #tpu.memory_space<vmem>>, vector<16xf32>,
      %swap3A_68 = arith.index_cast %scan3A_56 : i32 to index
      %swap3A_69 = arith.constant 64 : index
      %swap3A_70 = tpu.vector_load %arg14[%swap3A_68, %swap3A_69] {strides = array<i32>} : memref<128x128xf32, #tpu.memory_space<vmem>>, vector<16xf32>,
      tpu.vector_store %arg14[%swap3A_68, %swap3A_69], %broadcast_in_dim3A_1 {strides = array<i32>} : memref<128x128xf32, #tpu.memory_space<vmem>>, vector<16xf32>,
      %swap3A_71 = arith.index_cast %scan3A_56 : i32 to index
      %swap3A_72 = arith.constant 80 : index
      %swap3A_73 = tpu.vector_load %arg14[%swap3A_71, %swap3A_72] {strides = array<i32>} : memref<128x128xf32, #tpu.memory_space<vmem>>, vector<16xf32>,
      tpu.vector_store %arg14[%swap3A_71, %swap3A_72], %broadcast_in_dim3A_1 {strides = array<i32>} : memref<128x128xf32, #tpu.memory_space<vmem>>, vector<16xf32>,
      %swap3A_74 = arith.index_cast %scan3A_56 : i32 to index
      %swap3A_75 = arith.constant 96 : index
      %swap3A_76 = tpu.vector_load %arg14[%swap3A_74, %swap3A_75] {strides = array<i32>} : memref<128x128xf32, #tpu.memory_space<vmem>>, vector<16xf32>,
      tpu.vector_store %arg14[%swap3A_74, %swap3A_75], %broadcast_in_dim3A_1 {strides = array<i32>} : memref<128x128xf32, #tpu.memory_space<vmem>>, vector<16xf32>,
      %swap3A_77 = arith.index_cast %scan3A_56 : i32 to index
      %swap3A_78 = arith.constant 112 : index
      %swap3A_79 = tpu.vector_load %arg14[%swap3A_77, %swap3A_78] {strides = array<i32>} : memref<128x128xf32, #tpu.memory_space<vmem>>, vector<16xf32>,
      tpu.vector_store %arg14[%swap3A_77, %swap3A_78], %broadcast_in_dim3A_1 {strides = array<i32>} : memref<128x128xf32, #tpu.memory_space<vmem>>, vector<16xf32>,
    }
    %scan3A_6 = arith.constant 128 : i32
    %scan3A_7 = arith.constant 0 : i32
    %scan3A_8 = arith.constant 0 : i32
    %scan3A_9 = arith.constant 40 : i32
    %scan3A_10 = arith.addi %scan3A_8, %scan3A_9 : i32
    %scan3A_11 = arith.constant 1 : i32
    scf.for %scan3A_56 = %scan3A_8 to %scan3A_10 step %scan3A_11  : i32 {
      %mul3A_57 = arith.constant 16 : i32
      %mul3A_58 = arith.muli %scan3A_56, %mul3A_57 : i32
      %swap3A = arith.index_cast %mul3A_58 : i32 to index
      %swap3A_59 = tpu.vector_load %arg15[%swap3A] {strides = array<i32>} : memref<640xf32, #tpu.memory_space<vmem>>, vector<16xf32>,
      tpu.vector_store %arg15[%swap3A], %broadcast_in_dim3A_1 {strides = array<i32>} : memref<640xf32, #tpu.memory_space<vmem>>, vector<16xf32>,
    }
    %scan3A_12 = arith.constant 40 : i32
    %mul3A_13 = arith.constant 640 : i32
    %mul3A_14 = arith.muli %arg1, %mul3A_13 : i32
    "tpu.region"() ({
      %run_scoped3A = tpu.sem_alloc : memref<!tpu.dma_semaphore, #tpu.memory_space<semaphore_mem>>
      %dma_start3A = tpu.memref_slice %arg17[%mul3A_14] : memref<10240xf32, #tpu.memory_space<vmem_shared>> -> memref<640xf32, #tpu.memory_space<vmem_shared>>
      %dma_start3A_56 = tpu.memref_slice %arg17[%mul3A_14] : memref<10240xf32, #tpu.memory_space<vmem_shared>> -> memref<640xf32, #tpu.memory_space<vmem_shared>>
      tpu.enqueue_dma source(%arg15 : memref<640xf32, #tpu.memory_space<vmem>>) target(%dma_start3A_56 : memref<640xf32, #tpu.memory_space<vmem_shared>>) target_semaphore(%run_scoped3A : memref<!tpu.dma_semaphore, #tpu.memory_space<semaphore_mem>>)
      %dma_wait3A = tpu.memref_slice %arg17[%mul3A_14] : memref<10240xf32, #tpu.memory_space<vmem_shared>> -> memref<640xf32, #tpu.memory_space<vmem_shared>>
      %dma_wait3A_57 = tpu.memref_slice %arg17[%mul3A_14] : memref<10240xf32, #tpu.memory_space<vmem_shared>> -> memref<640xf32, #tpu.memory_space<vmem_shared>>
      tpu.wait_dma2 semaphore(%run_scoped3A : memref<!tpu.dma_semaphore, #tpu.memory_space<semaphore_mem>>) src(%arg15 : memref<640xf32, #tpu.memory_space<vmem>>) dst(%dma_wait3A_57 : memref<640xf32, #tpu.memory_space<vmem_shared>>)
      tpu.yield
    }) : () -> ()
    %add3A_15 = arith.constant 0 : i32
    %add3A_16 = arith.addi %mul3A_14, %add3A_15 : i32
    "tpu.region"() ({
      %run_scoped3A = tpu.sem_alloc : memref<!tpu.dma_semaphore, #tpu.memory_space<semaphore_mem>>
      %dma_start3A = arith.constant 0 : i32
      %dma_start3A_56 = tpu.memref_slice %arg16[%add3A_16, %dma_start3A] : memref<10240x128xf32, #tpu.memory_space<vmem_shared>> -> memref<128x128xf32, #tpu.memory_space<vmem_shared>>
      %dma_start3A_57 = arith.constant 0 : i32
      %dma_start3A_58 = tpu.memref_slice %arg16[%add3A_16, %dma_start3A_57] : memref<10240x128xf32, #tpu.memory_space<vmem_shared>> -> memref<128x128xf32, #tpu.memory_space<vmem_shared>>
      tpu.enqueue_dma source(%arg14 : memref<128x128xf32, #tpu.memory_space<vmem>>) target(%dma_start3A_58 : memref<128x128xf32, #tpu.memory_space<vmem_shared>>) target_semaphore(%run_scoped3A : memref<!tpu.dma_semaphore, #tpu.memory_space<semaphore_mem>>)
      %dma_wait3A = arith.constant 0 : i32
      %dma_wait3A_59 = tpu.memref_slice %arg16[%add3A_16, %dma_wait3A] : memref<10240x128xf32, #tpu.memory_space<vmem_shared>> -> memref<128x128xf32, #tpu.memory_space<vmem_shared>>
      %dma_wait3A_60 = arith.constant 0 : i32
      %dma_wait3A_61 = tpu.memref_slice %arg16[%add3A_16, %dma_wait3A_60] : memref<10240x128xf32, #tpu.memory_space<vmem_shared>> -> memref<128x128xf32, #tpu.memory_space<vmem_shared>>
      tpu.wait_dma2 semaphore(%run_scoped3A : memref<!tpu.dma_semaphore, #tpu.memory_space<semaphore_mem>>) src(%arg14 : memref<128x128xf32, #tpu.memory_space<vmem>>) dst(%dma_wait3A_61 : memref<128x128xf32, #tpu.memory_space<vmem_shared>>)
      tpu.yield
    }) : () -> ()
    %add3A_17 = arith.constant 128 : i32
    %add3A_18 = arith.addi %mul3A_14, %add3A_17 : i32
    "tpu.region"() ({
      %run_scoped3A = tpu.sem_alloc : memref<!tpu.dma_semaphore, #tpu.memory_space<semaphore_mem>>
      %dma_start3A = arith.constant 0 : i32
      %dma_start3A_56 = tpu.memref_slice %arg16[%add3A_18, %dma_start3A] : memref<10240x128xf32, #tpu.memory_space<vmem_shared>> -> memref<128x128xf32, #tpu.memory_space<vmem_shared>>
      %dma_start3A_57 = arith.constant 0 : i32
      %dma_start3A_58 = tpu.memref_slice %arg16[%add3A_18, %dma_start3A_57] : memref<10240x128xf32, #tpu.memory_space<vmem_shared>> -> memref<128x128xf32, #tpu.memory_space<vmem_shared>>
      tpu.enqueue_dma source(%arg14 : memref<128x128xf32, #tpu.memory_space<vmem>>) target(%dma_start3A_58 : memref<128x128xf32, #tpu.memory_space<vmem_shared>>) target_semaphore(%run_scoped3A : memref<!tpu.dma_semaphore, #tpu.memory_space<semaphore_mem>>)
      %dma_wait3A = arith.constant 0 : i32
      %dma_wait3A_59 = tpu.memref_slice %arg16[%add3A_18, %dma_wait3A] : memref<10240x128xf32, #tpu.memory_space<vmem_shared>> -> memref<128x128xf32, #tpu.memory_space<vmem_shared>>
      %dma_wait3A_60 = arith.constant 0 : i32
      %dma_wait3A_61 = tpu.memref_slice %arg16[%add3A_18, %dma_wait3A_60] : memref<10240x128xf32, #tpu.memory_space<vmem_shared>> -> memref<128x128xf32, #tpu.memory_space<vmem_shared>>
      tpu.wait_dma2 semaphore(%run_scoped3A : memref<!tpu.dma_semaphore, #tpu.memory_space<semaphore_mem>>) src(%arg14 : memref<128x128xf32, #tpu.memory_space<vmem>>) dst(%dma_wait3A_61 : memref<128x128xf32, #tpu.memory_space<vmem_shared>>)
      tpu.yield
    }) : () -> ()
    %add3A_19 = arith.constant 256 : i32
    %add3A_20 = arith.addi %mul3A_14, %add3A_19 : i32
    "tpu.region"() ({
      %run_scoped3A = tpu.sem_alloc : memref<!tpu.dma_semaphore, #tpu.memory_space<semaphore_mem>>
      %dma_start3A = arith.constant 0 : i32
      %dma_start3A_56 = tpu.memref_slice %arg16[%add3A_20, %dma_start3A] : memref<10240x128xf32, #tpu.memory_space<vmem_shared>> -> memref<128x128xf32, #tpu.memory_space<vmem_shared>>
      %dma_start3A_57 = arith.constant 0 : i32
      %dma_start3A_58 = tpu.memref_slice %arg16[%add3A_20, %dma_start3A_57] : memref<10240x128xf32, #tpu.memory_space<vmem_shared>> -> memref<128x128xf32, #tpu.memory_space<vmem_shared>>
      tpu.enqueue_dma source(%arg14 : memref<128x128xf32, #tpu.memory_space<vmem>>) target(%dma_start3A_58 : memref<128x128xf32, #tpu.memory_space<vmem_shared>>) target_semaphore(%run_scoped3A : memref<!tpu.dma_semaphore, #tpu.memory_space<semaphore_mem>>)
      %dma_wait3A = arith.constant 0 : i32
      %dma_wait3A_59 = tpu.memref_slice %arg16[%add3A_20, %dma_wait3A] : memref<10240x128xf32, #tpu.memory_space<vmem_shared>> -> memref<128x128xf32, #tpu.memory_space<vmem_shared>>
      %dma_wait3A_60 = arith.constant 0 : i32
      %dma_wait3A_61 = tpu.memref_slice %arg16[%add3A_20, %dma_wait3A_60] : memref<10240x128xf32, #tpu.memory_space<vmem_shared>> -> memref<128x128xf32, #tpu.memory_space<vmem_shared>>
      tpu.wait_dma2 semaphore(%run_scoped3A : memref<!tpu.dma_semaphore, #tpu.memory_space<semaphore_mem>>) src(%arg14 : memref<128x128xf32, #tpu.memory_space<vmem>>) dst(%dma_wait3A_61 : memref<128x128xf32, #tpu.memory_space<vmem_shared>>)
      tpu.yield
    }) : () -> ()
    %add3A_21 = arith.constant 384 : i32
    %add3A_22 = arith.addi %mul3A_14, %add3A_21 : i32
    "tpu.region"() ({
      %run_scoped3A = tpu.sem_alloc : memref<!tpu.dma_semaphore, #tpu.memory_space<semaphore_mem>>
      %dma_start3A = arith.constant 0 : i32
      %dma_start3A_56 = tpu.memref_slice %arg16[%add3A_22, %dma_start3A] : memref<10240x128xf32, #tpu.memory_space<vmem_shared>> -> memref<128x128xf32, #tpu.memory_space<vmem_shared>>
      %dma_start3A_57 = arith.constant 0 : i32
      %dma_start3A_58 = tpu.memref_slice %arg16[%add3A_22, %dma_start3A_57] : memref<10240x128xf32, #tpu.memory_space<vmem_shared>> -> memref<128x128xf32, #tpu.memory_space<vmem_shared>>
      tpu.enqueue_dma source(%arg14 : memref<128x128xf32, #tpu.memory_space<vmem>>) target(%dma_start3A_58 : memref<128x128xf32, #tpu.memory_space<vmem_shared>>) target_semaphore(%run_scoped3A : memref<!tpu.dma_semaphore, #tpu.memory_space<semaphore_mem>>)
      %dma_wait3A = arith.constant 0 : i32
      %dma_wait3A_59 = tpu.memref_slice %arg16[%add3A_22, %dma_wait3A] : memref<10240x128xf32, #tpu.memory_space<vmem_shared>> -> memref<128x128xf32, #tpu.memory_space<vmem_shared>>
      %dma_wait3A_60 = arith.constant 0 : i32
      %dma_wait3A_61 = tpu.memref_slice %arg16[%add3A_22, %dma_wait3A_60] : memref<10240x128xf32, #tpu.memory_space<vmem_shared>> -> memref<128x128xf32, #tpu.memory_space<vmem_shared>>
      tpu.wait_dma2 semaphore(%run_scoped3A : memref<!tpu.dma_semaphore, #tpu.memory_space<semaphore_mem>>) src(%arg14 : memref<128x128xf32, #tpu.memory_space<vmem>>) dst(%dma_wait3A_61 : memref<128x128xf32, #tpu.memory_space<vmem_shared>>)
      tpu.yield
    }) : () -> ()
    %add3A_23 = arith.constant 512 : i32
    %add3A_24 = arith.addi %mul3A_14, %add3A_23 : i32
    "tpu.region"() ({
      %run_scoped3A = tpu.sem_alloc : memref<!tpu.dma_semaphore, #tpu.memory_space<semaphore_mem>>
      %dma_start3A = arith.constant 0 : i32
      %dma_start3A_56 = tpu.memref_slice %arg16[%add3A_24, %dma_start3A] : memref<10240x128xf32, #tpu.memory_space<vmem_shared>> -> memref<128x128xf32, #tpu.memory_space<vmem_shared>>
      %dma_start3A_57 = arith.constant 0 : i32
      %dma_start3A_58 = tpu.memref_slice %arg16[%add3A_24, %dma_start3A_57] : memref<10240x128xf32, #tpu.memory_space<vmem_shared>> -> memref<128x128xf32, #tpu.memory_space<vmem_shared>>
      tpu.enqueue_dma source(%arg14 : memref<128x128xf32, #tpu.memory_space<vmem>>) target(%dma_start3A_58 : memref<128x128xf32, #tpu.memory_space<vmem_shared>>) target_semaphore(%run_scoped3A : memref<!tpu.dma_semaphore, #tpu.memory_space<semaphore_mem>>)
      %dma_wait3A = arith.constant 0 : i32
      %dma_wait3A_59 = tpu.memref_slice %arg16[%add3A_24, %dma_wait3A] : memref<10240x128xf32, #tpu.memory_space<vmem_shared>> -> memref<128x128xf32, #tpu.memory_space<vmem_shared>>
      %dma_wait3A_60 = arith.constant 0 : i32
      %dma_wait3A_61 = tpu.memref_slice %arg16[%add3A_24, %dma_wait3A_60] : memref<10240x128xf32, #tpu.memory_space<vmem_shared>> -> memref<128x128xf32, #tpu.memory_space<vmem_shared>>
      tpu.wait_dma2 semaphore(%run_scoped3A : memref<!tpu.dma_semaphore, #tpu.memory_space<semaphore_mem>>) src(%arg14 : memref<128x128xf32, #tpu.memory_space<vmem>>) dst(%dma_wait3A_61 : memref<128x128xf32, #tpu.memory_space<vmem_shared>>)
      tpu.yield
    }) : () -> ()
    %mul3A_25 = arith.constant 80 : i32
    %mul3A_26 = arith.muli %add3A, %mul3A_25 : i32
    "tpu.region"() ({
      %run_scoped3A = tpu.sem_alloc : memref<!tpu.dma_semaphore, #tpu.memory_space<semaphore_mem>>
      %dma_start3A = arith.constant 0 : i32
      %dma_start3A_56 = tpu.memref_slice %arg5[%mul3A_26, %dma_start3A] : memref<2560x128xi32, #tpu.memory_space<hbm>> -> memref<80x128xi32, #tpu.memory_space<hbm>>
      %dma_start3A_57 = arith.constant 0 : i32
      %dma_start3A_58 = tpu.memref_slice %arg5[%mul3A_26, %dma_start3A_57] : memref<2560x128xi32, #tpu.memory_space<hbm>> -> memref<80x128xi32, #tpu.memory_space<hbm>>
      tpu.enqueue_dma source(%dma_start3A_58 : memref<80x128xi32, #tpu.memory_space<hbm>>) target(%arg9 : memref<80x128xi32, #tpu.memory_space<vmem>>) target_semaphore(%run_scoped3A : memref<!tpu.dma_semaphore, #tpu.memory_space<semaphore_mem>>)
      %dma_wait3A = arith.constant 0 : i32
      %dma_wait3A_59 = tpu.memref_slice %arg5[%mul3A_26, %dma_wait3A] : memref<2560x128xi32, #tpu.memory_space<hbm>> -> memref<80x128xi32, #tpu.memory_space<hbm>>
      %dma_wait3A_60 = arith.constant 0 : i32
      %dma_wait3A_61 = tpu.memref_slice %arg5[%mul3A_26, %dma_wait3A_60] : memref<2560x128xi32, #tpu.memory_space<hbm>> -> memref<80x128xi32, #tpu.memory_space<hbm>>
      tpu.wait_dma2 semaphore(%run_scoped3A : memref<!tpu.dma_semaphore, #tpu.memory_space<semaphore_mem>>) src(%dma_wait3A_61 : memref<80x128xi32, #tpu.memory_space<hbm>>) dst(%arg9 : memref<80x128xi32, #tpu.memory_space<vmem>>)
      tpu.yield
    }) : () -> ()
    %mul3A_27 = arith.constant 80 : i32
    %mul3A_28 = arith.muli %add3A, %mul3A_27 : i32
    "tpu.region"() ({
      %run_scoped3A = tpu.sem_alloc : memref<!tpu.dma_semaphore, #tpu.memory_space<semaphore_mem>>
      %dma_start3A = arith.constant 0 : i32
      %dma_start3A_56 = tpu.memref_slice %arg6[%mul3A_28, %dma_start3A] : memref<2560x128xi32, #tpu.memory_space<hbm>> -> memref<80x128xi32, #tpu.memory_space<hbm>>
      %dma_start3A_57 = arith.constant 0 : i32
      %dma_start3A_58 = tpu.memref_slice %arg6[%mul3A_28, %dma_start3A_57] : memref<2560x128xi32, #tpu.memory_space<hbm>> -> memref<80x128xi32, #tpu.memory_space<hbm>>
      tpu.enqueue_dma source(%dma_start3A_58 : memref<80x128xi32, #tpu.memory_space<hbm>>) target(%arg10 : memref<80x128xi32, #tpu.memory_space<vmem>>) target_semaphore(%run_scoped3A : memref<!tpu.dma_semaphore, #tpu.memory_space<semaphore_mem>>)
      %dma_wait3A = arith.constant 0 : i32
      %dma_wait3A_59 = tpu.memref_slice %arg6[%mul3A_28, %dma_wait3A] : memref<2560x128xi32, #tpu.memory_space<hbm>> -> memref<80x128xi32, #tpu.memory_space<hbm>>
      %dma_wait3A_60 = arith.constant 0 : i32
      %dma_wait3A_61 = tpu.memref_slice %arg6[%mul3A_28, %dma_wait3A_60] : memref<2560x128xi32, #tpu.memory_space<hbm>> -> memref<80x128xi32, #tpu.memory_space<hbm>>
      tpu.wait_dma2 semaphore(%run_scoped3A : memref<!tpu.dma_semaphore, #tpu.memory_space<semaphore_mem>>) src(%dma_wait3A_61 : memref<80x128xi32, #tpu.memory_space<hbm>>) dst(%arg10 : memref<80x128xi32, #tpu.memory_space<vmem>>)
      tpu.yield
    }) : () -> ()
    %barrier3A = arith.constant 0 : index
    tpu.barrier barrier_id(%barrier3A)
    %scan3A_29 = arith.constant 0 : i32
    %scan3A_30 = arith.constant 0 : i32
    %scan3A_31 = arith.constant 80 : i32
    %scan3A_32 = arith.addi %scan3A_30, %scan3A_31 : i32
    %scan3A_33 = arith.constant 1 : i32
    scf.for %scan3A_56 = %scan3A_30 to %scan3A_32 step %scan3A_33  : i32 {
      %dma_start3A = arith.constant 0 : i32
      %dma_start3A_57 = tpu.memref_slice %arg9[%scan3A_56, %dma_start3A] : memref<80x128xi32, #tpu.memory_space<vmem>> -> memref<1x128xi32, #tpu.memory_space<vmem>>
      %dma_start3A_58 = tpu.memref_squeeze %dma_start3A_57 : memref<1x128xi32, #tpu.memory_space<vmem>> -> memref<128xi32, #tpu.memory_space<vmem>>
      %dma_start3A_59 = arith.constant 0 : i32
      %dma_start3A_60 = arith.constant 0 : i32
      %dma_start3A_61 = tpu.memref_slice %arg2[%dma_start3A_59, %dma_start3A_60] : memref<10240x128xf32, #tpu.memory_space<hbm>> -> memref<10240x128xf32, #tpu.memory_space<hbm>>
      tpu.enqueue_indirect_dma source(%dma_start3A_61 : memref<10240x128xf32, #tpu.memory_space<hbm>>) target(%arg14 : memref<128x128xf32, #tpu.memory_space<vmem>>) offsets(%dma_start3A_58 : memref<128xi32, #tpu.memory_space<vmem>>) semaphore(%arg19 : memref<!tpu.dma_semaphore, #tpu.memory_space<semaphore_mem>>)
      %dma_start3A_62 = arith.constant 0 : i32
      %dma_start3A_63 = tpu.memref_slice %arg9[%scan3A_56, %dma_start3A_62] : memref<80x128xi32, #tpu.memory_space<vmem>> -> memref<1x128xi32, #tpu.memory_space<vmem>>
      %dma_start3A_64 = tpu.memref_squeeze %dma_start3A_63 : memref<1x128xi32, #tpu.memory_space<vmem>> -> memref<128xi32, #tpu.memory_space<vmem>>
      %dma_start3A_65 = arith.constant 0 : i32
      %dma_start3A_66 = tpu.memref_slice %arg3[%dma_start3A_65] : memref<10240xf32, #tpu.memory_space<hbm>> -> memref<10240xf32, #tpu.memory_space<hbm>>
      tpu.enqueue_indirect_dma source(%dma_start3A_66 : memref<10240xf32, #tpu.memory_space<hbm>>) target(%arg11 : memref<128xf32, #tpu.memory_space<vmem>>) offsets(%dma_start3A_64 : memref<128xi32, #tpu.memory_space<vmem>>) semaphore(%arg18 : memref<!tpu.dma_semaphore, #tpu.memory_space<semaphore_mem>>)
      %dma_wait3A = arith.constant 0 : i32
      %dma_wait3A_67 = tpu.memref_slice %arg9[%scan3A_56, %dma_wait3A] : memref<80x128xi32, #tpu.memory_space<vmem>> -> memref<1x128xi32, #tpu.memory_space<vmem>>
      %dma_wait3A_68 = tpu.memref_squeeze %dma_wait3A_67 : memref<1x128xi32, #tpu.memory_space<vmem>> -> memref<128xi32, #tpu.memory_space<vmem>>
      %dma_wait3A_69 = arith.constant 0 : i32
      %dma_wait3A_70 = tpu.memref_slice %arg3[%dma_wait3A_69] : memref<10240xf32, #tpu.memory_space<hbm>> -> memref<10240xf32, #tpu.memory_space<hbm>>
      tpu.wait_indirect_dma semaphore(%arg18 : memref<!tpu.dma_semaphore, #tpu.memory_space<semaphore_mem>>) src(%dma_wait3A_70 : memref<10240xf32, #tpu.memory_space<hbm>>) dst(%arg11 : memref<128xf32, #tpu.memory_space<vmem>>)
      %dma_start3A_71 = arith.constant 0 : i32
      %dma_start3A_72 = tpu.memref_slice %arg10[%scan3A_56, %dma_start3A_71] : memref<80x128xi32, #tpu.memory_space<vmem>> -> memref<1x128xi32, #tpu.memory_space<vmem>>
      %dma_start3A_73 = tpu.memref_squeeze %dma_start3A_72 : memref<1x128xi32, #tpu.memory_space<vmem>> -> memref<128xi32, #tpu.memory_space<vmem>>
      %dma_start3A_74 = arith.constant 0 : i32
      %dma_start3A_75 = tpu.memref_slice %arg4[%dma_start3A_74] : memref<10240xf32, #tpu.memory_space<hbm>> -> memref<10240xf32, #tpu.memory_space<hbm>>
      tpu.enqueue_indirect_dma source(%dma_start3A_75 : memref<10240xf32, #tpu.memory_space<hbm>>) target(%arg12 : memref<128xf32, #tpu.memory_space<vmem>>) offsets(%dma_start3A_73 : memref<128xi32, #tpu.memory_space<vmem>>) semaphore(%arg18 : memref<!tpu.dma_semaphore, #tpu.memory_space<semaphore_mem>>)
      %dma_wait3A_76 = arith.constant 0 : i32
      %dma_wait3A_77 = tpu.memref_slice %arg10[%scan3A_56, %dma_wait3A_76] : memref<80x128xi32, #tpu.memory_space<vmem>> -> memref<1x128xi32, #tpu.memory_space<vmem>>
      %dma_wait3A_78 = tpu.memref_squeeze %dma_wait3A_77 : memref<1x128xi32, #tpu.memory_space<vmem>> -> memref<128xi32, #tpu.memory_space<vmem>>
      %dma_wait3A_79 = arith.constant 0 : i32
      %dma_wait3A_80 = tpu.memref_slice %arg4[%dma_wait3A_79] : memref<10240xf32, #tpu.memory_space<hbm>> -> memref<10240xf32, #tpu.memory_space<hbm>>
      tpu.wait_indirect_dma semaphore(%arg18 : memref<!tpu.dma_semaphore, #tpu.memory_space<semaphore_mem>>) src(%dma_wait3A_80 : memref<10240xf32, #tpu.memory_space<hbm>>) dst(%arg12 : memref<128xf32, #tpu.memory_space<vmem>>)
      %get3A = arith.constant 0 : index
      %get3A_81 = tpu.vector_load %arg11[%get3A] {strides = array<i32>} : memref<128xf32, #tpu.memory_space<vmem>>, vector<16xf32>,
      %get3A_82 = arith.constant 0 : index
      %get3A_83 = tpu.vector_load %arg12[%get3A_82] {strides = array<i32>} : memref<128xf32, #tpu.memory_space<vmem>>, vector<16xf32>,
      %add3A_84 = arith.addf %get3A_81, %get3A_83 : vector<16xf32>
      %ge3A = arith.constant 0.000000e+00 : f32
      %ge3A_85 = vector.broadcast %ge3A : f32 to vector<16xf32>
      %ge3A_86 = arith.cmpf oge, %add3A_84, %ge3A_85 : vector<16xf32>
      %mul3A_87 = arith.constant 2.000000e-01 : f32
      %mul3A_88 = vector.broadcast %mul3A_87 : f32 to vector<16xf32>
      %mul3A_89 = arith.mulf %add3A_84, %mul3A_88 : vector<16xf32>
      %select_n3A = arith.select %ge3A_86, %add3A_84, %mul3A_89 : vector<16xi1>, vector<16xf32>
      %exp3A = math.exp %select_n3A : vector<16xf32>
      %swap3A = arith.constant 0 : index
      %swap3A_90 = tpu.vector_load %arg13[%swap3A] {strides = array<i32>} : memref<128xf32, #tpu.memory_space<vmem>>, vector<16xf32>,
      tpu.vector_store %arg13[%swap3A], %exp3A {strides = array<i32>} : memref<128xf32, #tpu.memory_space<vmem>>, vector<16xf32>,
      %get3A_91 = arith.constant 16 : index
      %get3A_92 = tpu.vector_load %arg11[%get3A_91] {strides = array<i32>} : memref<128xf32, #tpu.memory_space<vmem>>, vector<16xf32>,
      %get3A_93 = arith.constant 16 : index
      %get3A_94 = tpu.vector_load %arg12[%get3A_93] {strides = array<i32>} : memref<128xf32, #tpu.memory_space<vmem>>, vector<16xf32>,
      %add3A_95 = arith.addf %get3A_92, %get3A_94 : vector<16xf32>
      %ge3A_96 = arith.constant 0.000000e+00 : f32
      %ge3A_97 = vector.broadcast %ge3A_96 : f32 to vector<16xf32>
      %ge3A_98 = arith.cmpf oge, %add3A_95, %ge3A_97 : vector<16xf32>
      %mul3A_99 = arith.constant 2.000000e-01 : f32
      %mul3A_100 = vector.broadcast %mul3A_99 : f32 to vector<16xf32>
      %mul3A_101 = arith.mulf %add3A_95, %mul3A_100 : vector<16xf32>
      %select_n3A_102 = arith.select %ge3A_98, %add3A_95, %mul3A_101 : vector<16xi1>, vector<16xf32>
      %exp3A_103 = math.exp %select_n3A_102 : vector<16xf32>
      %swap3A_104 = arith.constant 16 : index
      %swap3A_105 = tpu.vector_load %arg13[%swap3A_104] {strides = array<i32>} : memref<128xf32, #tpu.memory_space<vmem>>, vector<16xf32>,
      tpu.vector_store %arg13[%swap3A_104], %exp3A_103 {strides = array<i32>} : memref<128xf32, #tpu.memory_space<vmem>>, vector<16xf32>,
      %get3A_106 = arith.constant 32 : index
      %get3A_107 = tpu.vector_load %arg11[%get3A_106] {strides = array<i32>} : memref<128xf32, #tpu.memory_space<vmem>>, vector<16xf32>,
      %get3A_108 = arith.constant 32 : index
      %get3A_109 = tpu.vector_load %arg12[%get3A_108] {strides = array<i32>} : memref<128xf32, #tpu.memory_space<vmem>>, vector<16xf32>,
      %add3A_110 = arith.addf %get3A_107, %get3A_109 : vector<16xf32>
      %ge3A_111 = arith.constant 0.000000e+00 : f32
      %ge3A_112 = vector.broadcast %ge3A_111 : f32 to vector<16xf32>
      %ge3A_113 = arith.cmpf oge, %add3A_110, %ge3A_112 : vector<16xf32>
      %mul3A_114 = arith.constant 2.000000e-01 : f32
      %mul3A_115 = vector.broadcast %mul3A_114 : f32 to vector<16xf32>
      %mul3A_116 = arith.mulf %add3A_110, %mul3A_115 : vector<16xf32>
      %select_n3A_117 = arith.select %ge3A_113, %add3A_110, %mul3A_116 : vector<16xi1>, vector<16xf32>
      %exp3A_118 = math.exp %select_n3A_117 : vector<16xf32>
      %swap3A_119 = arith.constant 32 : index
      %swap3A_120 = tpu.vector_load %arg13[%swap3A_119] {strides = array<i32>} : memref<128xf32, #tpu.memory_space<vmem>>, vector<16xf32>,
      tpu.vector_store %arg13[%swap3A_119], %exp3A_118 {strides = array<i32>} : memref<128xf32, #tpu.memory_space<vmem>>, vector<16xf32>,
      %get3A_121 = arith.constant 48 : index
      %get3A_122 = tpu.vector_load %arg11[%get3A_121] {strides = array<i32>} : memref<128xf32, #tpu.memory_space<vmem>>, vector<16xf32>,
      %get3A_123 = arith.constant 48 : index
      %get3A_124 = tpu.vector_load %arg12[%get3A_123] {strides = array<i32>} : memref<128xf32, #tpu.memory_space<vmem>>, vector<16xf32>,
      %add3A_125 = arith.addf %get3A_122, %get3A_124 : vector<16xf32>
      %ge3A_126 = arith.constant 0.000000e+00 : f32
      %ge3A_127 = vector.broadcast %ge3A_126 : f32 to vector<16xf32>
      %ge3A_128 = arith.cmpf oge, %add3A_125, %ge3A_127 : vector<16xf32>
      %mul3A_129 = arith.constant 2.000000e-01 : f32
      %mul3A_130 = vector.broadcast %mul3A_129 : f32 to vector<16xf32>
      %mul3A_131 = arith.mulf %add3A_125, %mul3A_130 : vector<16xf32>
      %select_n3A_132 = arith.select %ge3A_128, %add3A_125, %mul3A_131 : vector<16xi1>, vector<16xf32>
      %exp3A_133 = math.exp %select_n3A_132 : vector<16xf32>
      %swap3A_134 = arith.constant 48 : index
      %swap3A_135 = tpu.vector_load %arg13[%swap3A_134] {strides = array<i32>} : memref<128xf32, #tpu.memory_space<vmem>>, vector<16xf32>,
      tpu.vector_store %arg13[%swap3A_134], %exp3A_133 {strides = array<i32>} : memref<128xf32, #tpu.memory_space<vmem>>, vector<16xf32>,
      %get3A_136 = arith.constant 64 : index
      %get3A_137 = tpu.vector_load %arg11[%get3A_136] {strides = array<i32>} : memref<128xf32, #tpu.memory_space<vmem>>, vector<16xf32>,
      %get3A_138 = arith.constant 64 : index
      %get3A_139 = tpu.vector_load %arg12[%get3A_138] {strides = array<i32>} : memref<128xf32, #tpu.memory_space<vmem>>, vector<16xf32>,
      %add3A_140 = arith.addf %get3A_137, %get3A_139 : vector<16xf32>
      %ge3A_141 = arith.constant 0.000000e+00 : f32
      %ge3A_142 = vector.broadcast %ge3A_141 : f32 to vector<16xf32>
      %ge3A_143 = arith.cmpf oge, %add3A_140, %ge3A_142 : vector<16xf32>
      %mul3A_144 = arith.constant 2.000000e-01 : f32
      %mul3A_145 = vector.broadcast %mul3A_144 : f32 to vector<16xf32>
      %mul3A_146 = arith.mulf %add3A_140, %mul3A_145 : vector<16xf32>
      %select_n3A_147 = arith.select %ge3A_143, %add3A_140, %mul3A_146 : vector<16xi1>, vector<16xf32>
      %exp3A_148 = math.exp %select_n3A_147 : vector<16xf32>
      %swap3A_149 = arith.constant 64 : index
      %swap3A_150 = tpu.vector_load %arg13[%swap3A_149] {strides = array<i32>} : memref<128xf32, #tpu.memory_space<vmem>>, vector<16xf32>,
      tpu.vector_store %arg13[%swap3A_149], %exp3A_148 {strides = array<i32>} : memref<128xf32, #tpu.memory_space<vmem>>, vector<16xf32>,
      %get3A_151 = arith.constant 80 : index
      %get3A_152 = tpu.vector_load %arg11[%get3A_151] {strides = array<i32>} : memref<128xf32, #tpu.memory_space<vmem>>, vector<16xf32>,
      %get3A_153 = arith.constant 80 : index
      %get3A_154 = tpu.vector_load %arg12[%get3A_153] {strides = array<i32>} : memref<128xf32, #tpu.memory_space<vmem>>, vector<16xf32>,
      %add3A_155 = arith.addf %get3A_152, %get3A_154 : vector<16xf32>
      %ge3A_156 = arith.constant 0.000000e+00 : f32
      %ge3A_157 = vector.broadcast %ge3A_156 : f32 to vector<16xf32>
      %ge3A_158 = arith.cmpf oge, %add3A_155, %ge3A_157 : vector<16xf32>
      %mul3A_159 = arith.constant 2.000000e-01 : f32
      %mul3A_160 = vector.broadcast %mul3A_159 : f32 to vector<16xf32>
      %mul3A_161 = arith.mulf %add3A_155, %mul3A_160 : vector<16xf32>
      %select_n3A_162 = arith.select %ge3A_158, %add3A_155, %mul3A_161 : vector<16xi1>, vector<16xf32>
      %exp3A_163 = math.exp %select_n3A_162 : vector<16xf32>
      %swap3A_164 = arith.constant 80 : index
      %swap3A_165 = tpu.vector_load %arg13[%swap3A_164] {strides = array<i32>} : memref<128xf32, #tpu.memory_space<vmem>>, vector<16xf32>,
      tpu.vector_store %arg13[%swap3A_164], %exp3A_163 {strides = array<i32>} : memref<128xf32, #tpu.memory_space<vmem>>, vector<16xf32>,
      %get3A_166 = arith.constant 96 : index
      %get3A_167 = tpu.vector_load %arg11[%get3A_166] {strides = array<i32>} : memref<128xf32, #tpu.memory_space<vmem>>, vector<16xf32>,
      %get3A_168 = arith.constant 96 : index
      %get3A_169 = tpu.vector_load %arg12[%get3A_168] {strides = array<i32>} : memref<128xf32, #tpu.memory_space<vmem>>, vector<16xf32>,
      %add3A_170 = arith.addf %get3A_167, %get3A_169 : vector<16xf32>
      %ge3A_171 = arith.constant 0.000000e+00 : f32
      %ge3A_172 = vector.broadcast %ge3A_171 : f32 to vector<16xf32>
      %ge3A_173 = arith.cmpf oge, %add3A_170, %ge3A_172 : vector<16xf32>
      %mul3A_174 = arith.constant 2.000000e-01 : f32
      %mul3A_175 = vector.broadcast %mul3A_174 : f32 to vector<16xf32>
      %mul3A_176 = arith.mulf %add3A_170, %mul3A_175 : vector<16xf32>
      %select_n3A_177 = arith.select %ge3A_173, %add3A_170, %mul3A_176 : vector<16xi1>, vector<16xf32>
      %exp3A_178 = math.exp %select_n3A_177 : vector<16xf32>
      %swap3A_179 = arith.constant 96 : index
      %swap3A_180 = tpu.vector_load %arg13[%swap3A_179] {strides = array<i32>} : memref<128xf32, #tpu.memory_space<vmem>>, vector<16xf32>,
      tpu.vector_store %arg13[%swap3A_179], %exp3A_178 {strides = array<i32>} : memref<128xf32, #tpu.memory_space<vmem>>, vector<16xf32>,
      %get3A_181 = arith.constant 112 : index
      %get3A_182 = tpu.vector_load %arg11[%get3A_181] {strides = array<i32>} : memref<128xf32, #tpu.memory_space<vmem>>, vector<16xf32>,
      %get3A_183 = arith.constant 112 : index
      %get3A_184 = tpu.vector_load %arg12[%get3A_183] {strides = array<i32>} : memref<128xf32, #tpu.memory_space<vmem>>, vector<16xf32>,
      %add3A_185 = arith.addf %get3A_182, %get3A_184 : vector<16xf32>
      %ge3A_186 = arith.constant 0.000000e+00 : f32
      %ge3A_187 = vector.broadcast %ge3A_186 : f32 to vector<16xf32>
      %ge3A_188 = arith.cmpf oge, %add3A_185, %ge3A_187 : vector<16xf32>
      %mul3A_189 = arith.constant 2.000000e-01 : f32
      %mul3A_190 = vector.broadcast %mul3A_189 : f32 to vector<16xf32>
      %mul3A_191 = arith.mulf %add3A_185, %mul3A_190 : vector<16xf32>
      %select_n3A_192 = arith.select %ge3A_188, %add3A_185, %mul3A_191 : vector<16xi1>, vector<16xf32>
      %exp3A_193 = math.exp %select_n3A_192 : vector<16xf32>
      %swap3A_194 = arith.constant 112 : index
      %swap3A_195 = tpu.vector_load %arg13[%swap3A_194] {strides = array<i32>} : memref<128xf32, #tpu.memory_space<vmem>>, vector<16xf32>,
      tpu.vector_store %arg13[%swap3A_194], %exp3A_193 {strides = array<i32>} : memref<128xf32, #tpu.memory_space<vmem>>, vector<16xf32>,
      "tpu.region"() ({
        %run_scoped3A = tpu.sem_alloc : memref<!tpu.dma_semaphore, #tpu.memory_space<semaphore_mem>>
        %dma_start3A_208 = arith.constant 0 : i32
        %dma_start3A_209 = tpu.memref_slice %arg10[%scan3A_56, %dma_start3A_208] : memref<80x128xi32, #tpu.memory_space<vmem>> -> memref<1x128xi32, #tpu.memory_space<vmem>>
        %dma_start3A_210 = tpu.memref_squeeze %dma_start3A_209 : memref<1x128xi32, #tpu.memory_space<vmem>> -> memref<128xi32, #tpu.memory_space<vmem>>
        %dma_start3A_211 = arith.constant 0 : i32
        %dma_start3A_212 = tpu.memref_slice %arg17[%dma_start3A_211] : memref<10240xf32, #tpu.memory_space<vmem_shared>> -> memref<10240xf32, #tpu.memory_space<vmem_shared>>
        tpu.enqueue_indirect_dma source(%arg13 : memref<128xf32, #tpu.memory_space<vmem>>) target(%dma_start3A_212 : memref<10240xf32, #tpu.memory_space<vmem_shared>>) offsets(%dma_start3A_210 : memref<128xi32, #tpu.memory_space<vmem>>) semaphore(%run_scoped3A : memref<!tpu.dma_semaphore, #tpu.memory_space<semaphore_mem>>) {add = true}
        %dma_wait3A_213 = arith.constant 0 : i32
        %dma_wait3A_214 = tpu.memref_slice %arg10[%scan3A_56, %dma_wait3A_213] : memref<80x128xi32, #tpu.memory_space<vmem>> -> memref<1x128xi32, #tpu.memory_space<vmem>>
        %dma_wait3A_215 = tpu.memref_squeeze %dma_wait3A_214 : memref<1x128xi32, #tpu.memory_space<vmem>> -> memref<128xi32, #tpu.memory_space<vmem>>
        %dma_wait3A_216 = arith.constant 0 : i32
        %dma_wait3A_217 = tpu.memref_slice %arg17[%dma_wait3A_216] : memref<10240xf32, #tpu.memory_space<vmem_shared>> -> memref<10240xf32, #tpu.memory_space<vmem_shared>>
        tpu.wait_indirect_dma semaphore(%run_scoped3A : memref<!tpu.dma_semaphore, #tpu.memory_space<semaphore_mem>>) src(%arg13 : memref<128xf32, #tpu.memory_space<vmem>>) dst(%dma_wait3A_217 : memref<10240xf32, #tpu.memory_space<vmem_shared>>)
        tpu.yield
      }) : () -> ()
      %dma_wait3A_196 = arith.constant 0 : i32
      %dma_wait3A_197 = tpu.memref_slice %arg9[%scan3A_56, %dma_wait3A_196] : memref<80x128xi32, #tpu.memory_space<vmem>> -> memref<1x128xi32, #tpu.memory_space<vmem>>
      %dma_wait3A_198 = tpu.memref_squeeze %dma_wait3A_197 : memref<1x128xi32, #tpu.memory_space<vmem>> -> memref<128xi32, #tpu.memory_space<vmem>>
      %dma_wait3A_199 = arith.constant 0 : i32
      %dma_wait3A_200 = arith.constant 0 : i32
      %dma_wait3A_201 = tpu.memref_slice %arg2[%dma_wait3A_199, %dma_wait3A_200] : memref<10240x128xf32, #tpu.memory_space<hbm>> -> memref<10240x128xf32, #tpu.memory_space<hbm>>
      tpu.wait_indirect_dma semaphore(%arg19 : memref<!tpu.dma_semaphore, #tpu.memory_space<semaphore_mem>>) src(%dma_wait3A_201 : memref<10240x128xf32, #tpu.memory_space<hbm>>) dst(%arg14 : memref<128x128xf32, #tpu.memory_space<vmem>>)
      %scan3A_202 = arith.constant 0 : i32
      %scan3A_203 = arith.constant 0 : i32
      %scan3A_204 = arith.constant 128 : i32
      %scan3A_205 = arith.addi %scan3A_203, %scan3A_204 : i32
      %scan3A_206 = arith.constant 1 : i32
      scf.for %scan3A_208 = %scan3A_203 to %scan3A_205 step %scan3A_206  : i32 {
        %broadcast_in_dim3A_209 = vector.broadcast %scan3A_208 : i32 to vector<16xi32>
        %gather3A = tpu.vector_load_idx %arg13[%broadcast_in_dim3A_209] : memref<128xf32, #tpu.memory_space<vmem>>[vector<16xi32>], vector<16xf32>,
        %get3A_210 = arith.index_cast %scan3A_208 : i32 to index
        %get3A_211 = arith.constant 0 : index
        %get3A_212 = tpu.vector_load %arg14[%get3A_210, %get3A_211] {strides = array<i32>} : memref<128x128xf32, #tpu.memory_space<vmem>>, vector<16xf32>,
        %mul3A_213 = arith.mulf %get3A_212, %gather3A : vector<16xf32>
        %swap3A_214 = arith.index_cast %scan3A_208 : i32 to index
        %swap3A_215 = arith.constant 0 : index
        %swap3A_216 = tpu.vector_load %arg14[%swap3A_214, %swap3A_215] {strides = array<i32>} : memref<128x128xf32, #tpu.memory_space<vmem>>, vector<16xf32>,
        tpu.vector_store %arg14[%swap3A_214, %swap3A_215], %mul3A_213 {strides = array<i32>} : memref<128x128xf32, #tpu.memory_space<vmem>>, vector<16xf32>,
        %get3A_217 = arith.index_cast %scan3A_208 : i32 to index
        %get3A_218 = arith.constant 16 : index
        %get3A_219 = tpu.vector_load %arg14[%get3A_217, %get3A_218] {strides = array<i32>} : memref<128x128xf32, #tpu.memory_space<vmem>>, vector<16xf32>,
        %mul3A_220 = arith.mulf %get3A_219, %gather3A : vector<16xf32>
        %swap3A_221 = arith.index_cast %scan3A_208 : i32 to index
        %swap3A_222 = arith.constant 16 : index
        %swap3A_223 = tpu.vector_load %arg14[%swap3A_221, %swap3A_222] {strides = array<i32>} : memref<128x128xf32, #tpu.memory_space<vmem>>, vector<16xf32>,
        tpu.vector_store %arg14[%swap3A_221, %swap3A_222], %mul3A_220 {strides = array<i32>} : memref<128x128xf32, #tpu.memory_space<vmem>>, vector<16xf32>,
        %get3A_224 = arith.index_cast %scan3A_208 : i32 to index
        %get3A_225 = arith.constant 32 : index
        %get3A_226 = tpu.vector_load %arg14[%get3A_224, %get3A_225] {strides = array<i32>} : memref<128x128xf32, #tpu.memory_space<vmem>>, vector<16xf32>,
        %mul3A_227 = arith.mulf %get3A_226, %gather3A : vector<16xf32>
        %swap3A_228 = arith.index_cast %scan3A_208 : i32 to index
        %swap3A_229 = arith.constant 32 : index
        %swap3A_230 = tpu.vector_load %arg14[%swap3A_228, %swap3A_229] {strides = array<i32>} : memref<128x128xf32, #tpu.memory_space<vmem>>, vector<16xf32>,
        tpu.vector_store %arg14[%swap3A_228, %swap3A_229], %mul3A_227 {strides = array<i32>} : memref<128x128xf32, #tpu.memory_space<vmem>>, vector<16xf32>,
        %get3A_231 = arith.index_cast %scan3A_208 : i32 to index
        %get3A_232 = arith.constant 48 : index
        %get3A_233 = tpu.vector_load %arg14[%get3A_231, %get3A_232] {strides = array<i32>} : memref<128x128xf32, #tpu.memory_space<vmem>>, vector<16xf32>,
        %mul3A_234 = arith.mulf %get3A_233, %gather3A : vector<16xf32>
        %swap3A_235 = arith.index_cast %scan3A_208 : i32 to index
        %swap3A_236 = arith.constant 48 : index
        %swap3A_237 = tpu.vector_load %arg14[%swap3A_235, %swap3A_236] {strides = array<i32>} : memref<128x128xf32, #tpu.memory_space<vmem>>, vector<16xf32>,
        tpu.vector_store %arg14[%swap3A_235, %swap3A_236], %mul3A_234 {strides = array<i32>} : memref<128x128xf32, #tpu.memory_space<vmem>>, vector<16xf32>,
        %get3A_238 = arith.index_cast %scan3A_208 : i32 to index
        %get3A_239 = arith.constant 64 : index
        %get3A_240 = tpu.vector_load %arg14[%get3A_238, %get3A_239] {strides = array<i32>} : memref<128x128xf32, #tpu.memory_space<vmem>>, vector<16xf32>,
        %mul3A_241 = arith.mulf %get3A_240, %gather3A : vector<16xf32>
        %swap3A_242 = arith.index_cast %scan3A_208 : i32 to index
        %swap3A_243 = arith.constant 64 : index
        %swap3A_244 = tpu.vector_load %arg14[%swap3A_242, %swap3A_243] {strides = array<i32>} : memref<128x128xf32, #tpu.memory_space<vmem>>, vector<16xf32>,
        tpu.vector_store %arg14[%swap3A_242, %swap3A_243], %mul3A_241 {strides = array<i32>} : memref<128x128xf32, #tpu.memory_space<vmem>>, vector<16xf32>,
        %get3A_245 = arith.index_cast %scan3A_208 : i32 to index
        %get3A_246 = arith.constant 80 : index
        %get3A_247 = tpu.vector_load %arg14[%get3A_245, %get3A_246] {strides = array<i32>} : memref<128x128xf32, #tpu.memory_space<vmem>>, vector<16xf32>,
        %mul3A_248 = arith.mulf %get3A_247, %gather3A : vector<16xf32>
        %swap3A_249 = arith.index_cast %scan3A_208 : i32 to index
        %swap3A_250 = arith.constant 80 : index
        %swap3A_251 = tpu.vector_load %arg14[%swap3A_249, %swap3A_250] {strides = array<i32>} : memref<128x128xf32, #tpu.memory_space<vmem>>, vector<16xf32>,
        tpu.vector_store %arg14[%swap3A_249, %swap3A_250], %mul3A_248 {strides = array<i32>} : memref<128x128xf32, #tpu.memory_space<vmem>>, vector<16xf32>,
        %get3A_252 = arith.index_cast %scan3A_208 : i32 to index
        %get3A_253 = arith.constant 96 : index
        %get3A_254 = tpu.vector_load %arg14[%get3A_252, %get3A_253] {strides = array<i32>} : memref<128x128xf32, #tpu.memory_space<vmem>>, vector<16xf32>,
        %mul3A_255 = arith.mulf %get3A_254, %gather3A : vector<16xf32>
        %swap3A_256 = arith.index_cast %scan3A_208 : i32 to index
        %swap3A_257 = arith.constant 96 : index
        %swap3A_258 = tpu.vector_load %arg14[%swap3A_256, %swap3A_257] {strides = array<i32>} : memref<128x128xf32, #tpu.memory_space<vmem>>, vector<16xf32>,
        tpu.vector_store %arg14[%swap3A_256, %swap3A_257], %mul3A_255 {strides = array<i32>} : memref<128x128xf32, #tpu.memory_space<vmem>>, vector<16xf32>,
        %get3A_259 = arith.index_cast %scan3A_208 : i32 to index
        %get3A_260 = arith.constant 112 : index
        %get3A_261 = tpu.vector_load %arg14[%get3A_259, %get3A_260] {strides = array<i32>} : memref<128x128xf32, #tpu.memory_space<vmem>>, vector<16xf32>,
        %mul3A_262 = arith.mulf %get3A_261, %gather3A : vector<16xf32>
        %swap3A_263 = arith.index_cast %scan3A_208 : i32 to index
        %swap3A_264 = arith.constant 112 : index
        %swap3A_265 = tpu.vector_load %arg14[%swap3A_263, %swap3A_264] {strides = array<i32>} : memref<128x128xf32, #tpu.memory_space<vmem>>, vector<16xf32>,
        tpu.vector_store %arg14[%swap3A_263, %swap3A_264], %mul3A_262 {strides = array<i32>} : memref<128x128xf32, #tpu.memory_space<vmem>>, vector<16xf32>,
      }
      %scan3A_207 = arith.constant 128 : i32
      "tpu.region"() ({
        %run_scoped3A = tpu.sem_alloc : memref<!tpu.dma_semaphore, #tpu.memory_space<semaphore_mem>>
        %dma_start3A_208 = arith.constant 0 : i32
        %dma_start3A_209 = tpu.memref_slice %arg10[%scan3A_56, %dma_start3A_208] : memref<80x128xi32, #tpu.memory_space<vmem>> -> memref<1x128xi32, #tpu.memory_space<vmem>>
        %dma_start3A_210 = tpu.memref_squeeze %dma_start3A_209 : memref<1x128xi32, #tpu.memory_space<vmem>> -> memref<128xi32, #tpu.memory_space<vmem>>
        %dma_start3A_211 = arith.constant 0 : i32
        %dma_start3A_212 = arith.constant 0 : i32
        %dma_start3A_213 = tpu.memref_slice %arg16[%dma_start3A_211, %dma_start3A_212] : memref<10240x128xf32, #tpu.memory_space<vmem_shared>> -> memref<10240x128xf32, #tpu.memory_space<vmem_shared>>
        tpu.enqueue_indirect_dma source(%arg14 : memref<128x128xf32, #tpu.memory_space<vmem>>) target(%dma_start3A_213 : memref<10240x128xf32, #tpu.memory_space<vmem_shared>>) offsets(%dma_start3A_210 : memref<128xi32, #tpu.memory_space<vmem>>) semaphore(%run_scoped3A : memref<!tpu.dma_semaphore, #tpu.memory_space<semaphore_mem>>) {add = true}
        %dma_wait3A_214 = arith.constant 0 : i32
        %dma_wait3A_215 = tpu.memref_slice %arg10[%scan3A_56, %dma_wait3A_214] : memref<80x128xi32, #tpu.memory_space<vmem>> -> memref<1x128xi32, #tpu.memory_space<vmem>>
        %dma_wait3A_216 = tpu.memref_squeeze %dma_wait3A_215 : memref<1x128xi32, #tpu.memory_space<vmem>> -> memref<128xi32, #tpu.memory_space<vmem>>
        %dma_wait3A_217 = arith.constant 0 : i32
        %dma_wait3A_218 = arith.constant 0 : i32
        %dma_wait3A_219 = tpu.memref_slice %arg16[%dma_wait3A_217, %dma_wait3A_218] : memref<10240x128xf32, #tpu.memory_space<vmem_shared>> -> memref<10240x128xf32, #tpu.memory_space<vmem_shared>>
        tpu.wait_indirect_dma semaphore(%run_scoped3A : memref<!tpu.dma_semaphore, #tpu.memory_space<semaphore_mem>>) src(%arg14 : memref<128x128xf32, #tpu.memory_space<vmem>>) dst(%dma_wait3A_219 : memref<10240x128xf32, #tpu.memory_space<vmem_shared>>)
        tpu.yield
      }) : () -> ()
    }
    %scan3A_34 = arith.constant 80 : i32
    %barrier3A_35 = arith.constant 0 : index
    tpu.barrier barrier_id(%barrier3A_35)
    %add3A_36 = arith.constant 0 : i32
    %add3A_37 = arith.addi %mul3A_14, %add3A_36 : i32
    "tpu.region"() ({
      %run_scoped3A = tpu.sem_alloc : memref<!tpu.dma_semaphore, #tpu.memory_space<semaphore_mem>>
      %dma_start3A = arith.constant 0 : i32
      %dma_start3A_56 = tpu.memref_slice %arg16[%add3A_37, %dma_start3A] : memref<10240x128xf32, #tpu.memory_space<vmem_shared>> -> memref<128x128xf32, #tpu.memory_space<vmem_shared>>
      %dma_start3A_57 = arith.constant 0 : i32
      %dma_start3A_58 = tpu.memref_slice %arg16[%add3A_37, %dma_start3A_57] : memref<10240x128xf32, #tpu.memory_space<vmem_shared>> -> memref<128x128xf32, #tpu.memory_space<vmem_shared>>
      tpu.enqueue_dma source(%dma_start3A_58 : memref<128x128xf32, #tpu.memory_space<vmem_shared>>) target(%arg14 : memref<128x128xf32, #tpu.memory_space<vmem>>) target_semaphore(%run_scoped3A : memref<!tpu.dma_semaphore, #tpu.memory_space<semaphore_mem>>)
      %dma_wait3A = arith.constant 0 : i32
      %dma_wait3A_59 = tpu.memref_slice %arg16[%add3A_37, %dma_wait3A] : memref<10240x128xf32, #tpu.memory_space<vmem_shared>> -> memref<128x128xf32, #tpu.memory_space<vmem_shared>>
      %dma_wait3A_60 = arith.constant 0 : i32
      %dma_wait3A_61 = tpu.memref_slice %arg16[%add3A_37, %dma_wait3A_60] : memref<10240x128xf32, #tpu.memory_space<vmem_shared>> -> memref<128x128xf32, #tpu.memory_space<vmem_shared>>
      tpu.wait_dma2 semaphore(%run_scoped3A : memref<!tpu.dma_semaphore, #tpu.memory_space<semaphore_mem>>) src(%dma_wait3A_61 : memref<128x128xf32, #tpu.memory_space<vmem_shared>>) dst(%arg14 : memref<128x128xf32, #tpu.memory_space<vmem>>)
      tpu.yield
    }) : () -> ()
    %add3A_38 = arith.constant 0 : i32
    %add3A_39 = arith.addi %mul3A_14, %add3A_38 : i32
    "tpu.region"() ({
      %run_scoped3A = tpu.sem_alloc : memref<!tpu.dma_semaphore, #tpu.memory_space<semaphore_mem>>
      %dma_start3A = arith.constant 0 : i32
      %dma_start3A_56 = tpu.memref_slice %arg7[%arg0, %add3A_39, %dma_start3A] : memref<2x10240x128xf32, #tpu.memory_space<hbm>> -> memref<1x128x128xf32, #tpu.memory_space<hbm>>
      %dma_start3A_57 = tpu.memref_squeeze %dma_start3A_56 : memref<1x128x128xf32, #tpu.memory_space<hbm>> -> memref<128x128xf32, #tpu.memory_space<hbm>>
      %dma_start3A_58 = arith.constant 0 : i32
      %dma_start3A_59 = tpu.memref_slice %arg7[%arg0, %add3A_39, %dma_start3A_58] : memref<2x10240x128xf32, #tpu.memory_space<hbm>> -> memref<1x128x128xf32, #tpu.memory_space<hbm>>
      %dma_start3A_60 = tpu.memref_squeeze %dma_start3A_59 : memref<1x128x128xf32, #tpu.memory_space<hbm>> -> memref<128x128xf32, #tpu.memory_space<hbm>>
      tpu.enqueue_dma source(%arg14 : memref<128x128xf32, #tpu.memory_space<vmem>>) target(%dma_start3A_60 : memref<128x128xf32, #tpu.memory_space<hbm>>) target_semaphore(%run_scoped3A : memref<!tpu.dma_semaphore, #tpu.memory_space<semaphore_mem>>)
      %dma_wait3A = arith.constant 0 : i32
      %dma_wait3A_61 = tpu.memref_slice %arg7[%arg0, %add3A_39, %dma_wait3A] : memref<2x10240x128xf32, #tpu.memory_space<hbm>> -> memref<1x128x128xf32, #tpu.memory_space<hbm>>
      %dma_wait3A_62 = tpu.memref_squeeze %dma_wait3A_61 : memref<1x128x128xf32, #tpu.memory_space<hbm>> -> memref<128x128xf32, #tpu.memory_space<hbm>>
      %dma_wait3A_63 = arith.constant 0 : i32
      %dma_wait3A_64 = tpu.memref_slice %arg7[%arg0, %add3A_39, %dma_wait3A_63] : memref<2x10240x128xf32, #tpu.memory_space<hbm>> -> memref<1x128x128xf32, #tpu.memory_space<hbm>>
      %dma_wait3A_65 = tpu.memref_squeeze %dma_wait3A_64 : memref<1x128x128xf32, #tpu.memory_space<hbm>> -> memref<128x128xf32, #tpu.memory_space<hbm>>
      tpu.wait_dma2 semaphore(%run_scoped3A : memref<!tpu.dma_semaphore, #tpu.memory_space<semaphore_mem>>) src(%arg14 : memref<128x128xf32, #tpu.memory_space<vmem>>) dst(%dma_wait3A_65 : memref<128x128xf32, #tpu.memory_space<hbm>>)
      tpu.yield
    }) : () -> ()
    %add3A_40 = arith.constant 128 : i32
    %add3A_41 = arith.addi %mul3A_14, %add3A_40 : i32
    "tpu.region"() ({
      %run_scoped3A = tpu.sem_alloc : memref<!tpu.dma_semaphore, #tpu.memory_space<semaphore_mem>>
      %dma_start3A = arith.constant 0 : i32
      %dma_start3A_56 = tpu.memref_slice %arg16[%add3A_41, %dma_start3A] : memref<10240x128xf32, #tpu.memory_space<vmem_shared>> -> memref<128x128xf32, #tpu.memory_space<vmem_shared>>
      %dma_start3A_57 = arith.constant 0 : i32
      %dma_start3A_58 = tpu.memref_slice %arg16[%add3A_41, %dma_start3A_57] : memref<10240x128xf32, #tpu.memory_space<vmem_shared>> -> memref<128x128xf32, #tpu.memory_space<vmem_shared>>
      tpu.enqueue_dma source(%dma_start3A_58 : memref<128x128xf32, #tpu.memory_space<vmem_shared>>) target(%arg14 : memref<128x128xf32, #tpu.memory_space<vmem>>) target_semaphore(%run_scoped3A : memref<!tpu.dma_semaphore, #tpu.memory_space<semaphore_mem>>)
      %dma_wait3A = arith.constant 0 : i32
      %dma_wait3A_59 = tpu.memref_slice %arg16[%add3A_41, %dma_wait3A] : memref<10240x128xf32, #tpu.memory_space<vmem_shared>> -> memref<128x128xf32, #tpu.memory_space<vmem_shared>>
      %dma_wait3A_60 = arith.constant 0 : i32
      %dma_wait3A_61 = tpu.memref_slice %arg16[%add3A_41, %dma_wait3A_60] : memref<10240x128xf32, #tpu.memory_space<vmem_shared>> -> memref<128x128xf32, #tpu.memory_space<vmem_shared>>
      tpu.wait_dma2 semaphore(%run_scoped3A : memref<!tpu.dma_semaphore, #tpu.memory_space<semaphore_mem>>) src(%dma_wait3A_61 : memref<128x128xf32, #tpu.memory_space<vmem_shared>>) dst(%arg14 : memref<128x128xf32, #tpu.memory_space<vmem>>)
      tpu.yield
    }) : () -> ()
    %add3A_42 = arith.constant 128 : i32
    %add3A_43 = arith.addi %mul3A_14, %add3A_42 : i32
    "tpu.region"() ({
      %run_scoped3A = tpu.sem_alloc : memref<!tpu.dma_semaphore, #tpu.memory_space<semaphore_mem>>
      %dma_start3A = arith.constant 0 : i32
      %dma_start3A_56 = tpu.memref_slice %arg7[%arg0, %add3A_43, %dma_start3A] : memref<2x10240x128xf32, #tpu.memory_space<hbm>> -> memref<1x128x128xf32, #tpu.memory_space<hbm>>
      %dma_start3A_57 = tpu.memref_squeeze %dma_start3A_56 : memref<1x128x128xf32, #tpu.memory_space<hbm>> -> memref<128x128xf32, #tpu.memory_space<hbm>>
      %dma_start3A_58 = arith.constant 0 : i32
      %dma_start3A_59 = tpu.memref_slice %arg7[%arg0, %add3A_43, %dma_start3A_58] : memref<2x10240x128xf32, #tpu.memory_space<hbm>> -> memref<1x128x128xf32, #tpu.memory_space<hbm>>
      %dma_start3A_60 = tpu.memref_squeeze %dma_start3A_59 : memref<1x128x128xf32, #tpu.memory_space<hbm>> -> memref<128x128xf32, #tpu.memory_space<hbm>>
      tpu.enqueue_dma source(%arg14 : memref<128x128xf32, #tpu.memory_space<vmem>>) target(%dma_start3A_60 : memref<128x128xf32, #tpu.memory_space<hbm>>) target_semaphore(%run_scoped3A : memref<!tpu.dma_semaphore, #tpu.memory_space<semaphore_mem>>)
      %dma_wait3A = arith.constant 0 : i32
      %dma_wait3A_61 = tpu.memref_slice %arg7[%arg0, %add3A_43, %dma_wait3A] : memref<2x10240x128xf32, #tpu.memory_space<hbm>> -> memref<1x128x128xf32, #tpu.memory_space<hbm>>
      %dma_wait3A_62 = tpu.memref_squeeze %dma_wait3A_61 : memref<1x128x128xf32, #tpu.memory_space<hbm>> -> memref<128x128xf32, #tpu.memory_space<hbm>>
      %dma_wait3A_63 = arith.constant 0 : i32
      %dma_wait3A_64 = tpu.memref_slice %arg7[%arg0, %add3A_43, %dma_wait3A_63] : memref<2x10240x128xf32, #tpu.memory_space<hbm>> -> memref<1x128x128xf32, #tpu.memory_space<hbm>>
      %dma_wait3A_65 = tpu.memref_squeeze %dma_wait3A_64 : memref<1x128x128xf32, #tpu.memory_space<hbm>> -> memref<128x128xf32, #tpu.memory_space<hbm>>
      tpu.wait_dma2 semaphore(%run_scoped3A : memref<!tpu.dma_semaphore, #tpu.memory_space<semaphore_mem>>) src(%arg14 : memref<128x128xf32, #tpu.memory_space<vmem>>) dst(%dma_wait3A_65 : memref<128x128xf32, #tpu.memory_space<hbm>>)
      tpu.yield
    }) : () -> ()
    %add3A_44 = arith.constant 256 : i32
    %add3A_45 = arith.addi %mul3A_14, %add3A_44 : i32
    "tpu.region"() ({
      %run_scoped3A = tpu.sem_alloc : memref<!tpu.dma_semaphore, #tpu.memory_space<semaphore_mem>>
      %dma_start3A = arith.constant 0 : i32
      %dma_start3A_56 = tpu.memref_slice %arg16[%add3A_45, %dma_start3A] : memref<10240x128xf32, #tpu.memory_space<vmem_shared>> -> memref<128x128xf32, #tpu.memory_space<vmem_shared>>
      %dma_start3A_57 = arith.constant 0 : i32
      %dma_start3A_58 = tpu.memref_slice %arg16[%add3A_45, %dma_start3A_57] : memref<10240x128xf32, #tpu.memory_space<vmem_shared>> -> memref<128x128xf32, #tpu.memory_space<vmem_shared>>
      tpu.enqueue_dma source(%dma_start3A_58 : memref<128x128xf32, #tpu.memory_space<vmem_shared>>) target(%arg14 : memref<128x128xf32, #tpu.memory_space<vmem>>) target_semaphore(%run_scoped3A : memref<!tpu.dma_semaphore, #tpu.memory_space<semaphore_mem>>)
      %dma_wait3A = arith.constant 0 : i32
      %dma_wait3A_59 = tpu.memref_slice %arg16[%add3A_45, %dma_wait3A] : memref<10240x128xf32, #tpu.memory_space<vmem_shared>> -> memref<128x128xf32, #tpu.memory_space<vmem_shared>>
      %dma_wait3A_60 = arith.constant 0 : i32
      %dma_wait3A_61 = tpu.memref_slice %arg16[%add3A_45, %dma_wait3A_60] : memref<10240x128xf32, #tpu.memory_space<vmem_shared>> -> memref<128x128xf32, #tpu.memory_space<vmem_shared>>
      tpu.wait_dma2 semaphore(%run_scoped3A : memref<!tpu.dma_semaphore, #tpu.memory_space<semaphore_mem>>) src(%dma_wait3A_61 : memref<128x128xf32, #tpu.memory_space<vmem_shared>>) dst(%arg14 : memref<128x128xf32, #tpu.memory_space<vmem>>)
      tpu.yield
    }) : () -> ()
    %add3A_46 = arith.constant 256 : i32
    %add3A_47 = arith.addi %mul3A_14, %add3A_46 : i32
    "tpu.region"() ({
      %run_scoped3A = tpu.sem_alloc : memref<!tpu.dma_semaphore, #tpu.memory_space<semaphore_mem>>
      %dma_start3A = arith.constant 0 : i32
      %dma_start3A_56 = tpu.memref_slice %arg7[%arg0, %add3A_47, %dma_start3A] : memref<2x10240x128xf32, #tpu.memory_space<hbm>> -> memref<1x128x128xf32, #tpu.memory_space<hbm>>
      %dma_start3A_57 = tpu.memref_squeeze %dma_start3A_56 : memref<1x128x128xf32, #tpu.memory_space<hbm>> -> memref<128x128xf32, #tpu.memory_space<hbm>>
      %dma_start3A_58 = arith.constant 0 : i32
      %dma_start3A_59 = tpu.memref_slice %arg7[%arg0, %add3A_47, %dma_start3A_58] : memref<2x10240x128xf32, #tpu.memory_space<hbm>> -> memref<1x128x128xf32, #tpu.memory_space<hbm>>
      %dma_start3A_60 = tpu.memref_squeeze %dma_start3A_59 : memref<1x128x128xf32, #tpu.memory_space<hbm>> -> memref<128x128xf32, #tpu.memory_space<hbm>>
      tpu.enqueue_dma source(%arg14 : memref<128x128xf32, #tpu.memory_space<vmem>>) target(%dma_start3A_60 : memref<128x128xf32, #tpu.memory_space<hbm>>) target_semaphore(%run_scoped3A : memref<!tpu.dma_semaphore, #tpu.memory_space<semaphore_mem>>)
      %dma_wait3A = arith.constant 0 : i32
      %dma_wait3A_61 = tpu.memref_slice %arg7[%arg0, %add3A_47, %dma_wait3A] : memref<2x10240x128xf32, #tpu.memory_space<hbm>> -> memref<1x128x128xf32, #tpu.memory_space<hbm>>
      %dma_wait3A_62 = tpu.memref_squeeze %dma_wait3A_61 : memref<1x128x128xf32, #tpu.memory_space<hbm>> -> memref<128x128xf32, #tpu.memory_space<hbm>>
      %dma_wait3A_63 = arith.constant 0 : i32
      %dma_wait3A_64 = tpu.memref_slice %arg7[%arg0, %add3A_47, %dma_wait3A_63] : memref<2x10240x128xf32, #tpu.memory_space<hbm>> -> memref<1x128x128xf32, #tpu.memory_space<hbm>>
      %dma_wait3A_65 = tpu.memref_squeeze %dma_wait3A_64 : memref<1x128x128xf32, #tpu.memory_space<hbm>> -> memref<128x128xf32, #tpu.memory_space<hbm>>
      tpu.wait_dma2 semaphore(%run_scoped3A : memref<!tpu.dma_semaphore, #tpu.memory_space<semaphore_mem>>) src(%arg14 : memref<128x128xf32, #tpu.memory_space<vmem>>) dst(%dma_wait3A_65 : memref<128x128xf32, #tpu.memory_space<hbm>>)
      tpu.yield
    }) : () -> ()
    %add3A_48 = arith.constant 384 : i32
    %add3A_49 = arith.addi %mul3A_14, %add3A_48 : i32
    "tpu.region"() ({
      %run_scoped3A = tpu.sem_alloc : memref<!tpu.dma_semaphore, #tpu.memory_space<semaphore_mem>>
      %dma_start3A = arith.constant 0 : i32
      %dma_start3A_56 = tpu.memref_slice %arg16[%add3A_49, %dma_start3A] : memref<10240x128xf32, #tpu.memory_space<vmem_shared>> -> memref<128x128xf32, #tpu.memory_space<vmem_shared>>
      %dma_start3A_57 = arith.constant 0 : i32
      %dma_start3A_58 = tpu.memref_slice %arg16[%add3A_49, %dma_start3A_57] : memref<10240x128xf32, #tpu.memory_space<vmem_shared>> -> memref<128x128xf32, #tpu.memory_space<vmem_shared>>
      tpu.enqueue_dma source(%dma_start3A_58 : memref<128x128xf32, #tpu.memory_space<vmem_shared>>) target(%arg14 : memref<128x128xf32, #tpu.memory_space<vmem>>) target_semaphore(%run_scoped3A : memref<!tpu.dma_semaphore, #tpu.memory_space<semaphore_mem>>)
      %dma_wait3A = arith.constant 0 : i32
      %dma_wait3A_59 = tpu.memref_slice %arg16[%add3A_49, %dma_wait3A] : memref<10240x128xf32, #tpu.memory_space<vmem_shared>> -> memref<128x128xf32, #tpu.memory_space<vmem_shared>>
      %dma_wait3A_60 = arith.constant 0 : i32
      %dma_wait3A_61 = tpu.memref_slice %arg16[%add3A_49, %dma_wait3A_60] : memref<10240x128xf32, #tpu.memory_space<vmem_shared>> -> memref<128x128xf32, #tpu.memory_space<vmem_shared>>
      tpu.wait_dma2 semaphore(%run_scoped3A : memref<!tpu.dma_semaphore, #tpu.memory_space<semaphore_mem>>) src(%dma_wait3A_61 : memref<128x128xf32, #tpu.memory_space<vmem_shared>>) dst(%arg14 : memref<128x128xf32, #tpu.memory_space<vmem>>)
      tpu.yield
    }) : () -> ()
    %add3A_50 = arith.constant 384 : i32
    %add3A_51 = arith.addi %mul3A_14, %add3A_50 : i32
    "tpu.region"() ({
      %run_scoped3A = tpu.sem_alloc : memref<!tpu.dma_semaphore, #tpu.memory_space<semaphore_mem>>
      %dma_start3A = arith.constant 0 : i32
      %dma_start3A_56 = tpu.memref_slice %arg7[%arg0, %add3A_51, %dma_start3A] : memref<2x10240x128xf32, #tpu.memory_space<hbm>> -> memref<1x128x128xf32, #tpu.memory_space<hbm>>
      %dma_start3A_57 = tpu.memref_squeeze %dma_start3A_56 : memref<1x128x128xf32, #tpu.memory_space<hbm>> -> memref<128x128xf32, #tpu.memory_space<hbm>>
      %dma_start3A_58 = arith.constant 0 : i32
      %dma_start3A_59 = tpu.memref_slice %arg7[%arg0, %add3A_51, %dma_start3A_58] : memref<2x10240x128xf32, #tpu.memory_space<hbm>> -> memref<1x128x128xf32, #tpu.memory_space<hbm>>
      %dma_start3A_60 = tpu.memref_squeeze %dma_start3A_59 : memref<1x128x128xf32, #tpu.memory_space<hbm>> -> memref<128x128xf32, #tpu.memory_space<hbm>>
      tpu.enqueue_dma source(%arg14 : memref<128x128xf32, #tpu.memory_space<vmem>>) target(%dma_start3A_60 : memref<128x128xf32, #tpu.memory_space<hbm>>) target_semaphore(%run_scoped3A : memref<!tpu.dma_semaphore, #tpu.memory_space<semaphore_mem>>)
      %dma_wait3A = arith.constant 0 : i32
      %dma_wait3A_61 = tpu.memref_slice %arg7[%arg0, %add3A_51, %dma_wait3A] : memref<2x10240x128xf32, #tpu.memory_space<hbm>> -> memref<1x128x128xf32, #tpu.memory_space<hbm>>
      %dma_wait3A_62 = tpu.memref_squeeze %dma_wait3A_61 : memref<1x128x128xf32, #tpu.memory_space<hbm>> -> memref<128x128xf32, #tpu.memory_space<hbm>>
      %dma_wait3A_63 = arith.constant 0 : i32
      %dma_wait3A_64 = tpu.memref_slice %arg7[%arg0, %add3A_51, %dma_wait3A_63] : memref<2x10240x128xf32, #tpu.memory_space<hbm>> -> memref<1x128x128xf32, #tpu.memory_space<hbm>>
      %dma_wait3A_65 = tpu.memref_squeeze %dma_wait3A_64 : memref<1x128x128xf32, #tpu.memory_space<hbm>> -> memref<128x128xf32, #tpu.memory_space<hbm>>
      tpu.wait_dma2 semaphore(%run_scoped3A : memref<!tpu.dma_semaphore, #tpu.memory_space<semaphore_mem>>) src(%arg14 : memref<128x128xf32, #tpu.memory_space<vmem>>) dst(%dma_wait3A_65 : memref<128x128xf32, #tpu.memory_space<hbm>>)
      tpu.yield
    }) : () -> ()
    %add3A_52 = arith.constant 512 : i32
    %add3A_53 = arith.addi %mul3A_14, %add3A_52 : i32
    "tpu.region"() ({
      %run_scoped3A = tpu.sem_alloc : memref<!tpu.dma_semaphore, #tpu.memory_space<semaphore_mem>>
      %dma_start3A = arith.constant 0 : i32
      %dma_start3A_56 = tpu.memref_slice %arg16[%add3A_53, %dma_start3A] : memref<10240x128xf32, #tpu.memory_space<vmem_shared>> -> memref<128x128xf32, #tpu.memory_space<vmem_shared>>
      %dma_start3A_57 = arith.constant 0 : i32
      %dma_start3A_58 = tpu.memref_slice %arg16[%add3A_53, %dma_start3A_57] : memref<10240x128xf32, #tpu.memory_space<vmem_shared>> -> memref<128x128xf32, #tpu.memory_space<vmem_shared>>
      tpu.enqueue_dma source(%dma_start3A_58 : memref<128x128xf32, #tpu.memory_space<vmem_shared>>) target(%arg14 : memref<128x128xf32, #tpu.memory_space<vmem>>) target_semaphore(%run_scoped3A : memref<!tpu.dma_semaphore, #tpu.memory_space<semaphore_mem>>)
      %dma_wait3A = arith.constant 0 : i32
      %dma_wait3A_59 = tpu.memref_slice %arg16[%add3A_53, %dma_wait3A] : memref<10240x128xf32, #tpu.memory_space<vmem_shared>> -> memref<128x128xf32, #tpu.memory_space<vmem_shared>>
      %dma_wait3A_60 = arith.constant 0 : i32
      %dma_wait3A_61 = tpu.memref_slice %arg16[%add3A_53, %dma_wait3A_60] : memref<10240x128xf32, #tpu.memory_space<vmem_shared>> -> memref<128x128xf32, #tpu.memory_space<vmem_shared>>
      tpu.wait_dma2 semaphore(%run_scoped3A : memref<!tpu.dma_semaphore, #tpu.memory_space<semaphore_mem>>) src(%dma_wait3A_61 : memref<128x128xf32, #tpu.memory_space<vmem_shared>>) dst(%arg14 : memref<128x128xf32, #tpu.memory_space<vmem>>)
      tpu.yield
    }) : () -> ()
    %add3A_54 = arith.constant 512 : i32
    %add3A_55 = arith.addi %mul3A_14, %add3A_54 : i32
    "tpu.region"() ({
      %run_scoped3A = tpu.sem_alloc : memref<!tpu.dma_semaphore, #tpu.memory_space<semaphore_mem>>
      %dma_start3A = arith.constant 0 : i32
      %dma_start3A_56 = tpu.memref_slice %arg7[%arg0, %add3A_55, %dma_start3A] : memref<2x10240x128xf32, #tpu.memory_space<hbm>> -> memref<1x128x128xf32, #tpu.memory_space<hbm>>
      %dma_start3A_57 = tpu.memref_squeeze %dma_start3A_56 : memref<1x128x128xf32, #tpu.memory_space<hbm>> -> memref<128x128xf32, #tpu.memory_space<hbm>>
      %dma_start3A_58 = arith.constant 0 : i32
      %dma_start3A_59 = tpu.memref_slice %arg7[%arg0, %add3A_55, %dma_start3A_58] : memref<2x10240x128xf32, #tpu.memory_space<hbm>> -> memref<1x128x128xf32, #tpu.memory_space<hbm>>
      %dma_start3A_60 = tpu.memref_squeeze %dma_start3A_59 : memref<1x128x128xf32, #tpu.memory_space<hbm>> -> memref<128x128xf32, #tpu.memory_space<hbm>>
      tpu.enqueue_dma source(%arg14 : memref<128x128xf32, #tpu.memory_space<vmem>>) target(%dma_start3A_60 : memref<128x128xf32, #tpu.memory_space<hbm>>) target_semaphore(%run_scoped3A : memref<!tpu.dma_semaphore, #tpu.memory_space<semaphore_mem>>)
      %dma_wait3A = arith.constant 0 : i32
      %dma_wait3A_61 = tpu.memref_slice %arg7[%arg0, %add3A_55, %dma_wait3A] : memref<2x10240x128xf32, #tpu.memory_space<hbm>> -> memref<1x128x128xf32, #tpu.memory_space<hbm>>
      %dma_wait3A_62 = tpu.memref_squeeze %dma_wait3A_61 : memref<1x128x128xf32, #tpu.memory_space<hbm>> -> memref<128x128xf32, #tpu.memory_space<hbm>>
      %dma_wait3A_63 = arith.constant 0 : i32
      %dma_wait3A_64 = tpu.memref_slice %arg7[%arg0, %add3A_55, %dma_wait3A_63] : memref<2x10240x128xf32, #tpu.memory_space<hbm>> -> memref<1x128x128xf32, #tpu.memory_space<hbm>>
      %dma_wait3A_65 = tpu.memref_squeeze %dma_wait3A_64 : memref<1x128x128xf32, #tpu.memory_space<hbm>> -> memref<128x128xf32, #tpu.memory_space<hbm>>
      tpu.wait_dma2 semaphore(%run_scoped3A : memref<!tpu.dma_semaphore, #tpu.memory_space<semaphore_mem>>) src(%arg14 : memref<128x128xf32, #tpu.memory_space<vmem>>) dst(%dma_wait3A_65 : memref<128x128xf32, #tpu.memory_space<hbm>>)
      tpu.yield
    }) : () -> ()
    "tpu.region"() ({
      %run_scoped3A = tpu.sem_alloc : memref<!tpu.dma_semaphore, #tpu.memory_space<semaphore_mem>>
      %dma_start3A = tpu.memref_slice %arg17[%mul3A_14] : memref<10240xf32, #tpu.memory_space<vmem_shared>> -> memref<640xf32, #tpu.memory_space<vmem_shared>>
      %dma_start3A_56 = tpu.memref_slice %arg17[%mul3A_14] : memref<10240xf32, #tpu.memory_space<vmem_shared>> -> memref<640xf32, #tpu.memory_space<vmem_shared>>
      tpu.enqueue_dma source(%dma_start3A_56 : memref<640xf32, #tpu.memory_space<vmem_shared>>) target(%arg15 : memref<640xf32, #tpu.memory_space<vmem>>) target_semaphore(%run_scoped3A : memref<!tpu.dma_semaphore, #tpu.memory_space<semaphore_mem>>)
      %dma_wait3A = tpu.memref_slice %arg17[%mul3A_14] : memref<10240xf32, #tpu.memory_space<vmem_shared>> -> memref<640xf32, #tpu.memory_space<vmem_shared>>
      %dma_wait3A_57 = tpu.memref_slice %arg17[%mul3A_14] : memref<10240xf32, #tpu.memory_space<vmem_shared>> -> memref<640xf32, #tpu.memory_space<vmem_shared>>
      tpu.wait_dma2 semaphore(%run_scoped3A : memref<!tpu.dma_semaphore, #tpu.memory_space<semaphore_mem>>) src(%dma_wait3A_57 : memref<640xf32, #tpu.memory_space<vmem_shared>>) dst(%arg15 : memref<640xf32, #tpu.memory_space<vmem>>)
      tpu.yield
    }) : () -> ()
    "tpu.region"() ({
      %run_scoped3A = tpu.sem_alloc : memref<!tpu.dma_semaphore, #tpu.memory_space<semaphore_mem>>
      %dma_start3A = tpu.memref_slice %arg8[%arg0, %mul3A_14] : memref<2x10240xf32, #tpu.memory_space<hbm>> -> memref<1x640xf32, #tpu.memory_space<hbm>>
      %dma_start3A_56 = tpu.memref_squeeze %dma_start3A : memref<1x640xf32, #tpu.memory_space<hbm>> -> memref<640xf32, #tpu.memory_space<hbm>>
      %dma_start3A_57 = tpu.memref_slice %arg8[%arg0, %mul3A_14] : memref<2x10240xf32, #tpu.memory_space<hbm>> -> memref<1x640xf32, #tpu.memory_space<hbm>>
      %dma_start3A_58 = tpu.memref_squeeze %dma_start3A_57 : memref<1x640xf32, #tpu.memory_space<hbm>> -> memref<640xf32, #tpu.memory_space<hbm>>
      tpu.enqueue_dma source(%arg15 : memref<640xf32, #tpu.memory_space<vmem>>) target(%dma_start3A_58 : memref<640xf32, #tpu.memory_space<hbm>>) target_semaphore(%run_scoped3A : memref<!tpu.dma_semaphore, #tpu.memory_space<semaphore_mem>>)
      %dma_wait3A = tpu.memref_slice %arg8[%arg0, %mul3A_14] : memref<2x10240xf32, #tpu.memory_space<hbm>> -> memref<1x640xf32, #tpu.memory_space<hbm>>
      %dma_wait3A_59 = tpu.memref_squeeze %dma_wait3A : memref<1x640xf32, #tpu.memory_space<hbm>> -> memref<640xf32, #tpu.memory_space<hbm>>
      %dma_wait3A_60 = tpu.memref_slice %arg8[%arg0, %mul3A_14] : memref<2x10240xf32, #tpu.memory_space<hbm>> -> memref<1x640xf32, #tpu.memory_space<hbm>>
      %dma_wait3A_61 = tpu.memref_squeeze %dma_wait3A_60 : memref<1x640xf32, #tpu.memory_space<hbm>> -> memref<640xf32, #tpu.memory_space<hbm>>
      tpu.wait_dma2 semaphore(%run_scoped3A : memref<!tpu.dma_semaphore, #tpu.memory_space<semaphore_mem>>) src(%arg15 : memref<640xf32, #tpu.memory_space<vmem>>) dst(%dma_wait3A_61 : memref<640xf32, #tpu.memory_space<hbm>>)
      tpu.yield
    }) : () -> ()
    return
  }
}

module attributes {stable_mosaic.version = 14 : i64} {
  func.func @_mm_alpha_body(%arg0: i32, %arg1: memref<1024x128xf32, #tpu.memory_space<vmem>>, %arg2: memref<128x128xf32, #tpu.memory_space<vmem>>, %arg3: memref<1x128xf32, #tpu.memory_space<vmem>>, %arg4: memref<1x128xf32, #tpu.memory_space<vmem>>, %arg5: memref<1024x128xf32, #tpu.memory_space<vmem>>, %arg6: memref<1024xf32, #tpu.memory_space<vmem>>, %arg7: memref<1024xf32, #tpu.memory_space<vmem>>) attributes {dimension_semantics = [#tpu.dimension_semantics<arbitrary>], iteration_bounds = array<i64: 10>, scalar_prefetch = 0 : i64, scratch_operands = 0 : i64, tpu.core_type = #tpu.core_type<tc>, window_params = [{transform_indices = @transform_0, window_bounds = array<i64: 1024, 128>}, {pipeline_mode = #tpu.pipeline_mode<synchronous>, transform_indices = @transform_1, window_bounds = array<i64: 128, 128>}, {pipeline_mode = #tpu.pipeline_mode<synchronous>, transform_indices = @transform_2, window_bounds = array<i64: 1, 128>}, {pipeline_mode = #tpu.pipeline_mode<synchronous>, transform_indices = @transform_3, window_bounds = array<i64: 1, 128>}, {transform_indices = @transform_4, window_bounds = array<i64: 1024, 128>}, {transform_indices = @transform_5, window_bounds = array<i64: 1024>}, {transform_indices = @transform_6, window_bounds = array<i64: 1024>}]} {
    %get3A = arith.constant 0 : index
    %get3A_0 = arith.constant 0 : index
    %get3A_1 = vector.load %arg1[%get3A, %get3A_0] : memref<1024x128xf32, #tpu.memory_space<vmem>>, vector<1024x128xf32>
    %get3A_2 = arith.constant 0 : index
    %get3A_3 = arith.constant 0 : index
    %get3A_4 = vector.load %arg2[%get3A_2, %get3A_3] : memref<128x128xf32, #tpu.memory_space<vmem>>, vector<128x128xf32>
    %dot_general3A = arith.constant dense<0.000000e+00> : vector<1024x128xf32>
    %dot_general3A_5 = tpu.matmul %get3A_1, %get3A_4, %dot_general3A {dimension_numbers = #tpu.dot_dimension_numbers<[1], [0], [0], [1], [0, 0, 1, 1], [], []>, transpose_lhs_hint = false} : vector<1024x128xf32>, vector<128x128xf32>, vector<1024x128xf32> -> vector<1024x128xf32>
    %swap3A = arith.constant 0 : index
    %swap3A_6 = arith.constant 0 : index
    %swap3A_7 = vector.load %arg5[%swap3A, %swap3A_6] : memref<1024x128xf32, #tpu.memory_space<vmem>>, vector<1024x128xf32>
    tpu.vector_store %arg5[%swap3A, %swap3A_6], %dot_general3A_5 {strides = array<i32>} : memref<1024x128xf32, #tpu.memory_space<vmem>>, vector<1024x128xf32>,
    %get3A_8 = arith.constant 0 : index
    %get3A_9 = arith.constant 0 : index
    %get3A_10 = vector.load %arg3[%get3A_8, %get3A_9] : memref<1x128xf32, #tpu.memory_space<vmem>>, vector<1x128xf32>
    %mul3A = vector.broadcast %get3A_10 : vector<1x128xf32> to vector<1024x128xf32>
    %mul3A_11 = arith.mulf %dot_general3A_5, %mul3A : vector<1024x128xf32>
    %reduce_sum3A = arith.constant dense<0.000000e+00> : vector<1024xf32>
    %reduce_sum3A_12 = vector.multi_reduction <add>, %mul3A_11, %reduce_sum3A [1] : vector<1024x128xf32> to vector<1024xf32>
    %swap3A_13 = arith.constant 0 : index
    %swap3A_14 = vector.load %arg6[%swap3A_13] : memref<1024xf32, #tpu.memory_space<vmem>>, vector<1024xf32>
    tpu.vector_store %arg6[%swap3A_13], %reduce_sum3A_12 {strides = array<i32>} : memref<1024xf32, #tpu.memory_space<vmem>>, vector<1024xf32>,
    %get3A_15 = arith.constant 0 : index
    %get3A_16 = arith.constant 0 : index
    %get3A_17 = vector.load %arg4[%get3A_15, %get3A_16] : memref<1x128xf32, #tpu.memory_space<vmem>>, vector<1x128xf32>
    %mul3A_18 = vector.broadcast %get3A_17 : vector<1x128xf32> to vector<1024x128xf32>
    %mul3A_19 = arith.mulf %dot_general3A_5, %mul3A_18 : vector<1024x128xf32>
    %reduce_sum3A_20 = arith.constant dense<0.000000e+00> : vector<1024xf32>
    %reduce_sum3A_21 = vector.multi_reduction <add>, %mul3A_19, %reduce_sum3A_20 [1] : vector<1024x128xf32> to vector<1024xf32>
    %swap3A_22 = arith.constant 0 : index
    %swap3A_23 = vector.load %arg7[%swap3A_22] : memref<1024xf32, #tpu.memory_space<vmem>>, vector<1024xf32>
    tpu.vector_store %arg7[%swap3A_22], %reduce_sum3A_21 {strides = array<i32>} : memref<1024xf32, #tpu.memory_space<vmem>>, vector<1024xf32>,
    return
  }
  func.func @transform_0(%arg0: i32) -> (i32, i32) {
    %c0_i32 = arith.constant 0 : i32
    %c0_i32_0 = arith.constant 0 : i32
    return %arg0, %c0_i32 : i32, i32
  }
  func.func @transform_1(%arg0: i32) -> (i32, i32) {
    %c0_i32 = arith.constant 0 : i32
    %c0_i32_0 = arith.constant 0 : i32
    %c0_i32_1 = arith.constant 0 : i32
    return %c0_i32, %c0_i32_0 : i32, i32
  }
  func.func @transform_2(%arg0: i32) -> (i32, i32) {
    %c0_i32 = arith.constant 0 : i32
    %c0_i32_0 = arith.constant 0 : i32
    %c0_i32_1 = arith.constant 0 : i32
    return %c0_i32, %c0_i32_0 : i32, i32
  }
  func.func @transform_3(%arg0: i32) -> (i32, i32) {
    %c0_i32 = arith.constant 0 : i32
    %c0_i32_0 = arith.constant 0 : i32
    %c0_i32_1 = arith.constant 0 : i32
    return %c0_i32, %c0_i32_0 : i32, i32
  }
  func.func @transform_4(%arg0: i32) -> (i32, i32) {
    %c0_i32 = arith.constant 0 : i32
    %c0_i32_0 = arith.constant 0 : i32
    return %arg0, %c0_i32 : i32, i32
  }
  func.func @transform_5(%arg0: i32) -> i32 {
    %c0_i32 = arith.constant 0 : i32
    return %arg0 : i32
  }
  func.func @transform_6(%arg0: i32) -> i32 {
    %c0_i32 = arith.constant 0 : i32
    return %arg0 : i32
  }
}

module attributes {stable_mosaic.version = 14 : i64} {
  func.func @_mid_body(%arg0: i32, %arg1: memref<1024x128xf32, #tpu.memory_space<vmem>>, %arg2: memref<1024x128xf32, #tpu.memory_space<vmem>>, %arg3: memref<1024xf32, #tpu.memory_space<vmem>>, %arg4: memref<1024xf32, #tpu.memory_space<vmem>>, %arg5: memref<1x128xf32, #tpu.memory_space<vmem>>, %arg6: memref<128x128xf32, #tpu.memory_space<vmem>>, %arg7: memref<1x128xf32, #tpu.memory_space<vmem>>, %arg8: memref<1x128xf32, #tpu.memory_space<vmem>>, %arg9: memref<1024x128xf32, #tpu.memory_space<vmem>>, %arg10: memref<1024xf32, #tpu.memory_space<vmem>>, %arg11: memref<1024xf32, #tpu.memory_space<vmem>>) attributes {dimension_semantics = [#tpu.dimension_semantics<arbitrary>], iteration_bounds = array<i64: 10>, scalar_prefetch = 0 : i64, scratch_operands = 0 : i64, tpu.core_type = #tpu.core_type<tc>, window_params = [{transform_indices = @transform_0, window_bounds = array<i64: 1024, 128>}, {transform_indices = @transform_1, window_bounds = array<i64: 1024, 128>}, {transform_indices = @transform_2, window_bounds = array<i64: 1024>}, {transform_indices = @transform_3, window_bounds = array<i64: 1024>}, {pipeline_mode = #tpu.pipeline_mode<synchronous>, transform_indices = @transform_4, window_bounds = array<i64: 1, 128>}, {pipeline_mode = #tpu.pipeline_mode<synchronous>, transform_indices = @transform_5, window_bounds = array<i64: 128, 128>}, {pipeline_mode = #tpu.pipeline_mode<synchronous>, transform_indices = @transform_6, window_bounds = array<i64: 1, 128>}, {pipeline_mode = #tpu.pipeline_mode<synchronous>, transform_indices = @transform_7, window_bounds = array<i64: 1, 128>}, {transform_indices = @transform_8, window_bounds = array<i64: 1024, 128>}, {transform_indices = @transform_9, window_bounds = array<i64: 1024>}, {transform_indices = @transform_10, window_bounds = array<i64: 1024>}]} {
    %get3A = arith.constant 0 : index
    %get3A_0 = vector.load %arg3[%get3A] : memref<1024xf32, #tpu.memory_space<vmem>>, vector<1024xf32>
    %get3A_1 = arith.constant 0 : index
    %get3A_2 = vector.load %arg4[%get3A_1] : memref<1024xf32, #tpu.memory_space<vmem>>, vector<1024xf32>
    %add3A = arith.addf %get3A_0, %get3A_2 : vector<1024xf32>
    %add3A_3 = arith.constant 1.000000e-16 : f32
    %add3A_4 = vector.broadcast %add3A_3 : f32 to vector<1024xf32>
    %add3A_5 = arith.addf %add3A, %add3A_4 : vector<1024xf32>
    %get3A_6 = arith.constant 0 : index
    %get3A_7 = arith.constant 0 : index
    %get3A_8 = vector.load %arg1[%get3A_6, %get3A_7] : memref<1024x128xf32, #tpu.memory_space<vmem>>, vector<1024x128xf32>
    %get3A_9 = arith.constant 0 : index
    %get3A_10 = arith.constant 0 : index
    %get3A_11 = vector.load %arg2[%get3A_9, %get3A_10] : memref<1024x128xf32, #tpu.memory_space<vmem>>, vector<1024x128xf32>
    %add3A_12 = arith.addf %get3A_8, %get3A_11 : vector<1024x128xf32>
    %broadcast_in_dim3A = vector.shape_cast %add3A_5 : vector<1024xf32> to vector<1024x1xf32>
    %div3A = vector.broadcast %broadcast_in_dim3A : vector<1024x1xf32> to vector<1024x128xf32>
    %div3A_13 = arith.divf %add3A_12, %div3A : vector<1024x128xf32>
    %get3A_14 = arith.constant 0 : index
    %get3A_15 = arith.constant 0 : index
    %get3A_16 = vector.load %arg5[%get3A_14, %get3A_15] : memref<1x128xf32, #tpu.memory_space<vmem>>, vector<1x128xf32>
    %add3A_17 = vector.broadcast %get3A_16 : vector<1x128xf32> to vector<1024x128xf32>
    %add3A_18 = arith.addf %div3A_13, %add3A_17 : vector<1024x128xf32>
    %max3A = arith.constant 0.000000e+00 : f32
    %max3A_19 = vector.broadcast %max3A : f32 to vector<1024x128xf32>
    %max3A_20 = arith.maximumf %add3A_18, %max3A_19 : vector<1024x128xf32>
    %iota3A = tpu.iota {dimensions = array<i32: 0>} : vector<1024x1xi32>
    %mul3A = arith.constant 1024 : i32
    %mul3A_21 = arith.muli %arg0, %mul3A : i32
    %add3A_22 = vector.broadcast %mul3A_21 : i32 to vector<1024x1xi32>
    %add3A_23 = arith.addi %iota3A, %add3A_22 : vector<1024x1xi32>
    %lt3A = arith.constant 10000 : i32
    %lt3A_24 = vector.broadcast %lt3A : i32 to vector<1024x1xi32>
    %lt3A_25 = arith.cmpi slt, %add3A_23, %lt3A_24 : vector<1024x1xi32>
    %jit3A = arith.constant 0.000000e+00 : f32
    %broadcast_in_dim3A_26 = vector.shape_cast %lt3A_25 : vector<1024x1xi1> to vector<1024x1xi1>
    %broadcast_in_dim3A_27 = vector.broadcast %broadcast_in_dim3A_26 : vector<1024x1xi1> to vector<1024x128xi1>
    %broadcast_in_dim3A_28 = vector.broadcast %jit3A : f32 to vector<1024x128xf32>
    %select_n3A = arith.select %broadcast_in_dim3A_27, %max3A_20, %broadcast_in_dim3A_28 : vector<1024x128xi1>, vector<1024x128xf32>
    %get3A_29 = arith.constant 0 : index
    %get3A_30 = arith.constant 0 : index
    %get3A_31 = vector.load %arg6[%get3A_29, %get3A_30] : memref<128x128xf32, #tpu.memory_space<vmem>>, vector<128x128xf32>
    %dot_general3A = arith.constant dense<0.000000e+00> : vector<1024x128xf32>
    %dot_general3A_32 = tpu.matmul %select_n3A, %get3A_31, %dot_general3A {dimension_numbers = #tpu.dot_dimension_numbers<[1], [0], [0], [1], [0, 0, 1, 1], [], []>, transpose_lhs_hint = false} : vector<1024x128xf32>, vector<128x128xf32>, vector<1024x128xf32> -> vector<1024x128xf32>
    %swap3A = arith.constant 0 : index
    %swap3A_33 = arith.constant 0 : index
    %swap3A_34 = vector.load %arg9[%swap3A, %swap3A_33] : memref<1024x128xf32, #tpu.memory_space<vmem>>, vector<1024x128xf32>
    tpu.vector_store %arg9[%swap3A, %swap3A_33], %dot_general3A_32 {strides = array<i32>} : memref<1024x128xf32, #tpu.memory_space<vmem>>, vector<1024x128xf32>,
    %get3A_35 = arith.constant 0 : index
    %get3A_36 = arith.constant 0 : index
    %get3A_37 = vector.load %arg7[%get3A_35, %get3A_36] : memref<1x128xf32, #tpu.memory_space<vmem>>, vector<1x128xf32>
    %mul3A_38 = vector.broadcast %get3A_37 : vector<1x128xf32> to vector<1024x128xf32>
    %mul3A_39 = arith.mulf %dot_general3A_32, %mul3A_38 : vector<1024x128xf32>
    %reduce_sum3A = arith.constant dense<0.000000e+00> : vector<1024xf32>
    %reduce_sum3A_40 = vector.multi_reduction <add>, %mul3A_39, %reduce_sum3A [1] : vector<1024x128xf32> to vector<1024xf32>
    %swap3A_41 = arith.constant 0 : index
    %swap3A_42 = vector.load %arg10[%swap3A_41] : memref<1024xf32, #tpu.memory_space<vmem>>, vector<1024xf32>
    tpu.vector_store %arg10[%swap3A_41], %reduce_sum3A_40 {strides = array<i32>} : memref<1024xf32, #tpu.memory_space<vmem>>, vector<1024xf32>,
    %get3A_43 = arith.constant 0 : index
    %get3A_44 = arith.constant 0 : index
    %get3A_45 = vector.load %arg8[%get3A_43, %get3A_44] : memref<1x128xf32, #tpu.memory_space<vmem>>, vector<1x128xf32>
    %mul3A_46 = vector.broadcast %get3A_45 : vector<1x128xf32> to vector<1024x128xf32>
    %mul3A_47 = arith.mulf %dot_general3A_32, %mul3A_46 : vector<1024x128xf32>
    %reduce_sum3A_48 = arith.constant dense<0.000000e+00> : vector<1024xf32>
    %reduce_sum3A_49 = vector.multi_reduction <add>, %mul3A_47, %reduce_sum3A_48 [1] : vector<1024x128xf32> to vector<1024xf32>
    %swap3A_50 = arith.constant 0 : index
    %swap3A_51 = vector.load %arg11[%swap3A_50] : memref<1024xf32, #tpu.memory_space<vmem>>, vector<1024xf32>
    tpu.vector_store %arg11[%swap3A_50], %reduce_sum3A_49 {strides = array<i32>} : memref<1024xf32, #tpu.memory_space<vmem>>, vector<1024xf32>,
    return
  }
  func.func @transform_0(%arg0: i32) -> (i32, i32) {
    %c0_i32 = arith.constant 0 : i32
    %c0_i32_0 = arith.constant 0 : i32
    return %arg0, %c0_i32 : i32, i32
  }
  func.func @transform_1(%arg0: i32) -> (i32, i32) {
    %c0_i32 = arith.constant 0 : i32
    %c0_i32_0 = arith.constant 0 : i32
    return %arg0, %c0_i32 : i32, i32
  }
  func.func @transform_2(%arg0: i32) -> i32 {
    %c0_i32 = arith.constant 0 : i32
    return %arg0 : i32
  }
  func.func @transform_3(%arg0: i32) -> i32 {
    %c0_i32 = arith.constant 0 : i32
    return %arg0 : i32
  }
  func.func @transform_4(%arg0: i32) -> (i32, i32) {
    %c0_i32 = arith.constant 0 : i32
    %c0_i32_0 = arith.constant 0 : i32
    %c0_i32_1 = arith.constant 0 : i32
    return %c0_i32, %c0_i32_0 : i32, i32
  }
  func.func @transform_5(%arg0: i32) -> (i32, i32) {
    %c0_i32 = arith.constant 0 : i32
    %c0_i32_0 = arith.constant 0 : i32
    %c0_i32_1 = arith.constant 0 : i32
    return %c0_i32, %c0_i32_0 : i32, i32
  }
  func.func @transform_6(%arg0: i32) -> (i32, i32) {
    %c0_i32 = arith.constant 0 : i32
    %c0_i32_0 = arith.constant 0 : i32
    %c0_i32_1 = arith.constant 0 : i32
    return %c0_i32, %c0_i32_0 : i32, i32
  }
  func.func @transform_7(%arg0: i32) -> (i32, i32) {
    %c0_i32 = arith.constant 0 : i32
    %c0_i32_0 = arith.constant 0 : i32
    %c0_i32_1 = arith.constant 0 : i32
    return %c0_i32, %c0_i32_0 : i32, i32
  }
  func.func @transform_8(%arg0: i32) -> (i32, i32) {
    %c0_i32 = arith.constant 0 : i32
    %c0_i32_0 = arith.constant 0 : i32
    return %arg0, %c0_i32 : i32, i32
  }
  func.func @transform_9(%arg0: i32) -> i32 {
    %c0_i32 = arith.constant 0 : i32
    return %arg0 : i32
  }
  func.func @transform_10(%arg0: i32) -> i32 {
    %c0_i32 = arith.constant 0 : i32
    return %arg0 : i32
  }
}

module attributes {stable_mosaic.version = 14 : i64} {
  func.func @_final_body(%arg0: i32, %arg1: memref<1024x64xf32, #tpu.memory_space<vmem>>, %arg2: memref<1024x64xf32, #tpu.memory_space<vmem>>, %arg3: memref<1024xf32, #tpu.memory_space<vmem>>, %arg4: memref<1024xf32, #tpu.memory_space<vmem>>, %arg5: memref<1x64xf32, #tpu.memory_space<vmem>>, %arg6: memref<1024x64xf32, #tpu.memory_space<vmem>>) attributes {dimension_semantics = [#tpu.dimension_semantics<arbitrary>], iteration_bounds = array<i64: 10>, scalar_prefetch = 0 : i64, scratch_operands = 0 : i64, tpu.core_type = #tpu.core_type<tc>, window_params = [{transform_indices = @transform_0, window_bounds = array<i64: 1024, 64>}, {transform_indices = @transform_1, window_bounds = array<i64: 1024, 64>}, {transform_indices = @transform_2, window_bounds = array<i64: 1024>}, {transform_indices = @transform_3, window_bounds = array<i64: 1024>}, {pipeline_mode = #tpu.pipeline_mode<synchronous>, transform_indices = @transform_4, window_bounds = array<i64: 1, 64>}, {transform_indices = @transform_5, window_bounds = array<i64: 1024, 64>}]} {
    %get3A = arith.constant 0 : index
    %get3A_0 = vector.load %arg3[%get3A] : memref<1024xf32, #tpu.memory_space<vmem>>, vector<1024xf32>
    %get3A_1 = arith.constant 0 : index
    %get3A_2 = vector.load %arg4[%get3A_1] : memref<1024xf32, #tpu.memory_space<vmem>>, vector<1024xf32>
    %add3A = arith.addf %get3A_0, %get3A_2 : vector<1024xf32>
    %add3A_3 = arith.constant 1.000000e-16 : f32
    %add3A_4 = vector.broadcast %add3A_3 : f32 to vector<1024xf32>
    %add3A_5 = arith.addf %add3A, %add3A_4 : vector<1024xf32>
    %get3A_6 = arith.constant 0 : index
    %get3A_7 = arith.constant 0 : index
    %get3A_8 = vector.load %arg1[%get3A_6, %get3A_7] : memref<1024x64xf32, #tpu.memory_space<vmem>>, vector<1024x64xf32>
    %get3A_9 = arith.constant 0 : index
    %get3A_10 = arith.constant 0 : index
    %get3A_11 = vector.load %arg2[%get3A_9, %get3A_10] : memref<1024x64xf32, #tpu.memory_space<vmem>>, vector<1024x64xf32>
    %add3A_12 = arith.addf %get3A_8, %get3A_11 : vector<1024x64xf32>
    %broadcast_in_dim3A = vector.shape_cast %add3A_5 : vector<1024xf32> to vector<1024x1xf32>
    %div3A = vector.broadcast %broadcast_in_dim3A : vector<1024x1xf32> to vector<1024x64xf32>
    %div3A_13 = arith.divf %add3A_12, %div3A : vector<1024x64xf32>
    %get3A_14 = arith.constant 0 : index
    %get3A_15 = arith.constant 0 : index
    %get3A_16 = vector.load %arg5[%get3A_14, %get3A_15] : memref<1x64xf32, #tpu.memory_space<vmem>>, vector<1x64xf32>
    %add3A_17 = vector.broadcast %get3A_16 : vector<1x64xf32> to vector<1024x64xf32>
    %add3A_18 = arith.addf %div3A_13, %add3A_17 : vector<1024x64xf32>
    %max3A = arith.constant 0.000000e+00 : f32
    %max3A_19 = vector.broadcast %max3A : f32 to vector<1024x64xf32>
    %max3A_20 = arith.maximumf %add3A_18, %max3A_19 : vector<1024x64xf32>
    %swap3A = arith.constant 0 : index
    %swap3A_21 = arith.constant 0 : index
    %swap3A_22 = vector.load %arg6[%swap3A, %swap3A_21] : memref<1024x64xf32, #tpu.memory_space<vmem>>, vector<1024x64xf32>
    tpu.vector_store %arg6[%swap3A, %swap3A_21], %max3A_20 {strides = array<i32>} : memref<1024x64xf32, #tpu.memory_space<vmem>>, vector<1024x64xf32>,
    return
  }
  func.func @transform_0(%arg0: i32) -> (i32, i32) {
    %c0_i32 = arith.constant 0 : i32
    %c0_i32_0 = arith.constant 0 : i32
    return %arg0, %c0_i32 : i32, i32
  }
  func.func @transform_1(%arg0: i32) -> (i32, i32) {
    %c0_i32 = arith.constant 0 : i32
    %c0_i32_0 = arith.constant 0 : i32
    return %arg0, %c0_i32 : i32, i32
  }
  func.func @transform_2(%arg0: i32) -> i32 {
    %c0_i32 = arith.constant 0 : i32
    return %arg0 : i32
  }
  func.func @transform_3(%arg0: i32) -> i32 {
    %c0_i32 = arith.constant 0 : i32
    return %arg0 : i32
  }
  func.func @transform_4(%arg0: i32) -> (i32, i32) {
    %c0_i32 = arith.constant 0 : i32
    %c0_i32_0 = arith.constant 0 : i32
    %c0_i32_1 = arith.constant 0 : i32
    return %c0_i32, %c0_i32_0 : i32, i32
  }
  func.func @transform_5(%arg0: i32) -> (i32, i32) {
    %c0_i32 = arith.constant 0 : i32
    %c0_i32_0 = arith.constant 0 : i32
    return %arg0, %c0_i32 : i32, i32
  }
}

</mosaic_0001>

<sc_bundles>
// kernel: kernel.10.cloned.1.call-start
scs
__scs_entry_jumppad:
0x0: {  	(pc) =	sbr.rel $0x88, $3  }
0x1: {  	(tag) =	ssettag $0x0;
	lr =	simm.s32 $0x1  }
0x2: {  	[smem:$0x3F97] =	sst lr;
	_ =	strace $0xD0000000  }
0x3: {  	_ = 	snop  }
0x4: {  	_ = 	snop  }
0x5: {  	_ = 	snop  }
0x6: {  	_ = 	snop  }
0x7: {  	_ = 	snop  }
__scs_overlays_trampoline_lowered:
0x8: {  	[smem:$0x3FA6] =	sst s0  }
0x9: {  	[smem:$0x3FA7] =	sst s1  }
0xa: {  	[smem:$0x3FA8] =	sst s2  }
0xb: {  	[smem:$0x3FA9] =	sst s3  }
0xc: {  	[smem:$0x3FAA] =	sst s4  }
0xd: {  	[smem:$0x3FAB] =	sst s5  }
0xe: {  	[smem:$0x3FAC] =	sst s6  }
0xf: {  	[smem:$0x3FAD] =	sst s7  }
0x10: {  	[smem:$0x3FAE] =	sst s8  }
0x11: {  	[smem:$0x3FAF] =	sst s9;
	s0 =	simm.s32 @!p0 $0x0  }
0x12: {  	s1 =	sld [smem:$0x3F95];
	s0 =	simm.s32 @p0 $0x1  }
0x13: {  	[smem:$0x3FB0] =	sst s0;
	s0 =	simm.s32 @!p1 $0x0  }
0x14: {  	s2 =	sld [smem:$0x3F94];
	s0 =	simm.s32 @p1 $0x1  }
0x15: {  	[smem:$0x3FB1] =	sst s0;
	s0 =	simm.s32 @!p2 $0x0  }
0x16: {  	s3 =	sld [smem:$0x3FDB];
	s0 =	simm.s32 @p2 $0x1  }
0x17: {  	s4 =	simm.s32 $0x1BF5;
	[smem:$0x3FB3] =	sst s0  }
0x18: {  	s0 =	sld [smem:$0x3F96];
	_ =	swait.ge [sflag:s4], $0x0  }
0x19: {  	s7 =	sld [smem:$0x3F97]  }
0x1a: {  	s8 =	sadd.s32 $0xFFFFE003, lr  }
0x1b: {  	s9 =	sadd.s32 $0xFFFFFEF7, lr;
	s5 =	simm.s32 $0xFFFFFFFF;
	p2 =	slt.u32 s8, $0xFFFFF086  }
0x1c: {  	p1 =	slt.u32 s9, $0xF7A;
	s5 =	simm.s32 @!p2 $0x0  }
0x1d: {  	s5 =	simm.s32 @p1 $0x1;
	p0 =	seq.s32 s7, s2  }
0x1e: {  	s7 =	smul.u32 @!p0 $0xF7A, s2;
	p2 =	seq.s32 @!p0 s5, $0x0  }
0x1f: {  	s9 =	smul.u32 $0xF7A, s1;
	s8 =	simm.s32 @!p0 $0x1BF5;
	p2 =	por !p2, p0  }
0x20: {  	[sflag:s8] =	ssyncset.s32 @!p0 $0xFFFFF086;
	s6 =	sadd.s32 @!p0 s3, s7;
	s7 =	simm.s32 @!p0 $0x108  }
0x21: {  	s3 =	sadd.s32 s3, s9;
	s6 =	sadd.s32 @!p0 $0x88, s6;
	s7 =	simm.s32 @p2 $0x1082  }
0x22: {  	[simem:s7], [sflag:s8] =	dma.local @!p0 [hbm:s6], $0xF7A  }
0x23: {  	s9 =	sor.u32 $0xD0000000, s2;
	s6 =	simm.s32 $0x108;
	_ =	swait.ge @!p0 [sflag:s8], $0x0  }
0x24: {  	s3 =	sadd.s32 $0x88, s3;
	s6 =	simm.s32 @!p1 $0x1082;
	[sflag:s4] =	ssyncset.s32 $0xFFFFF086  }
0x25: {  	[simem:s6], [sflag:s4] =	dma.local [hbm:s3], $0xF7A  }
0x26: {  	[smem:$0x3F97] =	sst s1;
	(tag) =	ssettag s2;
	_ =	strace s9  }
0x27: {  	s1 =	sld [smem:$0x3FA7]  }
0x28: {  	s2 =	sld [smem:$0x3FA8]  }
0x29: {  	s4 =	sld [smem:$0x3FAA]  }
0x2a: {  	p0 =	seq.s32 s5, $0x0;
	s5 =	sld [smem:$0x3FAB]  }
0x2b: {  	s6 =	sld [smem:$0x3FAC]  }
0x2c: {  	s7 =	sld [smem:$0x3FAD]  }
0x2d: {  	s3 =	simm.s32 $0x108;
	s8 =	sld [smem:$0x3FAE]  }
0x2e: {  	s3 =	simm.s32 @!p0 $0x1082;
	s9 =	sld [smem:$0x3FAF]  }
0x2f: {  	lr =	sadd.s32 s0, s3;
	s0 =	sld [smem:$0x3FA6]  }
0x30: {  	s3 =	sld [smem:$0x3FA9]  }
0x31: {  	[smem:$0x3FB2] =	sst s10  }
0x32: {  	s10 =	sld [smem:$0x3FB0];
	_ =	sdelay $0x3  }
0x33: {  	p0 =	seq.s32 s10, $0x1;
	s10 =	sld [smem:$0x3FB2];
	_ =	sdelay $0x3  }
0x34: {  	[smem:$0x3FB2] =	sst s10  }
0x35: {  	s10 =	sld [smem:$0x3FB1];
	_ =	sdelay $0x3  }
0x36: {  	p1 =	seq.s32 s10, $0x1;
	s10 =	sld [smem:$0x3FB2];
	_ =	sdelay $0x3  }
0x37: {  	[smem:$0x3FB2] =	sst s10  }
0x38: {  	s10 =	sld [smem:$0x3FB3]  }
0x39: {  	_ = 	snop;
	(pc) =	sbr.ind lr, $3  }
0x3a: {  	_ = 	snop  }
0x3b: {  	_ = 	snop  }
0x3c: {  	p2 =	seq.s32 s10, $0x1;
	s10 =	sld [smem:$0x3FB2]  }
0x3d: {  	_ =	shalt  }
0x3e: {  	_ =	shalt  }
0x3f: {  	_ =	shalt  }
0x40: {  	_ =	shalt  }
0x41: {  	_ =	shalt  }
0x42: {  	_ =	shalt  }
0x43: {  	_ =	shalt  }
0x44: {  	_ =	shalt  }
0x45: {  	_ =	shalt  }
0x46: {  	_ =	shalt  }
0x47: {  	_ =	shalt  }
0x48: {  	_ =	shalt  }
0x49: {  	_ =	shalt  }
0x4a: {  	_ =	shalt  }
0x4b: {  	_ =	shalt  }
0x4c: {  	_ =	shalt  }
0x4d: {  	_ =	shalt  }
0x4e: {  	_ =	shalt  }
0x4f: {  	_ =	shalt  }
0x50: {  	_ =	shalt  }
0x51: {  	_ =	shalt  }
0x52: {  	_ =	shalt  }
0x53: {  	_ =	shalt  }
0x54: {  	_ =	shalt  }
0x55: {  	_ =	shalt  }
0x56: {  	_ =	shalt  }
0x57: {  	_ =	shalt  }
0x58: {  	_ =	shalt  }
0x59: {  	_ =	shalt  }
0x5a: {  	_ =	shalt  }
0x5b: {  	_ =	shalt  }
0x5c: {  	_ =	shalt  }
0x5d: {  	_ =	shalt  }
0x5e: {  	_ =	shalt  }
0x5f: {  	_ =	shalt  }
0x60: {  	_ =	shalt  }
0x61: {  	_ =	shalt  }
0x62: {  	_ =	shalt  }
0x63: {  	_ =	shalt  }
0x64: {  	_ =	shalt  }
0x65: {  	_ =	shalt  }
0x66: {  	_ =	shalt  }
0x67: {  	_ =	shalt  }
0x68: {  	_ =	shalt  }
0x69: {  	_ =	shalt  }
0x6a: {  	_ =	shalt  }
0x6b: {  	_ =	shalt  }
0x6c: {  	_ =	shalt  }
0x6d: {  	_ =	shalt  }
0x6e: {  	_ =	shalt  }
0x6f: {  	_ =	shalt  }
0x70: {  	_ =	shalt  }
0x71: {  	_ =	shalt  }
0x72: {  	_ =	shalt  }
0x73: {  	_ =	shalt  }
0x74: {  	_ =	shalt  }
0x75: {  	_ =	shalt  }
0x76: {  	_ =	shalt  }
0x77: {  	_ =	shalt  }
0x78: {  	_ =	shalt  }
0x79: {  	_ =	shalt  }
0x7a: {  	_ =	shalt  }
0x7b: {  	_ =	shalt  }
0x7c: {  	_ =	shalt  }
0x7d: {  	_ =	shalt  }
0x7e: {  	_ =	shalt  }
0x7f: {  	_ =	shalt  }
0x80: {  	_ =	shalt  }
0x81: {  	_ =	shalt  }
0x82: {  	_ =	shalt  }
0x83: {  	_ =	shalt  }
0x84: {  	_ =	shalt  }
0x85: {  	_ =	shalt  }
0x86: {  	_ =	shalt  }
0x87: {  	_ =	shalt  }
.Lfunc_end0:
.L_simem_size_0:
called_computation.1_lowered:
.L_overlay_start_0:
0x88: {  	s2 =	sld [smem:$0x3FD9]  }
0x89: {  	s3 =	sld [smem:$0x3FFE];
	_ =	sdelay $0x1  }
0x8a: {  	s1 =	srdreg.scid  }
0x8b: {  	s0 =	sand.u32 $0x1, s1  }
0x8c: {  	s17 =	sshll.u32 s0, $0xA;
	s2 =	sadd.s32 s3, s2  }
0x8d: {  	s2 =	sadd.s32 s2, s17  }
0x8e: {  	[smem:$0x3FBE] =	sst s2  }
0x8f: {  	_ = 	snop  }
0x90: {  	s2 =	sld [smem:$0x3FD0];
	(tm) =	ssettm $0x1  }
0x91: {  	s18 =	sld [smem:$0x3FFB];
	_ =	sdelay $0x3  }
0x92: {  	_ =	strace s18  }
0x93: {  	s3 =	sld [smem:$0x3FFC];
	_ =	sdelay $0x3  }
0x94: {  	_ =	strace s3  }
0x95: {  	s3 =	sld [smem:$0x3FFD];
	_ =	sdelay $0x3  }
0x96: {  	_ =	strace s3  }
0x97: {  	_ =	strace $0x8FFFFFFF  }
0x98: {  	s19 =	sld [smem:$0x3FDB];
	_ =	sdelay $0x1  }
0x99: {  	s4 =	simm.s32 $_scs_section_size  }
0x9a: {  	s5 =	simm.s32 $_size__tile_overlayer_lowered;
	s6 =	simm.s32 $_tile_overlayer_lowered  }
0x9b: {  	s22 =	simm.s32 $0x1BFF;
	s21 =	sshll.u32 s6, $0x1;
	s3 =	sadd.s32 s4, s19  }
0x9c: {  	s7 =	simm.s32 $0x0;
	s20 =	sshll.u32 s5, $0x1;
	s5 =	sadd.s32 s21, s3  }
0x9d: {  	[timem:s7], [sflag:s22] =	dma.local [hbm:s5], s20  }
0x9e: {  	_ =	swait.ge [sflag:s22], s20  }
0x9f: {  	s4 =	ssub.s32 $0x0, s20;
	[sflag:s22] =	ssyncset.done $0x0  }
0xa0: {  	[sflag:s22] =	ssyncadd.s32 s4;
	_ =	sdelay $0x1  }
0xa1: {  	s23 =	simm.s32 $0x1B8B  }
0xa2: {  	_ =	swait.ge [sflag:s23], $0x1  }
0xa3: {  	[sflag:s23] =	ssyncset.done $0x0  }
0xa4: {  	s25 =	simm.s32 $0x1B8E;
	s24 =	sld [smem:$0x3FFE];
	[sflag:s23] =	ssyncadd.s32 $0xFFFFFFFF  }
0xa5: {  	s26 =	simm.s32 $execute0_lowered;
	[smem:$0x3FD2] =	sst s25  }
0xa6: {  	s5 =	sshll.u32 s26, $0x1;
	_ =	strace $0x80000049;
	[dreg:$0x1] =	wrdreg $0xFFFFFFFF  }
0xa7: {  	s28 =	simm.s32 $_size_execute0_lowered;
	s3 =	sadd.s32 s3, s5;
	[dreg:$0x0] =	wrdreg $0x0  }
0xa8: {  	s5 =	sshll.u32 s28, $0x1;
	[dreg:$0x2] =	wrdreg s3  }
0xa9: {  	[dreg:$0x3] =	wrdreg s5  }
0xaa: {  	[dreg:$0x4] =	wrdreg $0xC0  }
0xab: {  	_ =	task [dreg:s7], $0x5FFFF  }
0xac: {  	[dreg:$0x1] =	wrdreg $0xFFFFFFFF  }
0xad: {  	[dreg:$0x0] =	wrdreg $0x60  }
0xae: {  	[dreg:$0x2] =	wrdreg s24  }
0xaf: {  	[dreg:$0x3] =	wrdreg s2  }
0xb0: {  	[dreg:$0x4] =	wrdreg $0x94000  }
0xb1: {  	[dreg:$0x5] =	wrdreg $0x1D4000  }
0xb2: {  	[dreg:$0x6] =	wrdreg $0x9  }
0xb3: {  	_ =	task.clear_ibuf [dreg:s7], $0x7FFFF;
	_ =	strace $0x90000049  }
0xb4: {  	s29 =	simm.s32 $0x9;
	_ =	strace $0x8000004B  }
0xb5: {  	_ =	swait.ge [sflag:s29], $0x1  }
0xb6: {  	[sflag:s29] =	ssyncadd.s32 $0xFFFFFFFF  }
0xb7: {  	_ =	strace $0x9000004B  }
0xb8: {  	_ =	sfence  }
0xb9: {  	s30 =	sld [smem:$0x0];
	_ =	sdelay $0x2  }
0xba: {  	s31 =	sshll.u32 s1, $0xD;
	s1 =	sshrl.u32 s1, $0x2  }
0xbb: {  	s3 =	sand.u32 $0x4000, s31;
	s1 =	sadd.s32 s1, s30  }
0xbc: {  	s0 =	sor.u32 s3, s0;
	s1 =	sshll.u32 s1, $0x11  }
0xbd: {  	s0 =	sor.u32 s1, s0  }
0xbe: {  	s0 =	sadd.s32 $0x8F2B, s0  }
0xbf: {  	[sflag:s0] =	ssyncadd.remote.s32 $0x1  }
0xc0: {  	_ =	sfence.sel $0xFFFF  }
0xc1: {  	[dreg:$0x0] =	wrdreg $0xFFFFFFFF;
	(pc) =	sbr.abs _section_cstart, $3  }
0xc2: {  	[dreg:$0x1] =	wrdreg $0xFFFFFFFF  }
0xc3: {  	_ =	task.clear_ibuf [dreg:s7], $0x2FFFF;
	_ =	strace $0x9FFFFFFF  }
0xc4: {  	(tm) =	ssettm $0x7FFFFFFF  }
0xc5: {  	_ =	shalt  }
tec
execute0_lowered:
.L_overlay_start_1:
0x0: {  	(tag) =	ssettag $0x1  }
0x1: {  	s0 =	rddreg [dreg:$0x0]  }
0x2: {  	s3 =	rddreg [dreg:$0x1]  }
0x3: {  	s1 =	rddreg [dreg:$0x2]  }
0x4: {  	s2 =	rddreg [dreg:$0x3]  }
0x5: {  	s4 =	srdreg.scid;
	s21 =	stileid.u32  }
0x6: {  	s28 =	simm.s32 $0x80;
	s29 =	simm.s32 $0x5000;
	s30 =	simm.s32 $0x1  }
0x7: {  	s31 =	simm.s32 $0x5080;
	s10 =	sand.u32 $0x1, s4;
	s8 =	smul.u32 $0x500, s21  }
0x8: {  	s4 =	simm.s32 $0x0;
	s6 =	sadd.s32 $0x35A00, s0;
	s11 =	smul.u32 $0x280, s21  }
0x9: {  	s7 =	sadd.s32 $0x36000, s0;
	s13 =	smul.u32 $0x50000, s21;
	s16 =	sadd.s32 $0x36600, s0  }
0xa: {  	s5 =	sshll.u32 s10, $0x4;
	[smem:$0x7FF] =	sst s4;
	s9 =	sshll.u32 s10, $0x7  }
0xb: {  	s23 =	ssub.s32 $0x2, s10;
	s19 =	smul.u32 $0x140000, s10;
	s5 =	sor.u32 s21, s5  }
0xc: {  	_ =	strace $0x8000004A;
	s8 =	sor.u32 s9, s8;
	s12 =	sshrl.u32 s23, $0x1  }
0xd: {  	s24 =	sshrl.u32 s13, $0x2;
	s25 =	sshll.u32 s11, $0x7;
	s21 =	smul.u32 $0x14000, s21  }
0xe: {  	s14 =	smul.u32 $0x500, s5;
	s5 =	sadd.s32 $0xDA00, s0;
	s8 =	sshrl.u32 s8, $0x3  }
0xf: {  	s17 =	ssub.s32 s23, s12;
	s9 =	sadd.s32 s24, s1;
	s18 =	sadd.s32 $0x4000, s25  }
0x10: {  	s20 =	sadd.s32 $0x8000, s25;
	s22 =	sadd.s32 $0xC000, s25;
	s23 =	sadd.s32 $0x10000, s25  }
0x11: {  	s10 =	sadd.s32 s18, s1;
	s12 =	sadd.s32 s22, s1;
	s13 =	sadd.s32 s23, s1  }
0x12: {  	s21 =	sadd.s32 s21, s19;
	s18 =	sadd.s32 s19, s18;
	s22 =	sadd.s32 s19, s22  }
0x13: {  	s24 =	sadd.s32 s19, s23;
	s23 =	simm.s32 $0x9180;
	s15 =	sadd.s32 s14, s0  }
0x14: {  	s0 =	sadd.s32 s8, s0;
	s8 =	sadd.s32 s11, s2;
	s11 =	sadd.s32 s20, s1  }
0x15: {  	s26 =	sshrl.u32 s21, $0x3;
	s3 =	sadd.s32 s3, s14;
	s18 =	sshrl.u32 s18, $0x3  }
0x16: {  	s21 =	sadd.s32 s19, s20;
	s15 =	sadd.s32 $0x3A00, s15;
	[dreg:$0x6] =	wrdreg s3  }
0x17: {  	s14 =	sshrl.u32 s22, $0x3;
	s3 =	sadd.s32 s16, s18;
	[dreg:$0x5] =	wrdreg s15  }
0x18: {  	s22 =	smax.u32 s17, $0x1;
	s25 =	sadd.s32 s16, s14;
	[dreg:$0x8] =	wrdreg s3  }
0x19: {  	s15 =	sadd.s32 s16, s26;
	s3 =	sshrl.u32 s21, $0x3;
	[dreg:$0xa] =	wrdreg s25  }
0x1a: {  	s26 =	sshrl.u32 s24, $0x3;
	s21 =	sadd.s32 $0x86600, s0;
	s24 =	simm.s32 $0x3  }
0x1b: {  	s25 =	simm.s32 $0x5180;
	[dreg:$0x7] =	wrdreg s15;
	s3 =	sadd.s32 s16, s3  }
0x1c: {  	s0 =	simm.s32 $0x5100;
	[dreg:$0x9] =	wrdreg s3;
	s3 =	sadd.s32 s16, s26  }
0x1d: {  	v0 =	vimm.f32 $0.0e+00;
	s26 =	simm.s32 $0x0;
	[dreg:$0xb] =	wrdreg s3;
	s3 =	simm.s32 $0x2  }
.LBB2_1:
0x1e: {  	s14 =	simm.s32 $0x0;
	s15 =	simm.s32 $0x200  }
.LBB2_2:
0x1f: {  	p0 =	sne.s32 s15, $0xFE00;
	[tilespmem:s14+$0x51F0] =	vst v0  }
0x20: {  	[tilespmem:s14+$0x5180] =	vst v0  }
0x21: {  	[tilespmem:s14+$0x5190] =	vst v0  }
.Ltmp0:
0x22: {  	[tilespmem:s14+$0x51A0] =	vst v0;
	(pc) =	sbr.rel @p0 .LBB2_2-.Ltmp0, $4  }
0x23: {  	[tilespmem:s14+$0x51B0] =	vst v0  }
0x24: {  	[tilespmem:s14+$0x51C0] =	vst v0  }
0x25: {  	[tilespmem:s14+$0x51D0] =	vst v0  }
0x26: {  	[tilespmem:s14+$0x51E0] =	vst v0;
	s14 =	sshra.s32 s15, $0x2;
	s15 =	sadd.s32 $0x200, s15  }
0x27: {  	[tilespmem:s14+$0x51F0] =	vst v0  }
0x28: {  	[tilespmem:s14+$0x5180] =	vst v0  }
0x29: {  	[tilespmem:s14+$0x5190] =	vst v0  }
0x2a: {  	[tilespmem:s14+$0x51A0] =	vst v0  }
0x2b: {  	[tilespmem:s14+$0x51B0] =	vst v0  }
0x2c: {  	[tilespmem:s14+$0x51C0] =	vst v0  }
0x2d: {  	[tilespmem:s14+$0x51D0] =	vst v0  }
0x2e: {  	[tilespmem:s14+$0x51E0] =	vst v0  }
0x2f: {  	[tilespmem:$0x9180] =	vst v0  }
0x30: {  	[tilespmem:$0x9190] =	vst v0  }
0x31: {  	[tilespmem:$0x91A0] =	vst v0  }
0x32: {  	[tilespmem:$0x91B0] =	vst v0  }
0x33: {  	[tilespmem:$0x91C0] =	vst v0  }
0x34: {  	[tilespmem:$0x91D0] =	vst v0  }
0x35: {  	[tilespmem:$0x91E0] =	vst v0  }
0x36: {  	[tilespmem:$0x91F0] =	vst v0  }
0x37: {  	[tilespmem:$0x9200] =	vst v0  }
0x38: {  	[tilespmem:$0x9210] =	vst v0  }
0x39: {  	[tilespmem:$0x9220] =	vst v0  }
0x3a: {  	[tilespmem:$0x9230] =	vst v0  }
0x3b: {  	[tilespmem:$0x9240] =	vst v0  }
0x3c: {  	[tilespmem:$0x9250] =	vst v0  }
0x3d: {  	[tilespmem:$0x9260] =	vst v0  }
0x3e: {  	[tilespmem:$0x9270] =	vst v0  }
0x3f: {  	[tilespmem:$0x9280] =	vst v0  }
0x40: {  	[tilespmem:$0x9290] =	vst v0  }
0x41: {  	[tilespmem:$0x92A0] =	vst v0  }
0x42: {  	[tilespmem:$0x92B0] =	vst v0  }
0x43: {  	[tilespmem:$0x92C0] =	vst v0  }
0x44: {  	[tilespmem:$0x92D0] =	vst v0  }
0x45: {  	[tilespmem:$0x92E0] =	vst v0  }
0x46: {  	[tilespmem:$0x92F0] =	vst v0  }
0x47: {  	[tilespmem:$0x9300] =	vst v0  }
0x48: {  	[tilespmem:$0x9310] =	vst v0  }
0x49: {  	[tilespmem:$0x9320] =	vst v0  }
0x4a: {  	[tilespmem:$0x9330] =	vst v0  }
0x4b: {  	[tilespmem:$0x9340] =	vst v0  }
0x4c: {  	[tilespmem:$0x9350] =	vst v0  }
0x4d: {  	[tilespmem:$0x9360] =	vst v0  }
0x4e: {  	[tilespmem:$0x9370] =	vst v0  }
0x4f: {  	[tilespmem:$0x9380] =	vst v0  }
0x50: {  	[tilespmem:$0x9390] =	vst v0  }
0x51: {  	[tilespmem:$0x93A0] =	vst v0  }
0x52: {  	[tilespmem:$0x93B0] =	vst v0  }
0x53: {  	[tilespmem:$0x93C0] =	vst v0  }
0x54: {  	[tilespmem:$0x93D0] =	vst v0  }
0x55: {  	[tilespmem:$0x93E0] =	vst v0  }
0x56: {  	[tilespmem:$0x93F0] =	vst v0  }
0x57: {  	[spmem:s8] =	stream.linear.scatter [tilespmem:s23], [sflag:$0x3], $0x280, $0x38;
	[tilespmem:$0x1D680] =	vst v63  }
0x58: {  	_ =	swait.ge [sflag:s24], $0x280  }
0x59: {  	[sflag:s24] =	ssyncset.done $0x0  }
0x5a: {  	[sflag:s24] =	ssyncadd.s32 $0xFFFFFD80  }
0x5b: {  	[spmem:s9] =	stream.linear.scatter [tilespmem:s25], [sflag:$0x3], $0x4000, $0x38;
	[tilespmem:$0x1D680] =	vst v63  }
0x5c: {  	_ =	swait.ge [sflag:s24], $0x4000  }
0x5d: {  	[sflag:s24] =	ssyncset.done $0x0  }
0x5e: {  	[sflag:s24] =	ssyncadd.s32 $0xFFFFC000  }
0x5f: {  	[spmem:s10] =	stream.linear.scatter [tilespmem:s25], [sflag:$0x3], $0x4000, $0x38;
	[tilespmem:$0x1D680] =	vst v63  }
0x60: {  	_ =	swait.ge [sflag:s24], $0x4000  }
0x61: {  	[sflag:s24] =	ssyncset.done $0x0  }
0x62: {  	[sflag:s24] =	ssyncadd.s32 $0xFFFFC000  }
0x63: {  	[spmem:s11] =	stream.linear.scatter [tilespmem:s25], [sflag:$0x3], $0x4000, $0x38;
	[tilespmem:$0x1D680] =	vst v63  }
0x64: {  	_ =	swait.ge [sflag:s24], $0x4000  }
0x65: {  	[sflag:s24] =	ssyncset.done $0x0  }
0x66: {  	[sflag:s24] =	ssyncadd.s32 $0xFFFFC000  }
0x67: {  	[spmem:s12] =	stream.linear.scatter [tilespmem:s25], [sflag:$0x3], $0x4000, $0x38;
	[tilespmem:$0x1D680] =	vst v63  }
0x68: {  	_ =	swait.ge [sflag:s24], $0x4000  }
0x69: {  	[sflag:s24] =	ssyncset.done $0x0  }
0x6a: {  	[sflag:s24] =	ssyncadd.s32 $0xFFFFC000  }
0x6b: {  	[spmem:s13] =	stream.linear.scatter [tilespmem:s25], [sflag:$0x3], $0x4000, $0x38;
	[tilespmem:$0x1D680] =	vst v63  }
0x6c: {  	_ =	swait.ge [sflag:s24], $0x4000  }
0x6d: {  	[sflag:s24] =	ssyncset.done $0x0  }
0x6e: {  	s14 =	simm.s32 $0x0;
	s15 =	rddreg [dreg:$0x5];
	[sflag:s24] =	ssyncadd.s32 $0xFFFFC000  }
0x6f: {  	[tilespmem:s14], [sflag:$0x3] =	stream.linear.gather [hbm4b:s15+s14], $0x2800, $0x38;
	[tilespmem:$0x1D680] =	vst v63  }
0x70: {  	_ =	swait.ge [sflag:s24], $0x2800  }
0x71: {  	[sflag:s24] =	ssyncset.done $0x0  }
0x72: {  	s16 =	simm.s32 $0x2800;
	s20 =	rddreg [dreg:$0x6];
	[sflag:s24] =	ssyncadd.s32 $0xFFFFD800  }
0x73: {  	[tilespmem:s16], [sflag:$0x3] =	stream.linear.gather [hbm4b:s20+s14], $0x2800, $0x38;
	[tilespmem:$0x1D680] =	vst v63  }
0x74: {  	_ =	swait.ge [sflag:s24], $0x2800  }
0x75: {  	[sflag:s24] =	ssyncset.done $0x0  }
0x76: {  	[sflag:s24] =	ssyncadd.s32 $0xFFFFD800  }
0x77: {  	s15 =	simm.s32 $0x0;
	[bflag:$0x0] =	sbarrier.arrive $0xFFFF  }
.LBB2_4:
0x78: {  	s16 =	sshll.u32 s15, $0x7  }
0x79: {  	[tilespmem:s25], [sflag:$0x2] =	stream.indirect.gather [hbm4b:s5+s28], $0x80, s16, s28, $0xb8;
	[tilespmem:$0x1D680] =	vst v63  }
0x7a: {  	_ = 	snop  }
0x7b: {  	[tilespmem:s29], [sflag:$0x1] =	stream.indirect.gather [hbm4b:s6+s28], $0x1, s16, s28, $0xb8;
	[tilespmem:$0x1D680] =	vst v63  }
0x7c: {  	_ =	swait.ge [sflag:s30], $0x80  }
0x7d: {  	[sflag:s30] =	ssyncset.done $0x0  }
0x7e: {  	s16 =	sadd.s32 $0x2800, s16;
	[sflag:s30] =	ssyncadd.s32 $0xFFFFFF80  }
0x7f: {  	[tilespmem:s31], [sflag:$0x1] =	stream.indirect.gather [hbm4b:s7+s28], $0x1, s16, s28, $0xb8;
	[tilespmem:$0x1D680] =	vst v63  }
0x80: {  	_ =	swait.ge [sflag:s30], $0x80  }
0x81: {  	[sflag:s30] =	ssyncset.done $0x0  }
0x82: {  	[sflag:s30] =	ssyncadd.s32 $0xFFFFFF80  }
0x83: {  	v1 =	vld [tilespmem:$0x5000]  }
0x84: {  	v2 =	vld [tilespmem:$0x5080]  }
0x85: {  	v3 =	vld [tilespmem:$0x5010]  }
0x86: {  	v4 =	vld [tilespmem:$0x5090]  }
0x87: {  	v5 =	vld [tilespmem:$0x5020]  }
0x88: {  	v6 =	vld [tilespmem:$0x50A0]  }
0x89: {  	v7 =	vld [tilespmem:$0x50B0];
	v1 =	vadd.f32 v2, v1  }
0x8a: {  	v2 =	vld [tilespmem:$0x5030]  }
0x8b: {  	v8 =	vmul.f32 $2.000000030e-01, v1  }
0x8c: {  	v9 =	vld [tilespmem:$0x5040];
	vm0 =	vge.f32 v1, $0.0e+00  }
0x8d: {  	v10 =	vld [tilespmem:$0x50C0];
	v3 =	vadd.f32 v4, v3;
	v1 =	vsel vm0, v1, v8  }
0x8e: {  	v4 =	vld [tilespmem:$0x5050];
	v1 =	vmul.f32 $1.442695020e+00, v1  }
0x8f: {  	v5 =	vadd.f32 v6, v5;
	v6 =	vld [tilespmem:$0x50D0];
	v8 =	vmul.f32 $2.000000030e-01, v3;
	v2 =	vadd.f32 v7, v2  }
0x90: {  	v11 =	vld [tilespmem:$0x50E0];
	vm9 =	vge.f32 v3, $0.0e+00;
	(erf) = vpow2.f32 v1  }
0x91: {  	v12 =	vld [tilespmem:$0x5070];
	v3 =	vsel vm9, v3, v8;
	v1 =	vmul.f32 $2.000000030e-01, v5;
	v8 =	vmul.f32 $2.000000030e-01, v2  }
0x92: {  	vm10 =	vge.f32 v5, $0.0e+00;
	v7 =	vld [tilespmem:$0x5060];
	v3 =	vmul.f32 $1.442695020e+00, v3;
	vm11 =	vge.f32 v2, $0.0e+00  }
0x93: {  	v1 =	vsel vm10, v5, v1;
	v5 =	vld [tilespmem:$0x50F0];
	v2 =	vsel vm11, v2, v8  }
0x94: {  	(erf) = vpow2.f32 v3;
	v3 =	vadd.f32 v6, v4;
	v1 =	vmul.f32 $1.442695020e+00, v1  }
0x95: {  	v8 =	vadd.f32 v10, v9;
	v2 =	vmul.f32 $1.442695020e+00, v2  }
0x96: {  	v4 =	vmul.f32 $2.000000030e-01, v3;
	(erf) = vpow2.f32 v1  }
0x97: {  	v1 =	vmul.f32 $2.000000030e-01, v8;
	(erf) = vpow2.f32 v2;
	v2 =	vadd.f32 v11, v7  }
0x98: {  	vm12 =	vge.f32 v8, $0.0e+00;
	vm13 =	vge.f32 v3, $0.0e+00;
	v5 =	vadd.f32 v5, v12  }
0x99: {  	v3 =	vsel vm13, v3, v4;
	v1 =	vsel vm12, v8, v1;
	v6 =	vmul.f32 $2.000000030e-01, v2  }
0x9a: {  	v1 =	vmul.f32 $1.442695020e+00, v1;
	vm14 =	vge.f32 v2, $0.0e+00;
	v4 =	vmul.f32 $2.000000030e-01, v5  }
0x9b: {  	v3 =	vmul.f32 $1.442695020e+00, v3;
	vm15 =	vge.f32 v5, $0.0e+00;
	v2 =	vsel vm14, v2, v6  }
0x9c: {  	(erf) = vpow2.f32 v1;
	v1 =	vmul.f32 $1.442695020e+00, v2;
	v2 =	vsel vm15, v5, v4  }
0x9d: {  	(erf) = vpow2.f32 v3;
	v2 =	vmul.f32 $1.442695020e+00, v2  }
0x9e: {  	(erf) = vpow2.f32 v1  }
0x9f: {  	(erf) = vpow2.f32 v2;
	_ =	sdelay $0x1  }
0xa0: {  	v1 =	vpop (erf)  }
0xa1: {  	v2 =	vpop (erf);
	[tilespmem:$0x5100] =	vst v1  }
0xa2: {  	v1 =	vpop (erf);
	[tilespmem:$0x5110] =	vst v2  }
0xa3: {  	v2 =	vpop (erf);
	[tilespmem:$0x5120] =	vst v1  }
0xa4: {  	v1 =	vpop (erf);
	[tilespmem:$0x5130] =	vst v2  }
0xa5: {  	v2 =	vpop (erf);
	[tilespmem:$0x5140] =	vst v1  }
0xa6: {  	[tilespmem:$0x5150] =	vst v2;
	v1 =	vpop (erf)  }
0xa7: {  	[tilespmem:$0x5160] =	vst v1;
	v1 =	vpop (erf)  }
0xa8: {  	[tilespmem:$0x5170] =	vst v1  }
0xa9: {  	[spmem:s2] =	stream.indirect.scatter.add.f32 [tilespmem:s0], [sflag:$0x3], $0x1, s16, s28, $0xb8;
	[tilespmem:$0x1D680] =	vst v63  }
0xaa: {  	_ =	swait.ge [sflag:s24], $0x80  }
0xab: {  	[sflag:s24] =	ssyncset.done $0x0  }
0xac: {  	[sflag:s24] =	ssyncadd.s32 $0xFFFFFF80  }
0xad: {  	_ =	swait.ge [sflag:s3], $0x4000  }
0xae: {  	v1 =	vmov s14;
	[sflag:s3] =	ssyncset.done $0x0  }
0xaf: {  	s17 =	simm.s32 $0x51C0;
	[sflag:s3] =	ssyncadd.s32 $0xFFFFC000  }
0xb0: {  	v5 =	vld [tilespmem:s17+$0x30]  }
0xb1: {  	v8 =	vld [tilespmem:s17+$0x10]  }
0xb2: {  	v6 =	vld [tilespmem:s17+$0xFFFFFFC0]  }
0xb3: {  	v2 =	vld.idx.msk [tilespmem:v1+s0+$0x0], $0xffff  }
0xb4: {  	v10 =	vld [tilespmem:s17+$0xFFFFFFE0]  }
0xb5: {  	v1 =	vld [tilespmem:s17+$0xFFFFFFF0]  }
0xb6: {  	v3 =	vld [tilespmem:s17+$0x20]  }
0xb7: {  	v4 =	vld [tilespmem:s17+$0xFFFFFFD0]  }
0xb8: {  	v9 =	vmul.f32 v5, v2;
	v5 =	vld [tilespmem:s17+$0x0]  }
0xb9: {  	v7 =	vmul.f32 v6, v2  }
0xba: {  	s18 =	simm.s32 $0x1;
	s19 =	simm.s32 $0x51C0;
	v6 =	vmul.f32 v10, v2;
	v8 =	vmul.f32 v8, v2  }
.LBB2_5:
0xbb: {  	p0 =	sne.s32 s18, $0x7F  }
0xbc: {  	v4 =	vmul.f32 v4, v2;
	v3 =	vmul.f32 v3, v2;
	[tilespmem:s17+$0x30] =	vst v9;
	s19 =	sadd.s32 $0x80, s19;
	s20 =	smov.u32 s18;
	s18 =	sadd.s32 $0x1, s18  }
0xbd: {  	[tilespmem:s17+$0xFFFFFFC0] =	vst v7;
	v7 =	vmul.f32 v1, v2;
	v2 =	vmul.f32 v5, v2  }
0xbe: {  	[tilespmem:s17+$0x10] =	vst v8  }
0xbf: {  	v5 =	vmov s20;
	[tilespmem:s17+$0xFFFFFFE0] =	vst v6  }
0xc0: {  	v1 =	vld [tilespmem:s19+$0xFFFFFFF0];
	[tilespmem:s17+$0xFFFFFFF0] =	vst v7  }
0xc1: {  	v6 =	vld [tilespmem:s19+$0x30];
	[tilespmem:s17+$0x0] =	vst v2  }
0xc2: {  	v8 =	vld [tilespmem:s19+$0x10];
	[tilespmem:s17+$0x20] =	vst v3  }
0xc3: {  	v7 =	vld [tilespmem:s19+$0xFFFFFFC0];
	[tilespmem:s17+$0xFFFFFFD0] =	vst v4;
	s17 =	smov.u32 s19  }
0xc4: {  	v2 =	vld.idx.msk [tilespmem:v5+s0+$0x0], $0xffff  }
0xc5: {  	v10 =	vld [tilespmem:s19+$0xFFFFFFE0]  }
0xc6: {  	v3 =	vld [tilespmem:s19+$0x20]  }
.Ltmp1:
0xc7: {  	v4 =	vld [tilespmem:s19+$0xFFFFFFD0];
	(pc) =	sbr.rel @p0 .LBB2_5-.Ltmp1, $3  }
0xc8: {  	v5 =	vld [tilespmem:s19+$0x0];
	_ =	sdelay $0x1  }
0xc9: {  	v7 =	vmul.f32 v7, v2;
	v9 =	vmul.f32 v6, v2  }
0xca: {  	v8 =	vmul.f32 v8, v2;
	v6 =	vmul.f32 v10, v2  }
0xcb: {  	[tilespmem:s17+$0x30] =	vst v9  }
0xcc: {  	[tilespmem:s17+$0xFFFFFFC0] =	vst v7  }
0xcd: {  	v1 =	vmul.f32 v1, v2;
	[tilespmem:s17+$0x10] =	vst v8  }
0xce: {  	v3 =	vmul.f32 v3, v2;
	[tilespmem:s17+$0xFFFFFFE0] =	vst v6  }
0xcf: {  	v5 =	vmul.f32 v5, v2;
	[tilespmem:s17+$0xFFFFFFF0] =	vst v1  }
0xd0: {  	s15 =	sadd.s32 $0x1, s15;
	v1 =	vmul.f32 v4, v2;
	[tilespmem:s17+$0x20] =	vst v3  }
0xd1: {  	p0 =	sne.s32 s15, $0x50;
	[tilespmem:s17+$0x0] =	vst v5  }
.Ltmp2:
0xd2: {  	[tilespmem:s17+$0xFFFFFFD0] =	vst v1;
	(pc) =	sbr.rel @p0 .LBB2_4-.Ltmp2, $4  }
0xd3: {  	[spmem:s1] =	stream.indirect.scatter.add.f32 [tilespmem:s25], [sflag:$0x3], $0x80, s16, s28, $0xb8;
	[tilespmem:$0x1D680] =	vst v63  }
0xd4: {  	_ =	swait.ge [sflag:s24], $0x4000  }
0xd5: {  	[sflag:s24] =	ssyncset.done $0x0  }
0xd6: {  	[sflag:s24] =	ssyncadd.s32 $0xFFFFC000  }
0xd7: {  	[bflag:$0x0] =	sbarrier.arrive $0xFFFF  }
0xd8: {  	[tilespmem:s25], [sflag:$0x3] =	stream.linear.gather [spmem:s9], $0x4000, $0x38;
	[tilespmem:$0x1D680] =	vst v63  }
0xd9: {  	_ =	swait.ge [sflag:s24], $0x4000  }
0xda: {  	[sflag:s24] =	ssyncset.done $0x0  }
0xdb: {  	s14 =	rddreg [dreg:$0x7];
	[sflag:s24] =	ssyncadd.s32 $0xFFFFC000  }
0xdc: {  	[hbm4b:s14+s4] =	stream.linear.scatter [tilespmem:s25], [sflag:$0x3], $0x4000, $0x38;
	[tilespmem:$0x1D680] =	vst v63  }
0xdd: {  	_ =	swait.ge [sflag:s24], $0x4000  }
0xde: {  	[sflag:s24] =	ssyncset.done $0x0  }
0xdf: {  	[sflag:s24] =	ssyncadd.s32 $0xFFFFC000  }
0xe0: {  	[tilespmem:s25], [sflag:$0x3] =	stream.linear.gather [spmem:s10], $0x4000, $0x38;
	[tilespmem:$0x1D680] =	vst v63  }
0xe1: {  	_ =	swait.ge [sflag:s24], $0x4000  }
0xe2: {  	[sflag:s24] =	ssyncset.done $0x0  }
0xe3: {  	s16 =	rddreg [dreg:$0x8];
	[sflag:s24] =	ssyncadd.s32 $0xFFFFC000  }
0xe4: {  	[hbm4b:s16+s4] =	stream.linear.scatter [tilespmem:s25], [sflag:$0x3], $0x4000, $0x38;
	[tilespmem:$0x1D680] =	vst v63  }
0xe5: {  	_ =	swait.ge [sflag:s24], $0x4000  }
0xe6: {  	[sflag:s24] =	ssyncset.done $0x0  }
0xe7: {  	[sflag:s24] =	ssyncadd.s32 $0xFFFFC000  }
0xe8: {  	[tilespmem:s25], [sflag:$0x3] =	stream.linear.gather [spmem:s11], $0x4000, $0x38;
	[tilespmem:$0x1D680] =	vst v63  }
0xe9: {  	_ =	swait.ge [sflag:s24], $0x4000  }
0xea: {  	[sflag:s24] =	ssyncset.done $0x0  }
0xeb: {  	s17 =	rddreg [dreg:$0x9];
	[sflag:s24] =	ssyncadd.s32 $0xFFFFC000  }
0xec: {  	[hbm4b:s17+s4] =	stream.linear.scatter [tilespmem:s25], [sflag:$0x3], $0x4000, $0x38;
	[tilespmem:$0x1D680] =	vst v63  }
0xed: {  	_ =	swait.ge [sflag:s24], $0x4000  }
0xee: {  	[sflag:s24] =	ssyncset.done $0x0  }
0xef: {  	[sflag:s24] =	ssyncadd.s32 $0xFFFFC000  }
0xf0: {  	[tilespmem:s25], [sflag:$0x3] =	stream.linear.gather [spmem:s12], $0x4000, $0x38;
	[tilespmem:$0x1D680] =	vst v63  }
0xf1: {  	_ =	swait.ge [sflag:s24], $0x4000  }
0xf2: {  	[sflag:s24] =	ssyncset.done $0x0  }
0xf3: {  	s18 =	rddreg [dreg:$0xa];
	[sflag:s24] =	ssyncadd.s32 $0xFFFFC000  }
0xf4: {  	[hbm4b:s18+s4] =	stream.linear.scatter [tilespmem:s25], [sflag:$0x3], $0x4000, $0x38;
	[tilespmem:$0x1D680] =	vst v63  }
0xf5: {  	_ =	swait.ge [sflag:s24], $0x4000  }
0xf6: {  	[sflag:s24] =	ssyncset.done $0x0  }
0xf7: {  	[sflag:s24] =	ssyncadd.s32 $0xFFFFC000  }
0xf8: {  	[tilespmem:s25], [sflag:$0x3] =	stream.linear.gather [spmem:s13], $0x4000, $0x38;
	[tilespmem:$0x1D680] =	vst v63  }
0xf9: {  	_ =	swait.ge [sflag:s24], $0x4000  }
0xfa: {  	[sflag:s24] =	ssyncset.done $0x0  }
0xfb: {  	s19 =	rddreg [dreg:$0xb];
	[sflag:s24] =	ssyncadd.s32 $0xFFFFC000  }
0xfc: {  	[hbm4b:s19+s4] =	stream.linear.scatter [tilespmem:s25], [sflag:$0x3], $0x4000, $0x38;
	[tilespmem:$0x1D680] =	vst v63  }
0xfd: {  	_ =	swait.ge [sflag:s24], $0x4000  }
0xfe: {  	[sflag:s24] =	ssyncset.done $0x0  }
0xff: {  	[sflag:s24] =	ssyncadd.s32 $0xFFFFC000  }
0x100: {  	[tilespmem:s23], [sflag:$0x3] =	stream.linear.gather [spmem:s8], $0x280, $0x38;
	[tilespmem:$0x1D680] =	vst v63  }
0x101: {  	s26 =	sadd.s32 $0x1, s26;
	_ =	swait.ge [sflag:s24], $0x280  }
0x102: {  	p0 =	sne.s32 s26, s22;
	[sflag:s24] =	ssyncset.done $0x0  }
.Ltmp3:
0x103: {  	s20 =	simm.s32 $0x100;
	[sflag:s24] =	ssyncadd.s32 $0xFFFFFD80;
	(pc) =	sbr.rel @p0 .LBB2_1-.Ltmp3, $4  }
0x104: {  	[hbm4b:s21+s28] =	stream.strided.scatter [tilespmem:s23], [sflag:$0x3], $0x280, s20, s28, $0x38;
	[tilespmem:$0x1D680] =	vst v63  }
0x105: {  	_ =	swait.ge [sflag:s24], $0x280  }
0x106: {  	[sflag:s24] =	ssyncset.done $0x0  }
0x107: {  	[sflag:s24] =	ssyncadd.s32 $0xFFFFFD80  }
0x108: {  	_ =	sfence.sel $0x180000  }
0x109: {  	[bflag:$0x0] =	sbarrier.arrive $0xFFFF  }
0x10a: {  	_ =	strace $0x9000004A  }
0x10b: {  	s0 =	stileid.u32;
	[bflag:$0x2] =	sbarrier.arrive $0xFFFF  }
0x10c: {  	p0 =	sne.s32 s0, $0x0;
	s0 =	rddreg [dreg:$0x4]  }
0x10d: {  	s0 =	sadd.s32 @!p0 $0x100000, s0  }
0x10e: {  	[sflag:s0] =	ssyncadd.tile.s32 @!p0 $0x1;
	_ =	shalt  }
.Lfunc_end2:
_tile_overlayer_lowered:
.L_overlay_start_2:
0x10f: {  	(tag) =	ssettag $0x2  }
0x110: {  	s0 =	rddreg [dreg:$0x0];
	s2 =	stileid.u32  }
0x111: {  	s1 =	rddreg [dreg:$0x1];
	p0 =	sne.s32 s2, $0x0  }
0x112: {  	s3 =	rddreg [dreg:$0x2];
	[bflag:$0x3] =	sbarrier.arrive $0xFFFF;
	s2 =	simm.s32 @!p0 $0x1C03  }
0x113: {  	[timem:s3], [sflag:s2] =	dma.local @!p0 [hbm:s0], s1  }
0x114: {  	s0 =	simm.s32 @!p0 $0x3  }
0x115: {  	_ =	swait.ge @!p0 [sflag:s0], s1  }
0x116: {  	s1 =	ssub.s32 @!p0 $0x0, s1;
	[sflag:s0] =	ssyncset.done @!p0 $0x0  }
0x117: {  	[sflag:s0] =	ssyncadd.s32 @!p0 s1  }
0x118: {  	[bflag:$0x3] =	sbarrier.arrive $0xFFFF  }
0x119: {  	_ =	shalt  }

// kernel: kernel.7.cloned.1.call-start
scs
__scs_entry_jumppad:
0x0: {  	(pc) =	sbr.rel $0x88, $3  }
0x1: {  	(tag) =	ssettag $0x0;
	lr =	simm.s32 $0x1  }
0x2: {  	[smem:$0x3F97] =	sst lr;
	_ =	strace $0xD0000000  }
0x3: {  	_ = 	snop  }
0x4: {  	_ = 	snop  }
0x5: {  	_ = 	snop  }
0x6: {  	_ = 	snop  }
0x7: {  	_ = 	snop  }
__scs_overlays_trampoline_lowered:
0x8: {  	[smem:$0x3FA6] =	sst s0  }
0x9: {  	[smem:$0x3FA7] =	sst s1  }
0xa: {  	[smem:$0x3FA8] =	sst s2  }
0xb: {  	[smem:$0x3FA9] =	sst s3  }
0xc: {  	[smem:$0x3FAA] =	sst s4  }
0xd: {  	[smem:$0x3FAB] =	sst s5  }
0xe: {  	[smem:$0x3FAC] =	sst s6  }
0xf: {  	[smem:$0x3FAD] =	sst s7  }
0x10: {  	[smem:$0x3FAE] =	sst s8  }
0x11: {  	[smem:$0x3FAF] =	sst s9;
	s0 =	simm.s32 @!p0 $0x0  }
0x12: {  	s1 =	sld [smem:$0x3F95];
	s0 =	simm.s32 @p0 $0x1  }
0x13: {  	[smem:$0x3FB0] =	sst s0;
	s0 =	simm.s32 @!p1 $0x0  }
0x14: {  	s2 =	sld [smem:$0x3F94];
	s0 =	simm.s32 @p1 $0x1  }
0x15: {  	[smem:$0x3FB1] =	sst s0;
	s0 =	simm.s32 @!p2 $0x0  }
0x16: {  	s3 =	sld [smem:$0x3FDB];
	s0 =	simm.s32 @p2 $0x1  }
0x17: {  	s4 =	simm.s32 $0x1BF5;
	[smem:$0x3FB3] =	sst s0  }
0x18: {  	s0 =	sld [smem:$0x3F96];
	_ =	swait.ge [sflag:s4], $0x0  }
0x19: {  	s7 =	sld [smem:$0x3F97]  }
0x1a: {  	s8 =	sadd.s32 $0xFFFFE003, lr  }
0x1b: {  	s9 =	sadd.s32 $0xFFFFFEF7, lr;
	s5 =	simm.s32 $0xFFFFFFFF;
	p2 =	slt.u32 s8, $0xFFFFF086  }
0x1c: {  	p1 =	slt.u32 s9, $0xF7A;
	s5 =	simm.s32 @!p2 $0x0  }
0x1d: {  	s5 =	simm.s32 @p1 $0x1;
	p0 =	seq.s32 s7, s2  }
0x1e: {  	s7 =	smul.u32 @!p0 $0xF7A, s2;
	p2 =	seq.s32 @!p0 s5, $0x0  }
0x1f: {  	s9 =	smul.u32 $0xF7A, s1;
	s8 =	simm.s32 @!p0 $0x1BF5;
	p2 =	por !p2, p0  }
0x20: {  	[sflag:s8] =	ssyncset.s32 @!p0 $0xFFFFF086;
	s6 =	sadd.s32 @!p0 s3, s7;
	s7 =	simm.s32 @!p0 $0x108  }
0x21: {  	s3 =	sadd.s32 s3, s9;
	s6 =	sadd.s32 @!p0 $0x88, s6;
	s7 =	simm.s32 @p2 $0x1082  }
0x22: {  	[simem:s7], [sflag:s8] =	dma.local @!p0 [hbm:s6], $0xF7A  }
0x23: {  	s9 =	sor.u32 $0xD0000000, s2;
	s6 =	simm.s32 $0x108;
	_ =	swait.ge @!p0 [sflag:s8], $0x0  }
0x24: {  	s3 =	sadd.s32 $0x88, s3;
	s6 =	simm.s32 @!p1 $0x1082;
	[sflag:s4] =	ssyncset.s32 $0xFFFFF086  }
0x25: {  	[simem:s6], [sflag:s4] =	dma.local [hbm:s3], $0xF7A  }
0x26: {  	[smem:$0x3F97] =	sst s1;
	(tag) =	ssettag s2;
	_ =	strace s9  }
0x27: {  	s1 =	sld [smem:$0x3FA7]  }
0x28: {  	s2 =	sld [smem:$0x3FA8]  }
0x29: {  	s4 =	sld [smem:$0x3FAA]  }
0x2a: {  	p0 =	seq.s32 s5, $0x0;
	s5 =	sld [smem:$0x3FAB]  }
0x2b: {  	s6 =	sld [smem:$0x3FAC]  }
0x2c: {  	s7 =	sld [smem:$0x3FAD]  }
0x2d: {  	s3 =	simm.s32 $0x108;
	s8 =	sld [smem:$0x3FAE]  }
0x2e: {  	s3 =	simm.s32 @!p0 $0x1082;
	s9 =	sld [smem:$0x3FAF]  }
0x2f: {  	lr =	sadd.s32 s0, s3;
	s0 =	sld [smem:$0x3FA6]  }
0x30: {  	s3 =	sld [smem:$0x3FA9]  }
0x31: {  	[smem:$0x3FB2] =	sst s10  }
0x32: {  	s10 =	sld [smem:$0x3FB0];
	_ =	sdelay $0x3  }
0x33: {  	p0 =	seq.s32 s10, $0x1;
	s10 =	sld [smem:$0x3FB2];
	_ =	sdelay $0x3  }
0x34: {  	[smem:$0x3FB2] =	sst s10  }
0x35: {  	s10 =	sld [smem:$0x3FB1];
	_ =	sdelay $0x3  }
0x36: {  	p1 =	seq.s32 s10, $0x1;
	s10 =	sld [smem:$0x3FB2];
	_ =	sdelay $0x3  }
0x37: {  	[smem:$0x3FB2] =	sst s10  }
0x38: {  	s10 =	sld [smem:$0x3FB3]  }
0x39: {  	_ = 	snop;
	(pc) =	sbr.ind lr, $3  }
0x3a: {  	_ = 	snop  }
0x3b: {  	_ = 	snop  }
0x3c: {  	p2 =	seq.s32 s10, $0x1;
	s10 =	sld [smem:$0x3FB2]  }
0x3d: {  	_ =	shalt  }
0x3e: {  	_ =	shalt  }
0x3f: {  	_ =	shalt  }
0x40: {  	_ =	shalt  }
0x41: {  	_ =	shalt  }
0x42: {  	_ =	shalt  }
0x43: {  	_ =	shalt  }
0x44: {  	_ =	shalt  }
0x45: {  	_ =	shalt  }
0x46: {  	_ =	shalt  }
0x47: {  	_ =	shalt  }
0x48: {  	_ =	shalt  }
0x49: {  	_ =	shalt  }
0x4a: {  	_ =	shalt  }
0x4b: {  	_ =	shalt  }
0x4c: {  	_ =	shalt  }
0x4d: {  	_ =	shalt  }
0x4e: {  	_ =	shalt  }
0x4f: {  	_ =	shalt  }
0x50: {  	_ =	shalt  }
0x51: {  	_ =	shalt  }
0x52: {  	_ =	shalt  }
0x53: {  	_ =	shalt  }
0x54: {  	_ =	shalt  }
0x55: {  	_ =	shalt  }
0x56: {  	_ =	shalt  }
0x57: {  	_ =	shalt  }
0x58: {  	_ =	shalt  }
0x59: {  	_ =	shalt  }
0x5a: {  	_ =	shalt  }
0x5b: {  	_ =	shalt  }
0x5c: {  	_ =	shalt  }
0x5d: {  	_ =	shalt  }
0x5e: {  	_ =	shalt  }
0x5f: {  	_ =	shalt  }
0x60: {  	_ =	shalt  }
0x61: {  	_ =	shalt  }
0x62: {  	_ =	shalt  }
0x63: {  	_ =	shalt  }
0x64: {  	_ =	shalt  }
0x65: {  	_ =	shalt  }
0x66: {  	_ =	shalt  }
0x67: {  	_ =	shalt  }
0x68: {  	_ =	shalt  }
0x69: {  	_ =	shalt  }
0x6a: {  	_ =	shalt  }
0x6b: {  	_ =	shalt  }
0x6c: {  	_ =	shalt  }
0x6d: {  	_ =	shalt  }
0x6e: {  	_ =	shalt  }
0x6f: {  	_ =	shalt  }
0x70: {  	_ =	shalt  }
0x71: {  	_ =	shalt  }
0x72: {  	_ =	shalt  }
0x73: {  	_ =	shalt  }
0x74: {  	_ =	shalt  }
0x75: {  	_ =	shalt  }
0x76: {  	_ =	shalt  }
0x77: {  	_ =	shalt  }
0x78: {  	_ =	shalt  }
0x79: {  	_ =	shalt  }
0x7a: {  	_ =	shalt  }
0x7b: {  	_ =	shalt  }
0x7c: {  	_ =	shalt  }
0x7d: {  	_ =	shalt  }
0x7e: {  	_ =	shalt  }
0x7f: {  	_ =	shalt  }
0x80: {  	_ =	shalt  }
0x81: {  	_ =	shalt  }
0x82: {  	_ =	shalt  }
0x83: {  	_ =	shalt  }
0x84: {  	_ =	shalt  }
0x85: {  	_ =	shalt  }
0x86: {  	_ =	shalt  }
0x87: {  	_ =	shalt  }
.Lfunc_end0:
.L_simem_size_0:
called_computation_lowered:
.L_overlay_start_0:
0x88: {  	s2 =	sld [smem:$0x3FD9]  }
0x89: {  	s3 =	sld [smem:$0x3FFE];
	_ =	sdelay $0x1  }
0x8a: {  	s1 =	srdreg.scid  }
0x8b: {  	s0 =	sand.u32 $0x1, s1  }
0x8c: {  	s17 =	sshll.u32 s0, $0xA;
	s2 =	sadd.s32 s3, s2  }
0x8d: {  	s2 =	sadd.s32 s2, s17  }
0x8e: {  	[smem:$0x3FBE] =	sst s2  }
0x8f: {  	_ = 	snop  }
0x90: {  	s2 =	sld [smem:$0x3FD0];
	(tm) =	ssettm $0x1  }
0x91: {  	s18 =	sld [smem:$0x3FFB];
	_ =	sdelay $0x3  }
0x92: {  	_ =	strace s18  }
0x93: {  	s3 =	sld [smem:$0x3FFC];
	_ =	sdelay $0x3  }
0x94: {  	_ =	strace s3  }
0x95: {  	s3 =	sld [smem:$0x3FFD];
	_ =	sdelay $0x3  }
0x96: {  	_ =	strace s3  }
0x97: {  	_ =	strace $0x8FFFFFFF  }
0x98: {  	s19 =	sld [smem:$0x3FDB];
	_ =	sdelay $0x1  }
0x99: {  	s4 =	simm.s32 $_scs_section_size  }
0x9a: {  	s5 =	simm.s32 $_size__tile_overlayer_lowered;
	s6 =	simm.s32 $_tile_overlayer_lowered  }
0x9b: {  	s22 =	simm.s32 $0x1BFF;
	s21 =	sshll.u32 s6, $0x1;
	s3 =	sadd.s32 s4, s19  }
0x9c: {  	s7 =	simm.s32 $0x0;
	s20 =	sshll.u32 s5, $0x1;
	s5 =	sadd.s32 s21, s3  }
0x9d: {  	[timem:s7], [sflag:s22] =	dma.local [hbm:s5], s20  }
0x9e: {  	_ =	swait.ge [sflag:s22], s20  }
0x9f: {  	s4 =	ssub.s32 $0x0, s20;
	[sflag:s22] =	ssyncset.done $0x0  }
0xa0: {  	[sflag:s22] =	ssyncadd.s32 s4;
	_ =	sdelay $0x1  }
0xa1: {  	s23 =	simm.s32 $0x1B8B  }
0xa2: {  	_ =	swait.ge [sflag:s23], $0x1  }
0xa3: {  	[sflag:s23] =	ssyncset.done $0x0  }
0xa4: {  	s25 =	simm.s32 $0x1B8E;
	s24 =	sld [smem:$0x3FFE];
	[sflag:s23] =	ssyncadd.s32 $0xFFFFFFFF  }
0xa5: {  	s26 =	simm.s32 $execute0_lowered;
	[smem:$0x3FD2] =	sst s25  }
0xa6: {  	s5 =	sshll.u32 s26, $0x1;
	_ =	strace $0x80000046;
	[dreg:$0x1] =	wrdreg $0xFFFFFFFF  }
0xa7: {  	s28 =	simm.s32 $_size_execute0_lowered;
	s3 =	sadd.s32 s3, s5;
	[dreg:$0x0] =	wrdreg $0x0  }
0xa8: {  	s5 =	sshll.u32 s28, $0x1;
	[dreg:$0x2] =	wrdreg s3  }
0xa9: {  	[dreg:$0x3] =	wrdreg s5  }
0xaa: {  	[dreg:$0x4] =	wrdreg $0xC0  }
0xab: {  	_ =	task [dreg:s7], $0x5FFFF  }
0xac: {  	[dreg:$0x1] =	wrdreg $0xFFFFFFFF  }
0xad: {  	[dreg:$0x0] =	wrdreg $0x60  }
0xae: {  	[dreg:$0x2] =	wrdreg s24  }
0xaf: {  	[dreg:$0x3] =	wrdreg s2  }
0xb0: {  	[dreg:$0x4] =	wrdreg $0x94000  }
0xb1: {  	[dreg:$0x5] =	wrdreg $0x1D4000  }
0xb2: {  	[dreg:$0x6] =	wrdreg $0x9  }
0xb3: {  	_ =	task.clear_ibuf [dreg:s7], $0x7FFFF;
	_ =	strace $0x90000046  }
0xb4: {  	s29 =	simm.s32 $0x9;
	_ =	strace $0x80000048  }
0xb5: {  	_ =	swait.ge [sflag:s29], $0x1  }
0xb6: {  	[sflag:s29] =	ssyncadd.s32 $0xFFFFFFFF  }
0xb7: {  	_ =	strace $0x90000048  }
0xb8: {  	_ =	sfence  }
0xb9: {  	s30 =	sld [smem:$0x0];
	_ =	sdelay $0x2  }
0xba: {  	s31 =	sshll.u32 s1, $0xD;
	s1 =	sshrl.u32 s1, $0x2  }
0xbb: {  	s3 =	sand.u32 $0x4000, s31;
	s1 =	sadd.s32 s1, s30  }
0xbc: {  	s0 =	sor.u32 s3, s0;
	s1 =	sshll.u32 s1, $0x11  }
0xbd: {  	s0 =	sor.u32 s1, s0  }
0xbe: {  	s0 =	sadd.s32 $0x8F2B, s0  }
0xbf: {  	[sflag:s0] =	ssyncadd.remote.s32 $0x1  }
0xc0: {  	_ =	sfence.sel $0xFFFF  }
0xc1: {  	[dreg:$0x0] =	wrdreg $0xFFFFFFFF;
	(pc) =	sbr.abs _section_cstart, $3  }
0xc2: {  	[dreg:$0x1] =	wrdreg $0xFFFFFFFF  }
0xc3: {  	_ =	task.clear_ibuf [dreg:s7], $0x2FFFF;
	_ =	strace $0x9FFFFFFF  }
0xc4: {  	(tm) =	ssettm $0x7FFFFFFF  }
0xc5: {  	_ =	shalt  }
tec
execute0_lowered:
.L_overlay_start_1:
0x0: {  	(tag) =	ssettag $0x1  }
0x1: {  	s0 =	rddreg [dreg:$0x0]  }
0x2: {  	s3 =	rddreg [dreg:$0x1]  }
0x3: {  	s1 =	rddreg [dreg:$0x2]  }
0x4: {  	s2 =	rddreg [dreg:$0x3]  }
0x5: {  	s4 =	srdreg.scid;
	s21 =	stileid.u32  }
0x6: {  	s28 =	simm.s32 $0x80;
	s29 =	simm.s32 $0x5000;
	s30 =	simm.s32 $0x1  }
0x7: {  	s31 =	simm.s32 $0x5080;
	s10 =	sand.u32 $0x1, s4;
	s8 =	smul.u32 $0x500, s21  }
0x8: {  	s4 =	simm.s32 $0x0;
	s6 =	sadd.s32 $0x35A00, s0;
	s11 =	smul.u32 $0x280, s21  }
0x9: {  	s7 =	sadd.s32 $0x36000, s0;
	s13 =	smul.u32 $0x50000, s21;
	s16 =	sadd.s32 $0x36600, s0  }
0xa: {  	s5 =	sshll.u32 s10, $0x4;
	[smem:$0x7FF] =	sst s4;
	s9 =	sshll.u32 s10, $0x7  }
0xb: {  	s23 =	ssub.s32 $0x2, s10;
	s19 =	smul.u32 $0x140000, s10;
	s5 =	sor.u32 s21, s5  }
0xc: {  	_ =	strace $0x80000047;
	s8 =	sor.u32 s9, s8;
	s12 =	sshrl.u32 s23, $0x1  }
0xd: {  	s24 =	sshrl.u32 s13, $0x2;
	s25 =	sshll.u32 s11, $0x7;
	s21 =	smul.u32 $0x14000, s21  }
0xe: {  	s14 =	smul.u32 $0x500, s5;
	s5 =	sadd.s32 $0xDA00, s0;
	s8 =	sshrl.u32 s8, $0x3  }
0xf: {  	s17 =	ssub.s32 s23, s12;
	s9 =	sadd.s32 s24, s1;
	s18 =	sadd.s32 $0x4000, s25  }
0x10: {  	s20 =	sadd.s32 $0x8000, s25;
	s22 =	sadd.s32 $0xC000, s25;
	s23 =	sadd.s32 $0x10000, s25  }
0x11: {  	s10 =	sadd.s32 s18, s1;
	s12 =	sadd.s32 s22, s1;
	s13 =	sadd.s32 s23, s1  }
0x12: {  	s21 =	sadd.s32 s21, s19;
	s18 =	sadd.s32 s19, s18;
	s22 =	sadd.s32 s19, s22  }
0x13: {  	s24 =	sadd.s32 s19, s23;
	s23 =	simm.s32 $0x9180;
	s15 =	sadd.s32 s14, s0  }
0x14: {  	s0 =	sadd.s32 s8, s0;
	s8 =	sadd.s32 s11, s2;
	s11 =	sadd.s32 s20, s1  }
0x15: {  	s26 =	sshrl.u32 s21, $0x3;
	s3 =	sadd.s32 s3, s14;
	s18 =	sshrl.u32 s18, $0x3  }
0x16: {  	s21 =	sadd.s32 s19, s20;
	s15 =	sadd.s32 $0x3A00, s15;
	[dreg:$0x6] =	wrdreg s3  }
0x17: {  	s14 =	sshrl.u32 s22, $0x3;
	s3 =	sadd.s32 s16, s18;
	[dreg:$0x5] =	wrdreg s15  }
0x18: {  	s22 =	smax.u32 s17, $0x1;
	s25 =	sadd.s32 s16, s14;
	[dreg:$0x8] =	wrdreg s3  }
0x19: {  	s15 =	sadd.s32 s16, s26;
	s3 =	sshrl.u32 s21, $0x3;
	[dreg:$0xa] =	wrdreg s25  }
0x1a: {  	s26 =	sshrl.u32 s24, $0x3;
	s21 =	sadd.s32 $0x86600, s0;
	s24 =	simm.s32 $0x3  }
0x1b: {  	s25 =	simm.s32 $0x5180;
	[dreg:$0x7] =	wrdreg s15;
	s3 =	sadd.s32 s16, s3  }
0x1c: {  	s0 =	simm.s32 $0x5100;
	[dreg:$0x9] =	wrdreg s3;
	s3 =	sadd.s32 s16, s26  }
0x1d: {  	v0 =	vimm.f32 $0.0e+00;
	s26 =	simm.s32 $0x0;
	[dreg:$0xb] =	wrdreg s3;
	s3 =	simm.s32 $0x2  }
.LBB2_1:
0x1e: {  	s14 =	simm.s32 $0x0;
	s15 =	simm.s32 $0x200  }
.LBB2_2:
0x1f: {  	p0 =	sne.s32 s15, $0xFE00;
	[tilespmem:s14+$0x51F0] =	vst v0  }
0x20: {  	[tilespmem:s14+$0x5180] =	vst v0  }
0x21: {  	[tilespmem:s14+$0x5190] =	vst v0  }
.Ltmp0:
0x22: {  	[tilespmem:s14+$0x51A0] =	vst v0;
	(pc) =	sbr.rel @p0 .LBB2_2-.Ltmp0, $4  }
0x23: {  	[tilespmem:s14+$0x51B0] =	vst v0  }
0x24: {  	[tilespmem:s14+$0x51C0] =	vst v0  }
0x25: {  	[tilespmem:s14+$0x51D0] =	vst v0  }
0x26: {  	[tilespmem:s14+$0x51E0] =	vst v0;
	s14 =	sshra.s32 s15, $0x2;
	s15 =	sadd.s32 $0x200, s15  }
0x27: {  	[tilespmem:s14+$0x51F0] =	vst v0  }
0x28: {  	[tilespmem:s14+$0x5180] =	vst v0  }
0x29: {  	[tilespmem:s14+$0x5190] =	vst v0  }
0x2a: {  	[tilespmem:s14+$0x51A0] =	vst v0  }
0x2b: {  	[tilespmem:s14+$0x51B0] =	vst v0  }
0x2c: {  	[tilespmem:s14+$0x51C0] =	vst v0  }
0x2d: {  	[tilespmem:s14+$0x51D0] =	vst v0  }
0x2e: {  	[tilespmem:s14+$0x51E0] =	vst v0  }
0x2f: {  	[tilespmem:$0x9180] =	vst v0  }
0x30: {  	[tilespmem:$0x9190] =	vst v0  }
0x31: {  	[tilespmem:$0x91A0] =	vst v0  }
0x32: {  	[tilespmem:$0x91B0] =	vst v0  }
0x33: {  	[tilespmem:$0x91C0] =	vst v0  }
0x34: {  	[tilespmem:$0x91D0] =	vst v0  }
0x35: {  	[tilespmem:$0x91E0] =	vst v0  }
0x36: {  	[tilespmem:$0x91F0] =	vst v0  }
0x37: {  	[tilespmem:$0x9200] =	vst v0  }
0x38: {  	[tilespmem:$0x9210] =	vst v0  }
0x39: {  	[tilespmem:$0x9220] =	vst v0  }
0x3a: {  	[tilespmem:$0x9230] =	vst v0  }
0x3b: {  	[tilespmem:$0x9240] =	vst v0  }
0x3c: {  	[tilespmem:$0x9250] =	vst v0  }
0x3d: {  	[tilespmem:$0x9260] =	vst v0  }
0x3e: {  	[tilespmem:$0x9270] =	vst v0  }
0x3f: {  	[tilespmem:$0x9280] =	vst v0  }
0x40: {  	[tilespmem:$0x9290] =	vst v0  }
0x41: {  	[tilespmem:$0x92A0] =	vst v0  }
0x42: {  	[tilespmem:$0x92B0] =	vst v0  }
0x43: {  	[tilespmem:$0x92C0] =	vst v0  }
0x44: {  	[tilespmem:$0x92D0] =	vst v0  }
0x45: {  	[tilespmem:$0x92E0] =	vst v0  }
0x46: {  	[tilespmem:$0x92F0] =	vst v0  }
0x47: {  	[tilespmem:$0x9300] =	vst v0  }
0x48: {  	[tilespmem:$0x9310] =	vst v0  }
0x49: {  	[tilespmem:$0x9320] =	vst v0  }
0x4a: {  	[tilespmem:$0x9330] =	vst v0  }
0x4b: {  	[tilespmem:$0x9340] =	vst v0  }
0x4c: {  	[tilespmem:$0x9350] =	vst v0  }
0x4d: {  	[tilespmem:$0x9360] =	vst v0  }
0x4e: {  	[tilespmem:$0x9370] =	vst v0  }
0x4f: {  	[tilespmem:$0x9380] =	vst v0  }
0x50: {  	[tilespmem:$0x9390] =	vst v0  }
0x51: {  	[tilespmem:$0x93A0] =	vst v0  }
0x52: {  	[tilespmem:$0x93B0] =	vst v0  }
0x53: {  	[tilespmem:$0x93C0] =	vst v0  }
0x54: {  	[tilespmem:$0x93D0] =	vst v0  }
0x55: {  	[tilespmem:$0x93E0] =	vst v0  }
0x56: {  	[tilespmem:$0x93F0] =	vst v0  }
0x57: {  	[spmem:s8] =	stream.linear.scatter [tilespmem:s23], [sflag:$0x3], $0x280, $0x38;
	[tilespmem:$0x1D680] =	vst v63  }
0x58: {  	_ =	swait.ge [sflag:s24], $0x280  }
0x59: {  	[sflag:s24] =	ssyncset.done $0x0  }
0x5a: {  	[sflag:s24] =	ssyncadd.s32 $0xFFFFFD80  }
0x5b: {  	[spmem:s9] =	stream.linear.scatter [tilespmem:s25], [sflag:$0x3], $0x4000, $0x38;
	[tilespmem:$0x1D680] =	vst v63  }
0x5c: {  	_ =	swait.ge [sflag:s24], $0x4000  }
0x5d: {  	[sflag:s24] =	ssyncset.done $0x0  }
0x5e: {  	[sflag:s24] =	ssyncadd.s32 $0xFFFFC000  }
0x5f: {  	[spmem:s10] =	stream.linear.scatter [tilespmem:s25], [sflag:$0x3], $0x4000, $0x38;
	[tilespmem:$0x1D680] =	vst v63  }
0x60: {  	_ =	swait.ge [sflag:s24], $0x4000  }
0x61: {  	[sflag:s24] =	ssyncset.done $0x0  }
0x62: {  	[sflag:s24] =	ssyncadd.s32 $0xFFFFC000  }
0x63: {  	[spmem:s11] =	stream.linear.scatter [tilespmem:s25], [sflag:$0x3], $0x4000, $0x38;
	[tilespmem:$0x1D680] =	vst v63  }
0x64: {  	_ =	swait.ge [sflag:s24], $0x4000  }
0x65: {  	[sflag:s24] =	ssyncset.done $0x0  }
0x66: {  	[sflag:s24] =	ssyncadd.s32 $0xFFFFC000  }
0x67: {  	[spmem:s12] =	stream.linear.scatter [tilespmem:s25], [sflag:$0x3], $0x4000, $0x38;
	[tilespmem:$0x1D680] =	vst v63  }
0x68: {  	_ =	swait.ge [sflag:s24], $0x4000  }
0x69: {  	[sflag:s24] =	ssyncset.done $0x0  }
0x6a: {  	[sflag:s24] =	ssyncadd.s32 $0xFFFFC000  }
0x6b: {  	[spmem:s13] =	stream.linear.scatter [tilespmem:s25], [sflag:$0x3], $0x4000, $0x38;
	[tilespmem:$0x1D680] =	vst v63  }
0x6c: {  	_ =	swait.ge [sflag:s24], $0x4000  }
0x6d: {  	[sflag:s24] =	ssyncset.done $0x0  }
0x6e: {  	s14 =	simm.s32 $0x0;
	s15 =	rddreg [dreg:$0x5];
	[sflag:s24] =	ssyncadd.s32 $0xFFFFC000  }
0x6f: {  	[tilespmem:s14], [sflag:$0x3] =	stream.linear.gather [hbm4b:s15+s14], $0x2800, $0x38;
	[tilespmem:$0x1D680] =	vst v63  }
0x70: {  	_ =	swait.ge [sflag:s24], $0x2800  }
0x71: {  	[sflag:s24] =	ssyncset.done $0x0  }
0x72: {  	s16 =	simm.s32 $0x2800;
	s20 =	rddreg [dreg:$0x6];
	[sflag:s24] =	ssyncadd.s32 $0xFFFFD800  }
0x73: {  	[tilespmem:s16], [sflag:$0x3] =	stream.linear.gather [hbm4b:s20+s14], $0x2800, $0x38;
	[tilespmem:$0x1D680] =	vst v63  }
0x74: {  	_ =	swait.ge [sflag:s24], $0x2800  }
0x75: {  	[sflag:s24] =	ssyncset.done $0x0  }
0x76: {  	[sflag:s24] =	ssyncadd.s32 $0xFFFFD800  }
0x77: {  	s15 =	simm.s32 $0x0;
	[bflag:$0x0] =	sbarrier.arrive $0xFFFF  }
.LBB2_4:
0x78: {  	s16 =	sshll.u32 s15, $0x7  }
0x79: {  	[tilespmem:s25], [sflag:$0x2] =	stream.indirect.gather [hbm4b:s5+s28], $0x80, s16, s28, $0xb8;
	[tilespmem:$0x1D680] =	vst v63  }
0x7a: {  	_ = 	snop  }
0x7b: {  	[tilespmem:s29], [sflag:$0x1] =	stream.indirect.gather [hbm4b:s6+s28], $0x1, s16, s28, $0xb8;
	[tilespmem:$0x1D680] =	vst v63  }
0x7c: {  	_ =	swait.ge [sflag:s30], $0x80  }
0x7d: {  	[sflag:s30] =	ssyncset.done $0x0  }
0x7e: {  	s16 =	sadd.s32 $0x2800, s16;
	[sflag:s30] =	ssyncadd.s32 $0xFFFFFF80  }
0x7f: {  	[tilespmem:s31], [sflag:$0x1] =	stream.indirect.gather [hbm4b:s7+s28], $0x1, s16, s28, $0xb8;
	[tilespmem:$0x1D680] =	vst v63  }
0x80: {  	_ =	swait.ge [sflag:s30], $0x80  }
0x81: {  	[sflag:s30] =	ssyncset.done $0x0  }
0x82: {  	[sflag:s30] =	ssyncadd.s32 $0xFFFFFF80  }
0x83: {  	v1 =	vld [tilespmem:$0x5000]  }
0x84: {  	v2 =	vld [tilespmem:$0x5080]  }
0x85: {  	v3 =	vld [tilespmem:$0x5010]  }
0x86: {  	v4 =	vld [tilespmem:$0x5090]  }
0x87: {  	v5 =	vld [tilespmem:$0x5020]  }
0x88: {  	v6 =	vld [tilespmem:$0x50A0]  }
0x89: {  	v7 =	vld [tilespmem:$0x50B0];
	v1 =	vadd.f32 v2, v1  }
0x8a: {  	v2 =	vld [tilespmem:$0x5030]  }
0x8b: {  	v8 =	vmul.f32 $2.000000030e-01, v1  }
0x8c: {  	v9 =	vld [tilespmem:$0x5040];
	vm0 =	vge.f32 v1, $0.0e+00  }
0x8d: {  	v10 =	vld [tilespmem:$0x50C0];
	v3 =	vadd.f32 v4, v3;
	v1 =	vsel vm0, v1, v8  }
0x8e: {  	v4 =	vld [tilespmem:$0x5050];
	v1 =	vmul.f32 $1.442695020e+00, v1  }
0x8f: {  	v5 =	vadd.f32 v6, v5;
	v6 =	vld [tilespmem:$0x50D0];
	v8 =	vmul.f32 $2.000000030e-01, v3;
	v2 =	vadd.f32 v7, v2  }
0x90: {  	v11 =	vld [tilespmem:$0x50E0];
	vm9 =	vge.f32 v3, $0.0e+00;
	(erf) = vpow2.f32 v1  }
0x91: {  	v12 =	vld [tilespmem:$0x5070];
	v3 =	vsel vm9, v3, v8;
	v1 =	vmul.f32 $2.000000030e-01, v5;
	v8 =	vmul.f32 $2.000000030e-01, v2  }
0x92: {  	vm10 =	vge.f32 v5, $0.0e+00;
	v7 =	vld [tilespmem:$0x5060];
	v3 =	vmul.f32 $1.442695020e+00, v3;
	vm11 =	vge.f32 v2, $0.0e+00  }
0x93: {  	v1 =	vsel vm10, v5, v1;
	v5 =	vld [tilespmem:$0x50F0];
	v2 =	vsel vm11, v2, v8  }
0x94: {  	(erf) = vpow2.f32 v3;
	v3 =	vadd.f32 v6, v4;
	v1 =	vmul.f32 $1.442695020e+00, v1  }
0x95: {  	v8 =	vadd.f32 v10, v9;
	v2 =	vmul.f32 $1.442695020e+00, v2  }
0x96: {  	v4 =	vmul.f32 $2.000000030e-01, v3;
	(erf) = vpow2.f32 v1  }
0x97: {  	v1 =	vmul.f32 $2.000000030e-01, v8;
	(erf) = vpow2.f32 v2;
	v2 =	vadd.f32 v11, v7  }
0x98: {  	vm12 =	vge.f32 v8, $0.0e+00;
	vm13 =	vge.f32 v3, $0.0e+00;
	v5 =	vadd.f32 v5, v12  }
0x99: {  	v3 =	vsel vm13, v3, v4;
	v1 =	vsel vm12, v8, v1;
	v6 =	vmul.f32 $2.000000030e-01, v2  }
0x9a: {  	v1 =	vmul.f32 $1.442695020e+00, v1;
	vm14 =	vge.f32 v2, $0.0e+00;
	v4 =	vmul.f32 $2.000000030e-01, v5  }
0x9b: {  	v3 =	vmul.f32 $1.442695020e+00, v3;
	vm15 =	vge.f32 v5, $0.0e+00;
	v2 =	vsel vm14, v2, v6  }
0x9c: {  	(erf) = vpow2.f32 v1;
	v1 =	vmul.f32 $1.442695020e+00, v2;
	v2 =	vsel vm15, v5, v4  }
0x9d: {  	(erf) = vpow2.f32 v3;
	v2 =	vmul.f32 $1.442695020e+00, v2  }
0x9e: {  	(erf) = vpow2.f32 v1  }
0x9f: {  	(erf) = vpow2.f32 v2;
	_ =	sdelay $0x1  }
0xa0: {  	v1 =	vpop (erf)  }
0xa1: {  	v2 =	vpop (erf);
	[tilespmem:$0x5100] =	vst v1  }
0xa2: {  	v1 =	vpop (erf);
	[tilespmem:$0x5110] =	vst v2  }
0xa3: {  	v2 =	vpop (erf);
	[tilespmem:$0x5120] =	vst v1  }
0xa4: {  	v1 =	vpop (erf);
	[tilespmem:$0x5130] =	vst v2  }
0xa5: {  	v2 =	vpop (erf);
	[tilespmem:$0x5140] =	vst v1  }
0xa6: {  	[tilespmem:$0x5150] =	vst v2;
	v1 =	vpop (erf)  }
0xa7: {  	[tilespmem:$0x5160] =	vst v1;
	v1 =	vpop (erf)  }
0xa8: {  	[tilespmem:$0x5170] =	vst v1  }
0xa9: {  	[spmem:s2] =	stream.indirect.scatter.add.f32 [tilespmem:s0], [sflag:$0x3], $0x1, s16, s28, $0xb8;
	[tilespmem:$0x1D680] =	vst v63  }
0xaa: {  	_ =	swait.ge [sflag:s24], $0x80  }
0xab: {  	[sflag:s24] =	ssyncset.done $0x0  }
0xac: {  	[sflag:s24] =	ssyncadd.s32 $0xFFFFFF80  }
0xad: {  	_ =	swait.ge [sflag:s3], $0x4000  }
0xae: {  	v1 =	vmov s14;
	[sflag:s3] =	ssyncset.done $0x0  }
0xaf: {  	s17 =	simm.s32 $0x51C0;
	[sflag:s3] =	ssyncadd.s32 $0xFFFFC000  }
0xb0: {  	v5 =	vld [tilespmem:s17+$0x30]  }
0xb1: {  	v8 =	vld [tilespmem:s17+$0x10]  }
0xb2: {  	v6 =	vld [tilespmem:s17+$0xFFFFFFC0]  }
0xb3: {  	v2 =	vld.idx.msk [tilespmem:v1+s0+$0x0], $0xffff  }
0xb4: {  	v10 =	vld [tilespmem:s17+$0xFFFFFFE0]  }
0xb5: {  	v1 =	vld [tilespmem:s17+$0xFFFFFFF0]  }
0xb6: {  	v3 =	vld [tilespmem:s17+$0x20]  }
0xb7: {  	v4 =	vld [tilespmem:s17+$0xFFFFFFD0]  }
0xb8: {  	v9 =	vmul.f32 v5, v2;
	v5 =	vld [tilespmem:s17+$0x0]  }
0xb9: {  	v7 =	vmul.f32 v6, v2  }
0xba: {  	s18 =	simm.s32 $0x1;
	s19 =	simm.s32 $0x51C0;
	v6 =	vmul.f32 v10, v2;
	v8 =	vmul.f32 v8, v2  }
.LBB2_5:
0xbb: {  	p0 =	sne.s32 s18, $0x7F  }
0xbc: {  	v4 =	vmul.f32 v4, v2;
	v3 =	vmul.f32 v3, v2;
	[tilespmem:s17+$0x30] =	vst v9;
	s19 =	sadd.s32 $0x80, s19;
	s20 =	smov.u32 s18;
	s18 =	sadd.s32 $0x1, s18  }
0xbd: {  	[tilespmem:s17+$0xFFFFFFC0] =	vst v7;
	v7 =	vmul.f32 v1, v2;
	v2 =	vmul.f32 v5, v2  }
0xbe: {  	[tilespmem:s17+$0x10] =	vst v8  }
0xbf: {  	v5 =	vmov s20;
	[tilespmem:s17+$0xFFFFFFE0] =	vst v6  }
0xc0: {  	v1 =	vld [tilespmem:s19+$0xFFFFFFF0];
	[tilespmem:s17+$0xFFFFFFF0] =	vst v7  }
0xc1: {  	v6 =	vld [tilespmem:s19+$0x30];
	[tilespmem:s17+$0x0] =	vst v2  }
0xc2: {  	v8 =	vld [tilespmem:s19+$0x10];
	[tilespmem:s17+$0x20] =	vst v3  }
0xc3: {  	v7 =	vld [tilespmem:s19+$0xFFFFFFC0];
	[tilespmem:s17+$0xFFFFFFD0] =	vst v4;
	s17 =	smov.u32 s19  }
0xc4: {  	v2 =	vld.idx.msk [tilespmem:v5+s0+$0x0], $0xffff  }
0xc5: {  	v10 =	vld [tilespmem:s19+$0xFFFFFFE0]  }
0xc6: {  	v3 =	vld [tilespmem:s19+$0x20]  }
.Ltmp1:
0xc7: {  	v4 =	vld [tilespmem:s19+$0xFFFFFFD0];
	(pc) =	sbr.rel @p0 .LBB2_5-.Ltmp1, $3  }
0xc8: {  	v5 =	vld [tilespmem:s19+$0x0];
	_ =	sdelay $0x1  }
0xc9: {  	v7 =	vmul.f32 v7, v2;
	v9 =	vmul.f32 v6, v2  }
0xca: {  	v8 =	vmul.f32 v8, v2;
	v6 =	vmul.f32 v10, v2  }
0xcb: {  	[tilespmem:s17+$0x30] =	vst v9  }
0xcc: {  	[tilespmem:s17+$0xFFFFFFC0] =	vst v7  }
0xcd: {  	v1 =	vmul.f32 v1, v2;
	[tilespmem:s17+$0x10] =	vst v8  }
0xce: {  	v3 =	vmul.f32 v3, v2;
	[tilespmem:s17+$0xFFFFFFE0] =	vst v6  }
0xcf: {  	v5 =	vmul.f32 v5, v2;
	[tilespmem:s17+$0xFFFFFFF0] =	vst v1  }
0xd0: {  	s15 =	sadd.s32 $0x1, s15;
	v1 =	vmul.f32 v4, v2;
	[tilespmem:s17+$0x20] =	vst v3  }
0xd1: {  	p0 =	sne.s32 s15, $0x50;
	[tilespmem:s17+$0x0] =	vst v5  }
.Ltmp2:
0xd2: {  	[tilespmem:s17+$0xFFFFFFD0] =	vst v1;
	(pc) =	sbr.rel @p0 .LBB2_4-.Ltmp2, $4  }
0xd3: {  	[spmem:s1] =	stream.indirect.scatter.add.f32 [tilespmem:s25], [sflag:$0x3], $0x80, s16, s28, $0xb8;
	[tilespmem:$0x1D680] =	vst v63  }
0xd4: {  	_ =	swait.ge [sflag:s24], $0x4000  }
0xd5: {  	[sflag:s24] =	ssyncset.done $0x0  }
0xd6: {  	[sflag:s24] =	ssyncadd.s32 $0xFFFFC000  }
0xd7: {  	[bflag:$0x0] =	sbarrier.arrive $0xFFFF  }
0xd8: {  	[tilespmem:s25], [sflag:$0x3] =	stream.linear.gather [spmem:s9], $0x4000, $0x38;
	[tilespmem:$0x1D680] =	vst v63  }
0xd9: {  	_ =	swait.ge [sflag:s24], $0x4000  }
0xda: {  	[sflag:s24] =	ssyncset.done $0x0  }
0xdb: {  	s14 =	rddreg [dreg:$0x7];
	[sflag:s24] =	ssyncadd.s32 $0xFFFFC000  }
0xdc: {  	[hbm4b:s14+s4] =	stream.linear.scatter [tilespmem:s25], [sflag:$0x3], $0x4000, $0x38;
	[tilespmem:$0x1D680] =	vst v63  }
0xdd: {  	_ =	swait.ge [sflag:s24], $0x4000  }
0xde: {  	[sflag:s24] =	ssyncset.done $0x0  }
0xdf: {  	[sflag:s24] =	ssyncadd.s32 $0xFFFFC000  }
0xe0: {  	[tilespmem:s25], [sflag:$0x3] =	stream.linear.gather [spmem:s10], $0x4000, $0x38;
	[tilespmem:$0x1D680] =	vst v63  }
0xe1: {  	_ =	swait.ge [sflag:s24], $0x4000  }
0xe2: {  	[sflag:s24] =	ssyncset.done $0x0  }
0xe3: {  	s16 =	rddreg [dreg:$0x8];
	[sflag:s24] =	ssyncadd.s32 $0xFFFFC000  }
0xe4: {  	[hbm4b:s16+s4] =	stream.linear.scatter [tilespmem:s25], [sflag:$0x3], $0x4000, $0x38;
	[tilespmem:$0x1D680] =	vst v63  }
0xe5: {  	_ =	swait.ge [sflag:s24], $0x4000  }
0xe6: {  	[sflag:s24] =	ssyncset.done $0x0  }
0xe7: {  	[sflag:s24] =	ssyncadd.s32 $0xFFFFC000  }
0xe8: {  	[tilespmem:s25], [sflag:$0x3] =	stream.linear.gather [spmem:s11], $0x4000, $0x38;
	[tilespmem:$0x1D680] =	vst v63  }
0xe9: {  	_ =	swait.ge [sflag:s24], $0x4000  }
0xea: {  	[sflag:s24] =	ssyncset.done $0x0  }
0xeb: {  	s17 =	rddreg [dreg:$0x9];
	[sflag:s24] =	ssyncadd.s32 $0xFFFFC000  }
0xec: {  	[hbm4b:s17+s4] =	stream.linear.scatter [tilespmem:s25], [sflag:$0x3], $0x4000, $0x38;
	[tilespmem:$0x1D680] =	vst v63  }
0xed: {  	_ =	swait.ge [sflag:s24], $0x4000  }
0xee: {  	[sflag:s24] =	ssyncset.done $0x0  }
0xef: {  	[sflag:s24] =	ssyncadd.s32 $0xFFFFC000  }
0xf0: {  	[tilespmem:s25], [sflag:$0x3] =	stream.linear.gather [spmem:s12], $0x4000, $0x38;
	[tilespmem:$0x1D680] =	vst v63  }
0xf1: {  	_ =	swait.ge [sflag:s24], $0x4000  }
0xf2: {  	[sflag:s24] =	ssyncset.done $0x0  }
0xf3: {  	s18 =	rddreg [dreg:$0xa];
	[sflag:s24] =	ssyncadd.s32 $0xFFFFC000  }
0xf4: {  	[hbm4b:s18+s4] =	stream.linear.scatter [tilespmem:s25], [sflag:$0x3], $0x4000, $0x38;
	[tilespmem:$0x1D680] =	vst v63  }
0xf5: {  	_ =	swait.ge [sflag:s24], $0x4000  }
0xf6: {  	[sflag:s24] =	ssyncset.done $0x0  }
0xf7: {  	[sflag:s24] =	ssyncadd.s32 $0xFFFFC000  }
0xf8: {  	[tilespmem:s25], [sflag:$0x3] =	stream.linear.gather [spmem:s13], $0x4000, $0x38;
	[tilespmem:$0x1D680] =	vst v63  }
0xf9: {  	_ =	swait.ge [sflag:s24], $0x4000  }
0xfa: {  	[sflag:s24] =	ssyncset.done $0x0  }
0xfb: {  	s19 =	rddreg [dreg:$0xb];
	[sflag:s24] =	ssyncadd.s32 $0xFFFFC000  }
0xfc: {  	[hbm4b:s19+s4] =	stream.linear.scatter [tilespmem:s25], [sflag:$0x3], $0x4000, $0x38;
	[tilespmem:$0x1D680] =	vst v63  }
0xfd: {  	_ =	swait.ge [sflag:s24], $0x4000  }
0xfe: {  	[sflag:s24] =	ssyncset.done $0x0  }
0xff: {  	[sflag:s24] =	ssyncadd.s32 $0xFFFFC000  }
0x100: {  	[tilespmem:s23], [sflag:$0x3] =	stream.linear.gather [spmem:s8], $0x280, $0x38;
	[tilespmem:$0x1D680] =	vst v63  }
0x101: {  	s26 =	sadd.s32 $0x1, s26;
	_ =	swait.ge [sflag:s24], $0x280  }
0x102: {  	p0 =	sne.s32 s26, s22;
	[sflag:s24] =	ssyncset.done $0x0  }
.Ltmp3:
0x103: {  	s20 =	simm.s32 $0x100;
	[sflag:s24] =	ssyncadd.s32 $0xFFFFFD80;
	(pc) =	sbr.rel @p0 .LBB2_1-.Ltmp3, $4  }
0x104: {  	[hbm4b:s21+s28] =	stream.strided.scatter [tilespmem:s23], [sflag:$0x3], $0x280, s20, s28, $0x38;
	[tilespmem:$0x1D680] =	vst v63  }
0x105: {  	_ =	swait.ge [sflag:s24], $0x280  }
0x106: {  	[sflag:s24] =	ssyncset.done $0x0  }
0x107: {  	[sflag:s24] =	ssyncadd.s32 $0xFFFFFD80  }
0x108: {  	_ =	sfence.sel $0x180000  }
0x109: {  	[bflag:$0x0] =	sbarrier.arrive $0xFFFF  }
0x10a: {  	_ =	strace $0x90000047  }
0x10b: {  	s0 =	stileid.u32;
	[bflag:$0x2] =	sbarrier.arrive $0xFFFF  }
0x10c: {  	p0 =	sne.s32 s0, $0x0;
	s0 =	rddreg [dreg:$0x4]  }
0x10d: {  	s0 =	sadd.s32 @!p0 $0x100000, s0  }
0x10e: {  	[sflag:s0] =	ssyncadd.tile.s32 @!p0 $0x1;
	_ =	shalt  }
.Lfunc_end2:
_tile_overlayer_lowered:
.L_overlay_start_2:
0x10f: {  	(tag) =	ssettag $0x2  }
0x110: {  	s0 =	rddreg [dreg:$0x0];
	s2 =	stileid.u32  }
0x111: {  	s1 =	rddreg [dreg:$0x1];
	p0 =	sne.s32 s2, $0x0  }
0x112: {  	s3 =	rddreg [dreg:$0x2];
	[bflag:$0x3] =	sbarrier.arrive $0xFFFF;
	s2 =	simm.s32 @!p0 $0x1C03  }
0x113: {  	[timem:s3], [sflag:s2] =	dma.local @!p0 [hbm:s0], s1  }
0x114: {  	s0 =	simm.s32 @!p0 $0x3  }
0x115: {  	_ =	swait.ge @!p0 [sflag:s0], s1  }
0x116: {  	s1 =	ssub.s32 @!p0 $0x0, s1;
	[sflag:s0] =	ssyncset.done @!p0 $0x0  }
0x117: {  	[sflag:s0] =	ssyncadd.s32 @!p0 s1  }
0x118: {  	[bflag:$0x3] =	sbarrier.arrive $0xFFFF  }
0x119: {  	_ =	shalt  }

</sc_bundles>
